<compile_context>
chip_gen: v7x
topology: tpu7x:2x2x1
jax: 0.10.2.dev20260603
libtpu: 0.0.44.dev20260713+nightly
codegen_flags: <defaults>
</compile_context>

<pallas_src>
import functools

import jax
import jax.numpy as jnp
from jax import lax
from jax.experimental import pallas as pl
from jax.experimental.pallas import tpu as pltpu
from jax.experimental.pallas import tpu_sc as plsc

NC = 2
NS = 16
NW = NC * NS
LANES = 128
NUM_GRAPHS = 16
NBUF = 3
CH = 64
RW = 128
Q = RW // CH


def _make_deg_kernel(kch, ndeg):
  rps = ndeg // NS
  mesh = plsc.VectorSubcoreMesh(core_axis_name="c", subcore_axis_name="s")

  @functools.partial(
      pl.kernel,
      mesh=mesh,
      out_type=jax.ShapeDtypeStruct((NC * ndeg,), jnp.float32),
      scratch_types=[
          pltpu.VMEM((kch, RW), jnp.int32),
          pltpu.VMEM((RW,), jnp.float32),
          pltpu.VMEM_SHARED((ndeg,), jnp.float32),
      ],
  )
  def k(dst_hbm, zeros_hbm, out_hbm, dst_v, ones_v, hist_sh):
    cid = lax.axis_index("c")
    sid = lax.axis_index("s")
    wid = sid * NC + cid
    pltpu.sync_copy(dst_hbm.at[wid], dst_v)
    for j in range(RW // 16):
      ones_v[pl.ds(j * 16, 16)] = jnp.ones((16,), jnp.float32)
    pltpu.sync_copy(zeros_hbm.at[pl.ds(sid * rps, rps)],
                    hist_sh.at[pl.ds(sid * rps, rps)])
    plsc.subcore_barrier()

    def body(r, carry):
      pltpu.sync_copy(ones_v, hist_sh.at[dst_v.at[r]], add=True)
      return carry

    lax.fori_loop(0, kch, body, 0)
    plsc.subcore_barrier()
    pltpu.sync_copy(hist_sh.at[pl.ds(sid * rps, rps)],
                    out_hbm.at[pl.ds(cid * ndeg + sid * rps, rps)])

  return k


def _make_agg_kernel(kch, n_pad):
  assert kch >= 2
  rps = n_pad // NS
  mesh = plsc.VectorSubcoreMesh(core_axis_name="c", subcore_axis_name="s")

  @functools.partial(
      pl.kernel,
      mesh=mesh,
      out_type=jax.ShapeDtypeStruct((NC, n_pad, LANES), jnp.float32),
      scratch_types=[
          pltpu.VMEM((kch, RW), jnp.int32),
          pltpu.VMEM((kch, RW), jnp.int32),
          pltpu.VMEM((NBUF, CH, LANES), jnp.float32),
          pltpu.VMEM_SHARED((n_pad, LANES), jnp.float32),
      ] + [pltpu.SemaphoreType.DMA] * NBUF,
  )
  def k(table_hbm, src_hbm, dst_hbm, zeros_hbm, out_hbm, src_v, dst_v,
        rows_v, acc_sh, *sems):
    cid = lax.axis_index("c")
    sid = lax.axis_index("s")
    wid = sid * NC + cid
    pltpu.sync_copy(src_hbm.at[wid], src_v)
    pltpu.sync_copy(dst_hbm.at[wid], dst_v)

    @pl.when(cid == 0)
    def _():
      pltpu.sync_copy(table_hbm.at[pl.ds(sid * rps, rps)],
                      acc_sh.at[pl.ds(sid * rps, rps)])

    @pl.when(cid != 0)
    def _():
      pltpu.sync_copy(zeros_hbm.at[pl.ds(sid * rps, rps)],
                      acc_sh.at[pl.ds(sid * rps, rps)])

    plsc.subcore_barrier()

    kc = Q * kch

    for b in range(NBUF):
      r, p = b // Q, b % Q
      pltpu.async_copy(table_hbm.at[src_v.at[r, pl.ds(p * CH, CH)]],
                       rows_v.at[b], sems[b])

    def outer(o, carry):
      c0 = o * NBUF
      for b in range(NBUF):
        c = c0 + b
        r = c // Q
        sl = pl.ds((c - Q * r) * CH, CH)
        pltpu.make_async_copy(table_hbm.at[src_v.at[r, sl]],
                              rows_v.at[b], sems[b]).wait()
        pltpu.sync_copy(rows_v.at[b], acc_sh.at[dst_v.at[r, sl]], add=True)
        cn = c + NBUF
        rn = cn // Q
        sln = pl.ds((cn - Q * rn) * CH, CH)
        pltpu.async_copy(table_hbm.at[src_v.at[rn, sln]], rows_v.at[b],
                         sems[b])
      return carry

    lax.fori_loop(0, kc // NBUF - 1, outer, 0)
    for b in range(NBUF):
      c = kc - NBUF + b
      r, p = c // Q, c % Q
      sl = pl.ds(p * CH, CH)
      pltpu.make_async_copy(table_hbm.at[src_v.at[r, sl]], rows_v.at[b],
                            sems[b]).wait()
      pltpu.sync_copy(rows_v.at[b], acc_sh.at[dst_v.at[r, sl]], add=True)
    plsc.subcore_barrier()
    pltpu.sync_copy(acc_sh.at[pl.ds(sid * rps, rps)],
                    out_hbm.at[cid, pl.ds(sid * rps, rps)])

  return k


def _mm(xp, w, bm=1024):
  m, kdim = xp.shape
  h = w.shape[1]

  def body(x_ref, w_ref, o_ref):
    o_ref[...] = jnp.dot(x_ref[...], w_ref[...],
                         preferred_element_type=jnp.float32)

  return pl.pallas_call(
      body,
      grid=(m // bm,),
      in_specs=[
          pl.BlockSpec((bm, kdim), lambda i: (i, 0)),
          pl.BlockSpec((kdim, h), lambda i: (0, 0)),
      ],
      out_specs=pl.BlockSpec((bm, h), lambda i: (i, 0)),
      out_shape=jax.ShapeDtypeStruct((m, h), jnp.float32),
  )(xp, w)


def _dinv(deg_parts):
  def body(d_ref, o_ref):
    o_ref[...] = lax.rsqrt(jnp.sum(d_ref[...], axis=0) + 1.0)

  return pl.pallas_call(
      body,
      out_shape=jax.ShapeDtypeStruct(deg_parts.shape[1:], jnp.float32),
  )(deg_parts)


def _scale(xw, dinv_col, bm=1024):
  m, h = xw.shape

  def body(xw_ref, dv_ref, o_ref):
    o_ref[...] = xw_ref[...] * dv_ref[...]

  return pl.pallas_call(
      body,
      grid=(m // bm,),
      in_specs=[
          pl.BlockSpec((bm, h), lambda i: (i, 0)),
          pl.BlockSpec((bm, 1), lambda i: (i, 0)),
      ],
      out_specs=pl.BlockSpec((bm, h), lambda i: (i, 0)),
      out_shape=jax.ShapeDtypeStruct((m, h), jnp.float32),
  )(xw, dinv_col)


def _combine_mm(agg, dinv_col, b_row, w2, bm=1024):
  m, h = agg.shape[1:]

  def body(p0_ref, p1_ref, dv_ref, b_ref, w_ref, o_ref):
    dinv = dv_ref[...]
    hcomb = dinv * (p0_ref[0] + p1_ref[0]) + b_ref[...]
    hcomb = jnp.maximum(hcomb, 0.0)
    o_ref[...] = jnp.dot(hcomb, w_ref[...],
                         preferred_element_type=jnp.float32) * dinv

  return pl.pallas_call(
      body,
      grid=(m // bm,),
      in_specs=[
          pl.BlockSpec((1, bm, h), lambda i: (0, i, 0)),
          pl.BlockSpec((1, bm, h), lambda i: (1, i, 0)),
          pl.BlockSpec((bm, 1), lambda i: (i, 0)),
          pl.BlockSpec((1, h), lambda i: (0, 0)),
          pl.BlockSpec((h, h), lambda i: (0, 0)),
      ],
      out_specs=pl.BlockSpec((bm, h), lambda i: (i, 0)),
      out_shape=jax.ShapeDtypeStruct((m, h), jnp.float32),
  )(agg, agg, dinv_col, b_row, w2)


def _final(agg, dinv_col, b_row, batch_col, wc, bc_row, bm=1024):
  m, h = agg.shape[1:]
  c = wc.shape[1]
  nb = m // bm

  def body(p0_ref, p1_ref, dv_ref, b_ref, bt_ref, wc_ref, bc_ref,
           o_ref, sums, counts):
    i = pl.program_id(0)

    @pl.when(i == 0)
    def _():
      sums[...] = jnp.zeros_like(sums)
      counts[...] = jnp.zeros_like(counts)

    h2 = dv_ref[...] * (p0_ref[0] + p1_ref[0]) + b_ref[...]
    oh = (bt_ref[...] == lax.broadcasted_iota(jnp.int32, (bm, NUM_GRAPHS), 1)
          ).astype(jnp.float32)
    sums[...] += lax.dot_general(oh, h2, (((0,), (0,)), ((), ())),
                                 preferred_element_type=jnp.float32)
    counts[...] += lax.dot_general(oh, jnp.ones((bm, 1), jnp.float32),
                                   (((0,), (0,)), ((), ())),
                                   preferred_element_type=jnp.float32)

    @pl.when(i == nb - 1)
    def _():
      o_ref[...] = (jnp.dot(sums[...], wc_ref[...],
                            preferred_element_type=jnp.float32)
                    / jnp.maximum(counts[...], 1.0)) + bc_ref[...]

  return pl.pallas_call(
      body,
      grid=(nb,),
      in_specs=[
          pl.BlockSpec((1, bm, h), lambda i: (0, i, 0)),
          pl.BlockSpec((1, bm, h), lambda i: (1, i, 0)),
          pl.BlockSpec((bm, 1), lambda i: (i, 0)),
          pl.BlockSpec((1, h), lambda i: (0, 0)),
          pl.BlockSpec((bm, 1), lambda i: (i, 0)),
          pl.BlockSpec((h, c), lambda i: (0, 0)),
          pl.BlockSpec((1, c), lambda i: (0, 0)),
      ],
      out_specs=pl.BlockSpec((NUM_GRAPHS, c), lambda i: (0, 0)),
      out_shape=jax.ShapeDtypeStruct((NUM_GRAPHS, c), jnp.float32),
      scratch_shapes=[
          pltpu.VMEM((NUM_GRAPHS, h), jnp.float32),
          pltpu.VMEM((NUM_GRAPHS, 1), jnp.float32),
      ],
  )(agg, agg, dinv_col, b_row, batch_col, wc, bc_row)


def kernel(x, edge_index, batch, W1, b1, W2, b2, Wc, bc):
  n, d = x.shape
  e = edge_index.shape[1]

  n_pad = -(-n // (NS * LANES)) * (NS * LANES)
  kch = -(-e // (NW * RW))
  while (Q * kch) % NBUF:
    kch += 1
  e_pad = NW * kch * RW

  xp = jnp.pad(x, ((0, n_pad - n), (0, 0)))
  pad_ids = n + (jnp.arange(e_pad - e, dtype=jnp.int32) % (n_pad - n))
  srcp = jnp.concatenate([edge_index[0], pad_ids]).reshape(NW, kch, RW)
  dstp = jnp.concatenate([edge_index[1], pad_ids]).reshape(NW, kch, RW)
  zeros = jnp.zeros((n_pad, LANES), jnp.float32)
  zeros_deg = jnp.zeros((n_pad,), jnp.float32)
  batch_col = jnp.pad(batch, (0, n_pad - n),
                      constant_values=NUM_GRAPHS).reshape(n_pad, 1)

  deg_flat = _make_deg_kernel(kch, n_pad)(dstp, zeros_deg)
  dinv_col = _dinv(deg_flat.reshape(NC, n_pad // LANES, LANES)).reshape(
      n_pad, 1)

  agg = _make_agg_kernel(kch, n_pad)

  xw = _mm(xp, W1)
  h1p = _scale(xw, dinv_col)
  agg1 = agg(h1p, srcp, dstp, zeros)
  h2p = _combine_mm(agg1, dinv_col, b1.reshape(1, -1), W2)
  agg2 = agg(h2p, srcp, dstp, zeros)
  return _final(agg2, dinv_col, b2.reshape(1, -1), batch_col, Wc,
                bc.reshape(1, -1))

# --- scband reference (transcript-rebuilt; emitter-appended) ---
"""Pipeline reference for scband-basic-gnnclassifier-6571299963161 (READ-ONLY COPY).

The authoritative reference and input builder live on the scoring server;
editing this copy changes nothing except your own understanding.
"""

import jax, jax.numpy as jnp
import numpy as np

N = 10000
E = 320000
D = 128
H = 128
C = 10
G = 16


def gcn_conv(x, src, dst, W, b, num_nodes):
    # PyG GCNConv: add self-loops, symmetric normalization, linear transform, sum-aggregate
    loop = jnp.arange(num_nodes, dtype=src.dtype)
    s = jnp.concatenate([src, loop])
    d = jnp.concatenate([dst, loop])
    deg = jnp.zeros((num_nodes,), dtype=x.dtype).at[d].add(1.0)
    dinv = jnp.where(deg > 0, jax.lax.rsqrt(deg), 0.0)
    norm = dinv[s] * dinv[d]
    h = x @ W
    msg = h[s] * norm[:, None]
    out = jnp.zeros((num_nodes, h.shape[1]), dtype=x.dtype).at[d].add(msg)
    return out + b


def global_mean_pool(x, batch, num_graphs):
    sums = jax.ops.segment_sum(x, batch, num_segments=num_graphs)
    counts = jax.ops.segment_sum(jnp.ones((x.shape[0],), dtype=x.dtype), batch, num_segments=num_graphs)
    return sums / jnp.clip(counts, 1.0)[:, None]


def setup_inputs(seed: int = 0):
    key = jax.random.key(seed)
    ks = jax.random.split(key, 10)
    x = jax.random.normal(ks[0], (N, D), dtype=jnp.float32)
    edge_index = jax.random.randint(ks[1], (2, E), 0, N, dtype=jnp.int32)
    batch = jnp.sort(jax.random.randint(ks[2], (N,), 0, G, dtype=jnp.int32))
    W1 = jax.random.normal(ks[3], (D, H), dtype=jnp.float32) * (1.0 / np.sqrt(D))
    b1 = jnp.zeros((H,), dtype=jnp.float32)
    W2 = jax.random.normal(ks[4], (H, H), dtype=jnp.float32) * (1.0 / np.sqrt(H))
    b2 = jnp.zeros((H,), dtype=jnp.float32)
    Wc = jax.random.normal(ks[5], (H, C), dtype=jnp.float32) * (1.0 / np.sqrt(H))
    bc = jnp.zeros((C,), dtype=jnp.float32)
    return {"x": x, "edge_index": edge_index, "batch": batch, "W1": W1, "b1": b1, "W2": W2, "b2": b2, "Wc": Wc, "bc": bc}


def reference(x, edge_index, batch, W1, b1, W2, b2, Wc, bc):
    num_nodes = x.shape[0]
    src, dst = edge_index[0], edge_index[1]
    h = gcn_conv(x, src, dst, W1, b1, num_nodes)
    h = jax.nn.relu(h)
    # dropout is identity in eval mode
    h = gcn_conv(h, src, dst, W2, b2, num_nodes)
    pooled = global_mean_pool(h, batch, G)
    return pooled @ Wc + bc

if __name__ == "__main__":
    import jax
    _d = setup_inputs()
    print(jax.jit(kernel)(*tuple(_d.values())))

</pallas_src>

<mosaic_0001>
#map = affine_map<(d0, d1) -> (0, 0)>
#map1 = affine_map<(d0, d1) -> (0, 0, 0)>
module attributes {stable_mosaic.version = 14 : i64} {
  func.func @k(%arg0: i32, %arg1: i32, %arg2: memref<10240x128xf32, #tpu.memory_space<hbm>>, %arg3: memref<32x81x128xi32, #tpu.memory_space<hbm>>, %arg4: memref<32x81x128xi32, #tpu.memory_space<hbm>>, %arg5: memref<10240x128xf32, #tpu.memory_space<hbm>>, %arg6: memref<2x10240x128xf32, #tpu.memory_space<hbm>>, %arg7: memref<81x128xi32, #tpu.memory_space<vmem>>, %arg8: memref<81x128xi32, #tpu.memory_space<vmem>>, %arg9: memref<3x64x128xf32, #tpu.memory_space<vmem>>, %arg10: memref<10240x128xf32, #tpu.memory_space<vmem_shared>>, %arg11: memref<!tpu.dma_semaphore, #tpu.memory_space<semaphore_mem>>, %arg12: memref<!tpu.dma_semaphore, #tpu.memory_space<semaphore_mem>>, %arg13: memref<!tpu.dma_semaphore, #tpu.memory_space<semaphore_mem>>) attributes {dimension_semantics = [#tpu.dimension_semantics<core_parallel>, #tpu.dimension_semantics<subcore_parallel>], iteration_bounds = array<i64: 2, 16>, scalar_prefetch = 0 : i64, scratch_operands = 7 : i64, tpu.core_type = #tpu.core_type<sc_vector_subcore>, window_params = [{transform_indices = #map}, {transform_indices = #map1}, {transform_indices = #map1}, {transform_indices = #map}, {transform_indices = #map1}]} {
    %mul3A = arith.constant 2 : i32
    %mul3A_0 = arith.muli %arg1, %mul3A : i32
    %add3A = arith.addi %mul3A_0, %arg0 : i32
    "tpu.region"() ({
      %run_scoped3A_92 = tpu.sem_alloc : memref<!tpu.dma_semaphore, #tpu.memory_space<semaphore_mem>>
      %dma_start3A_93 = arith.constant 0 : i32
      %dma_start3A_94 = arith.constant 0 : i32
      %dma_start3A_95 = tpu.memref_slice %arg3[%add3A, %dma_start3A_93, %dma_start3A_94] : memref<32x81x128xi32, #tpu.memory_space<hbm>> -> memref<1x81x128xi32, #tpu.memory_space<hbm>>
      %dma_start3A_96 = tpu.memref_squeeze %dma_start3A_95 : memref<1x81x128xi32, #tpu.memory_space<hbm>> -> memref<81x128xi32, #tpu.memory_space<hbm>>
      %dma_start3A_97 = arith.constant 0 : i32
      %dma_start3A_98 = arith.constant 0 : i32
      %dma_start3A_99 = tpu.memref_slice %arg3[%add3A, %dma_start3A_97, %dma_start3A_98] : memref<32x81x128xi32, #tpu.memory_space<hbm>> -> memref<1x81x128xi32, #tpu.memory_space<hbm>>
      %dma_start3A_100 = tpu.memref_squeeze %dma_start3A_99 : memref<1x81x128xi32, #tpu.memory_space<hbm>> -> memref<81x128xi32, #tpu.memory_space<hbm>>
      tpu.enqueue_dma source(%dma_start3A_100 : memref<81x128xi32, #tpu.memory_space<hbm>>) target(%arg7 : memref<81x128xi32, #tpu.memory_space<vmem>>) target_semaphore(%run_scoped3A_92 : memref<!tpu.dma_semaphore, #tpu.memory_space<semaphore_mem>>)
      %dma_wait3A_101 = arith.constant 0 : i32
      %dma_wait3A_102 = arith.constant 0 : i32
      %dma_wait3A_103 = tpu.memref_slice %arg3[%add3A, %dma_wait3A_101, %dma_wait3A_102] : memref<32x81x128xi32, #tpu.memory_space<hbm>> -> memref<1x81x128xi32, #tpu.memory_space<hbm>>
      %dma_wait3A_104 = tpu.memref_squeeze %dma_wait3A_103 : memref<1x81x128xi32, #tpu.memory_space<hbm>> -> memref<81x128xi32, #tpu.memory_space<hbm>>
      %dma_wait3A_105 = arith.constant 0 : i32
      %dma_wait3A_106 = arith.constant 0 : i32
      %dma_wait3A_107 = tpu.memref_slice %arg3[%add3A, %dma_wait3A_105, %dma_wait3A_106] : memref<32x81x128xi32, #tpu.memory_space<hbm>> -> memref<1x81x128xi32, #tpu.memory_space<hbm>>
      %dma_wait3A_108 = tpu.memref_squeeze %dma_wait3A_107 : memref<1x81x128xi32, #tpu.memory_space<hbm>> -> memref<81x128xi32, #tpu.memory_space<hbm>>
      tpu.wait_dma2 semaphore(%run_scoped3A_92 : memref<!tpu.dma_semaphore, #tpu.memory_space<semaphore_mem>>) src(%dma_wait3A_108 : memref<81x128xi32, #tpu.memory_space<hbm>>) dst(%arg7 : memref<81x128xi32, #tpu.memory_space<vmem>>)
      tpu.yield
    }) : () -> ()
    "tpu.region"() ({
      %run_scoped3A_92 = tpu.sem_alloc : memref<!tpu.dma_semaphore, #tpu.memory_space<semaphore_mem>>
      %dma_start3A_93 = arith.constant 0 : i32
      %dma_start3A_94 = arith.constant 0 : i32
      %dma_start3A_95 = tpu.memref_slice %arg4[%add3A, %dma_start3A_93, %dma_start3A_94] : memref<32x81x128xi32, #tpu.memory_space<hbm>> -> memref<1x81x128xi32, #tpu.memory_space<hbm>>
      %dma_start3A_96 = tpu.memref_squeeze %dma_start3A_95 : memref<1x81x128xi32, #tpu.memory_space<hbm>> -> memref<81x128xi32, #tpu.memory_space<hbm>>
      %dma_start3A_97 = arith.constant 0 : i32
      %dma_start3A_98 = arith.constant 0 : i32
      %dma_start3A_99 = tpu.memref_slice %arg4[%add3A, %dma_start3A_97, %dma_start3A_98] : memref<32x81x128xi32, #tpu.memory_space<hbm>> -> memref<1x81x128xi32, #tpu.memory_space<hbm>>
      %dma_start3A_100 = tpu.memref_squeeze %dma_start3A_99 : memref<1x81x128xi32, #tpu.memory_space<hbm>> -> memref<81x128xi32, #tpu.memory_space<hbm>>
      tpu.enqueue_dma source(%dma_start3A_100 : memref<81x128xi32, #tpu.memory_space<hbm>>) target(%arg8 : memref<81x128xi32, #tpu.memory_space<vmem>>) target_semaphore(%run_scoped3A_92 : memref<!tpu.dma_semaphore, #tpu.memory_space<semaphore_mem>>)
      %dma_wait3A_101 = arith.constant 0 : i32
      %dma_wait3A_102 = arith.constant 0 : i32
      %dma_wait3A_103 = tpu.memref_slice %arg4[%add3A, %dma_wait3A_101, %dma_wait3A_102] : memref<32x81x128xi32, #tpu.memory_space<hbm>> -> memref<1x81x128xi32, #tpu.memory_space<hbm>>
      %dma_wait3A_104 = tpu.memref_squeeze %dma_wait3A_103 : memref<1x81x128xi32, #tpu.memory_space<hbm>> -> memref<81x128xi32, #tpu.memory_space<hbm>>
      %dma_wait3A_105 = arith.constant 0 : i32
      %dma_wait3A_106 = arith.constant 0 : i32
      %dma_wait3A_107 = tpu.memref_slice %arg4[%add3A, %dma_wait3A_105, %dma_wait3A_106] : memref<32x81x128xi32, #tpu.memory_space<hbm>> -> memref<1x81x128xi32, #tpu.memory_space<hbm>>
      %dma_wait3A_108 = tpu.memref_squeeze %dma_wait3A_107 : memref<1x81x128xi32, #tpu.memory_space<hbm>> -> memref<81x128xi32, #tpu.memory_space<hbm>>
      tpu.wait_dma2 semaphore(%run_scoped3A_92 : memref<!tpu.dma_semaphore, #tpu.memory_space<semaphore_mem>>) src(%dma_wait3A_108 : memref<81x128xi32, #tpu.memory_space<hbm>>) dst(%arg8 : memref<81x128xi32, #tpu.memory_space<vmem>>)
      tpu.yield
    }) : () -> ()
    %eq3A = arith.constant 0 : i32
    %eq3A_1 = arith.cmpi eq, %arg0, %eq3A : i32
    %convert_element_type3A = arith.extui %eq3A_1 : i1 to i32
    %cond3A = arith.constant 0 : i32
    %cond3A_2 = arith.cmpi ne, %convert_element_type3A, %cond3A : i32
    scf.if %cond3A_2 {
      %mul3A_92 = arith.constant 640 : i32
      %mul3A_93 = arith.muli %arg1, %mul3A_92 : i32
      %mul3A_94 = arith.constant 640 : i32
      %mul3A_95 = arith.muli %arg1, %mul3A_94 : i32
      "tpu.region"() ({
        %run_scoped3A_96 = tpu.sem_alloc : memref<!tpu.dma_semaphore, #tpu.memory_space<semaphore_mem>>
        %dma_start3A_97 = arith.constant 0 : i32
        %dma_start3A_98 = tpu.memref_slice %arg10[%mul3A_95, %dma_start3A_97] : memref<10240x128xf32, #tpu.memory_space<vmem_shared>> -> memref<640x128xf32, #tpu.memory_space<vmem_shared>>
        %dma_start3A_99 = arith.constant 0 : i32
        %dma_start3A_100 = tpu.memref_slice %arg2[%mul3A_93, %dma_start3A_99] : memref<10240x128xf32, #tpu.memory_space<hbm>> -> memref<640x128xf32, #tpu.memory_space<hbm>>
        tpu.enqueue_dma source(%dma_start3A_100 : memref<640x128xf32, #tpu.memory_space<hbm>>) target(%dma_start3A_98 : memref<640x128xf32, #tpu.memory_space<vmem_shared>>) target_semaphore(%run_scoped3A_96 : memref<!tpu.dma_semaphore, #tpu.memory_space<semaphore_mem>>)
        %dma_wait3A_101 = arith.constant 0 : i32
        %dma_wait3A_102 = tpu.memref_slice %arg10[%mul3A_95, %dma_wait3A_101] : memref<10240x128xf32, #tpu.memory_space<vmem_shared>> -> memref<640x128xf32, #tpu.memory_space<vmem_shared>>
        %dma_wait3A_103 = arith.constant 0 : i32
        %dma_wait3A_104 = tpu.memref_slice %arg2[%mul3A_93, %dma_wait3A_103] : memref<10240x128xf32, #tpu.memory_space<hbm>> -> memref<640x128xf32, #tpu.memory_space<hbm>>
        tpu.wait_dma2 semaphore(%run_scoped3A_96 : memref<!tpu.dma_semaphore, #tpu.memory_space<semaphore_mem>>) src(%dma_wait3A_104 : memref<640x128xf32, #tpu.memory_space<hbm>>) dst(%dma_wait3A_102 : memref<640x128xf32, #tpu.memory_space<vmem_shared>>)
        tpu.yield
      }) : () -> ()
    } else {
    }
    %ne3A = arith.constant 0 : i32
    %ne3A_3 = arith.cmpi ne, %arg0, %ne3A : i32
    %convert_element_type3A_4 = arith.extui %ne3A_3 : i1 to i32
    %cond3A_5 = arith.constant 0 : i32
    %cond3A_6 = arith.cmpi ne, %convert_element_type3A_4, %cond3A_5 : i32
    scf.if %cond3A_6 {
      %mul3A_92 = arith.constant 640 : i32
      %mul3A_93 = arith.muli %arg1, %mul3A_92 : i32
      %mul3A_94 = arith.constant 640 : i32
      %mul3A_95 = arith.muli %arg1, %mul3A_94 : i32
      "tpu.region"() ({
        %run_scoped3A_96 = tpu.sem_alloc : memref<!tpu.dma_semaphore, #tpu.memory_space<semaphore_mem>>
        %dma_start3A_97 = arith.constant 0 : i32
        %dma_start3A_98 = tpu.memref_slice %arg10[%mul3A_95, %dma_start3A_97] : memref<10240x128xf32, #tpu.memory_space<vmem_shared>> -> memref<640x128xf32, #tpu.memory_space<vmem_shared>>
        %dma_start3A_99 = arith.constant 0 : i32
        %dma_start3A_100 = tpu.memref_slice %arg5[%mul3A_93, %dma_start3A_99] : memref<10240x128xf32, #tpu.memory_space<hbm>> -> memref<640x128xf32, #tpu.memory_space<hbm>>
        tpu.enqueue_dma source(%dma_start3A_100 : memref<640x128xf32, #tpu.memory_space<hbm>>) target(%dma_start3A_98 : memref<640x128xf32, #tpu.memory_space<vmem_shared>>) target_semaphore(%run_scoped3A_96 : memref<!tpu.dma_semaphore, #tpu.memory_space<semaphore_mem>>)
        %dma_wait3A_101 = arith.constant 0 : i32
        %dma_wait3A_102 = tpu.memref_slice %arg10[%mul3A_95, %dma_wait3A_101] : memref<10240x128xf32, #tpu.memory_space<vmem_shared>> -> memref<640x128xf32, #tpu.memory_space<vmem_shared>>
        %dma_wait3A_103 = arith.constant 0 : i32
        %dma_wait3A_104 = tpu.memref_slice %arg5[%mul3A_93, %dma_wait3A_103] : memref<10240x128xf32, #tpu.memory_space<hbm>> -> memref<640x128xf32, #tpu.memory_space<hbm>>
        tpu.wait_dma2 semaphore(%run_scoped3A_96 : memref<!tpu.dma_semaphore, #tpu.memory_space<semaphore_mem>>) src(%dma_wait3A_104 : memref<640x128xf32, #tpu.memory_space<hbm>>) dst(%dma_wait3A_102 : memref<640x128xf32, #tpu.memory_space<vmem_shared>>)
        tpu.yield
      }) : () -> ()
    } else {
    }
    %barrier3A = arith.constant 0 : index
    tpu.barrier barrier_id(%barrier3A)
    %dma_start3A = arith.constant 0 : i32
    %dma_start3A_7 = arith.constant 0 : i32
    %dma_start3A_8 = arith.constant 0 : i32
    %dma_start3A_9 = arith.constant 0 : i32
    %dma_start3A_10 = tpu.memref_slice %arg9[%dma_start3A_7, %dma_start3A_8, %dma_start3A_9] : memref<3x64x128xf32, #tpu.memory_space<vmem>> -> memref<1x64x128xf32, #tpu.memory_space<vmem>>
    %dma_start3A_11 = tpu.memref_squeeze %dma_start3A_10 : memref<1x64x128xf32, #tpu.memory_space<vmem>> -> memref<64x128xf32, #tpu.memory_space<vmem>>
    %dma_start3A_12 = arith.constant 0 : i32
    %dma_start3A_13 = tpu.memref_slice %arg7[%dma_start3A, %dma_start3A_12] : memref<81x128xi32, #tpu.memory_space<vmem>> -> memref<1x64xi32, #tpu.memory_space<vmem>>
    %dma_start3A_14 = tpu.memref_squeeze %dma_start3A_13 : memref<1x64xi32, #tpu.memory_space<vmem>> -> memref<64xi32, #tpu.memory_space<vmem>>
    %dma_start3A_15 = arith.constant 0 : i32
    %dma_start3A_16 = arith.constant 0 : i32
    %dma_start3A_17 = tpu.memref_slice %arg2[%dma_start3A_15, %dma_start3A_16] : memref<10240x128xf32, #tpu.memory_space<hbm>> -> memref<10240x128xf32, #tpu.memory_space<hbm>>
    tpu.enqueue_indirect_dma source(%dma_start3A_17 : memref<10240x128xf32, #tpu.memory_space<hbm>>) target(%dma_start3A_11 : memref<64x128xf32, #tpu.memory_space<vmem>>) offsets(%dma_start3A_14 : memref<64xi32, #tpu.memory_space<vmem>>) semaphore(%arg11 : memref<!tpu.dma_semaphore, #tpu.memory_space<semaphore_mem>>)
    %dma_start3A_18 = arith.constant 0 : i32
    %dma_start3A_19 = arith.constant 1 : i32
    %dma_start3A_20 = arith.constant 0 : i32
    %dma_start3A_21 = arith.constant 0 : i32
    %dma_start3A_22 = tpu.memref_slice %arg9[%dma_start3A_19, %dma_start3A_20, %dma_start3A_21] : memref<3x64x128xf32, #tpu.memory_space<vmem>> -> memref<1x64x128xf32, #tpu.memory_space<vmem>>
    %dma_start3A_23 = tpu.memref_squeeze %dma_start3A_22 : memref<1x64x128xf32, #tpu.memory_space<vmem>> -> memref<64x128xf32, #tpu.memory_space<vmem>>
    %dma_start3A_24 = arith.constant 64 : i32
    %dma_start3A_25 = tpu.memref_slice %arg7[%dma_start3A_18, %dma_start3A_24] : memref<81x128xi32, #tpu.memory_space<vmem>> -> memref<1x64xi32, #tpu.memory_space<vmem>>
    %dma_start3A_26 = tpu.memref_squeeze %dma_start3A_25 : memref<1x64xi32, #tpu.memory_space<vmem>> -> memref<64xi32, #tpu.memory_space<vmem>>
    %dma_start3A_27 = arith.constant 0 : i32
    %dma_start3A_28 = arith.constant 0 : i32
    %dma_start3A_29 = tpu.memref_slice %arg2[%dma_start3A_27, %dma_start3A_28] : memref<10240x128xf32, #tpu.memory_space<hbm>> -> memref<10240x128xf32, #tpu.memory_space<hbm>>
    tpu.enqueue_indirect_dma source(%dma_start3A_29 : memref<10240x128xf32, #tpu.memory_space<hbm>>) target(%dma_start3A_23 : memref<64x128xf32, #tpu.memory_space<vmem>>) offsets(%dma_start3A_26 : memref<64xi32, #tpu.memory_space<vmem>>) semaphore(%arg12 : memref<!tpu.dma_semaphore, #tpu.memory_space<semaphore_mem>>)
    %dma_start3A_30 = arith.constant 1 : i32
    %dma_start3A_31 = arith.constant 2 : i32
    %dma_start3A_32 = arith.constant 0 : i32
    %dma_start3A_33 = arith.constant 0 : i32
    %dma_start3A_34 = tpu.memref_slice %arg9[%dma_start3A_31, %dma_start3A_32, %dma_start3A_33] : memref<3x64x128xf32, #tpu.memory_space<vmem>> -> memref<1x64x128xf32, #tpu.memory_space<vmem>>
    %dma_start3A_35 = tpu.memref_squeeze %dma_start3A_34 : memref<1x64x128xf32, #tpu.memory_space<vmem>> -> memref<64x128xf32, #tpu.memory_space<vmem>>
    %dma_start3A_36 = arith.constant 0 : i32
    %dma_start3A_37 = tpu.memref_slice %arg7[%dma_start3A_30, %dma_start3A_36] : memref<81x128xi32, #tpu.memory_space<vmem>> -> memref<1x64xi32, #tpu.memory_space<vmem>>
    %dma_start3A_38 = tpu.memref_squeeze %dma_start3A_37 : memref<1x64xi32, #tpu.memory_space<vmem>> -> memref<64xi32, #tpu.memory_space<vmem>>
    %dma_start3A_39 = arith.constant 0 : i32
    %dma_start3A_40 = arith.constant 0 : i32
    %dma_start3A_41 = tpu.memref_slice %arg2[%dma_start3A_39, %dma_start3A_40] : memref<10240x128xf32, #tpu.memory_space<hbm>> -> memref<10240x128xf32, #tpu.memory_space<hbm>>
    tpu.enqueue_indirect_dma source(%dma_start3A_41 : memref<10240x128xf32, #tpu.memory_space<hbm>>) target(%dma_start3A_35 : memref<64x128xf32, #tpu.memory_space<vmem>>) offsets(%dma_start3A_38 : memref<64xi32, #tpu.memory_space<vmem>>) semaphore(%arg13 : memref<!tpu.dma_semaphore, #tpu.memory_space<semaphore_mem>>)
    %scan3A = arith.constant 0 : i32
    %scan3A_42 = arith.constant 0 : i32
    %scan3A_43 = arith.constant 53 : i32
    %scan3A_44 = arith.addi %scan3A_42, %scan3A_43 : i32
    %scan3A_45 = arith.constant 1 : i32
    scf.for %scan3A_92 = %scan3A_42 to %scan3A_44 step %scan3A_45  : i32 {
      %mul3A_93 = arith.constant 3 : i32
      %mul3A_94 = arith.muli %scan3A_92, %mul3A_93 : i32
      %add3A_95 = arith.constant 0 : i32
      %add3A_96 = arith.addi %mul3A_94, %add3A_95 : i32
      %jit3A = arith.constant 2 : i32
      %div3A = arith.divsi %add3A_96, %jit3A : i32
      %sign3A = arith.constant 0 : i32
      %sign3A_97 = arith.cmpi sgt, %add3A_96, %sign3A : i32
      %sign3A_98 = arith.extui %sign3A_97 : i1 to i32
      %sign3A_99 = arith.constant 0 : i32
      %sign3A_100 = arith.cmpi slt, %add3A_96, %sign3A_99 : i32
      %sign3A_101 = arith.extui %sign3A_100 : i1 to i32
      %sign3A_102 = arith.subi %sign3A_98, %sign3A_101 : i32
      %sign3A_103 = arith.constant 0 : i32
      %sign3A_104 = arith.cmpi sgt, %jit3A, %sign3A_103 : i32
      %sign3A_105 = arith.extui %sign3A_104 : i1 to i32
      %sign3A_106 = arith.constant 0 : i32
      %sign3A_107 = arith.cmpi slt, %jit3A, %sign3A_106 : i32
      %sign3A_108 = arith.extui %sign3A_107 : i1 to i32
      %sign3A_109 = arith.subi %sign3A_105, %sign3A_108 : i32
      %ne3A_110 = arith.cmpi ne, %sign3A_102, %sign3A_109 : i32
      %rem3A = arith.remsi %add3A_96, %jit3A : i32
      %ne3A_111 = arith.constant 0 : i32
      %ne3A_112 = arith.cmpi ne, %rem3A, %ne3A_111 : i32
      %and3A = arith.andi %ne3A_110, %ne3A_112 : i1
      %sub3A = arith.constant 1 : i32
      %sub3A_113 = arith.subi %div3A, %sub3A : i32
      %select_n3A = arith.select %and3A, %sub3A_113, %div3A : i32
      %mul3A_114 = arith.constant 2 : i32
      %mul3A_115 = arith.muli %mul3A_114, %select_n3A : i32
      %sub3A_116 = arith.subi %add3A_96, %mul3A_115 : i32
      %mul3A_117 = arith.constant 64 : i32
      %mul3A_118 = arith.muli %sub3A_116, %mul3A_117 : i32
      %dma_wait3A_119 = arith.constant 0 : i32
      %dma_wait3A_120 = arith.constant 0 : i32
      %dma_wait3A_121 = arith.constant 0 : i32
      %dma_wait3A_122 = tpu.memref_slice %arg9[%dma_wait3A_119, %dma_wait3A_120, %dma_wait3A_121] : memref<3x64x128xf32, #tpu.memory_space<vmem>> -> memref<1x64x128xf32, #tpu.memory_space<vmem>>
      %dma_wait3A_123 = tpu.memref_squeeze %dma_wait3A_122 : memref<1x64x128xf32, #tpu.memory_space<vmem>> -> memref<64x128xf32, #tpu.memory_space<vmem>>
      %dma_wait3A_124 = tpu.memref_slice %arg7[%select_n3A, %mul3A_118] : memref<81x128xi32, #tpu.memory_space<vmem>> -> memref<1x64xi32, #tpu.memory_space<vmem>>
      %dma_wait3A_125 = tpu.memref_squeeze %dma_wait3A_124 : memref<1x64xi32, #tpu.memory_space<vmem>> -> memref<64xi32, #tpu.memory_space<vmem>>
      %dma_wait3A_126 = arith.constant 0 : i32
      %dma_wait3A_127 = arith.constant 0 : i32
      %dma_wait3A_128 = tpu.memref_slice %arg2[%dma_wait3A_126, %dma_wait3A_127] : memref<10240x128xf32, #tpu.memory_space<hbm>> -> memref<10240x128xf32, #tpu.memory_space<hbm>>
      tpu.wait_indirect_dma semaphore(%arg11 : memref<!tpu.dma_semaphore, #tpu.memory_space<semaphore_mem>>) src(%dma_wait3A_128 : memref<10240x128xf32, #tpu.memory_space<hbm>>) dst(%dma_wait3A_123 : memref<64x128xf32, #tpu.memory_space<vmem>>)
      %run_scoped3A_129 = arith.constant 0 : i32
      "tpu.region"() ({
        %run_scoped3A_337 = tpu.sem_alloc : memref<!tpu.dma_semaphore, #tpu.memory_space<semaphore_mem>>
        %dma_start3A_338 = arith.constant 0 : i32
        %dma_start3A_339 = arith.constant 0 : i32
        %dma_start3A_340 = tpu.memref_slice %arg9[%run_scoped3A_129, %dma_start3A_338, %dma_start3A_339] : memref<3x64x128xf32, #tpu.memory_space<vmem>> -> memref<1x64x128xf32, #tpu.memory_space<vmem>>
        %dma_start3A_341 = tpu.memref_squeeze %dma_start3A_340 : memref<1x64x128xf32, #tpu.memory_space<vmem>> -> memref<64x128xf32, #tpu.memory_space<vmem>>
        %dma_start3A_342 = tpu.memref_slice %arg8[%select_n3A, %mul3A_118] : memref<81x128xi32, #tpu.memory_space<vmem>> -> memref<1x64xi32, #tpu.memory_space<vmem>>
        %dma_start3A_343 = tpu.memref_squeeze %dma_start3A_342 : memref<1x64xi32, #tpu.memory_space<vmem>> -> memref<64xi32, #tpu.memory_space<vmem>>
        %dma_start3A_344 = arith.constant 0 : i32
        %dma_start3A_345 = arith.constant 0 : i32
        %dma_start3A_346 = tpu.memref_slice %arg10[%dma_start3A_344, %dma_start3A_345] : memref<10240x128xf32, #tpu.memory_space<vmem_shared>> -> memref<10240x128xf32, #tpu.memory_space<vmem_shared>>
        tpu.enqueue_indirect_dma source(%dma_start3A_341 : memref<64x128xf32, #tpu.memory_space<vmem>>) target(%dma_start3A_346 : memref<10240x128xf32, #tpu.memory_space<vmem_shared>>) offsets(%dma_start3A_343 : memref<64xi32, #tpu.memory_space<vmem>>) semaphore(%run_scoped3A_337 : memref<!tpu.dma_semaphore, #tpu.memory_space<semaphore_mem>>) {add = true}
        %dma_wait3A_347 = arith.constant 0 : i32
        %dma_wait3A_348 = arith.constant 0 : i32
        %dma_wait3A_349 = tpu.memref_slice %arg9[%run_scoped3A_129, %dma_wait3A_347, %dma_wait3A_348] : memref<3x64x128xf32, #tpu.memory_space<vmem>> -> memref<1x64x128xf32, #tpu.memory_space<vmem>>
        %dma_wait3A_350 = tpu.memref_squeeze %dma_wait3A_349 : memref<1x64x128xf32, #tpu.memory_space<vmem>> -> memref<64x128xf32, #tpu.memory_space<vmem>>
        %dma_wait3A_351 = tpu.memref_slice %arg8[%select_n3A, %mul3A_118] : memref<81x128xi32, #tpu.memory_space<vmem>> -> memref<1x64xi32, #tpu.memory_space<vmem>>
        %dma_wait3A_352 = tpu.memref_squeeze %dma_wait3A_351 : memref<1x64xi32, #tpu.memory_space<vmem>> -> memref<64xi32, #tpu.memory_space<vmem>>
        %dma_wait3A_353 = arith.constant 0 : i32
        %dma_wait3A_354 = arith.constant 0 : i32
        %dma_wait3A_355 = tpu.memref_slice %arg10[%dma_wait3A_353, %dma_wait3A_354] : memref<10240x128xf32, #tpu.memory_space<vmem_shared>> -> memref<10240x128xf32, #tpu.memory_space<vmem_shared>>
        tpu.wait_indirect_dma semaphore(%run_scoped3A_337 : memref<!tpu.dma_semaphore, #tpu.memory_space<semaphore_mem>>) src(%dma_wait3A_350 : memref<64x128xf32, #tpu.memory_space<vmem>>) dst(%dma_wait3A_355 : memref<10240x128xf32, #tpu.memory_space<vmem_shared>>)
        tpu.yield
      }) : () -> ()
      %add3A_130 = arith.constant 3 : i32
      %add3A_131 = arith.addi %add3A_96, %add3A_130 : i32
      %jit3A_132 = arith.constant 2 : i32
      %div3A_133 = arith.divsi %add3A_131, %jit3A_132 : i32
      %sign3A_134 = arith.constant 0 : i32
      %sign3A_135 = arith.cmpi sgt, %add3A_131, %sign3A_134 : i32
      %sign3A_136 = arith.extui %sign3A_135 : i1 to i32
      %sign3A_137 = arith.constant 0 : i32
      %sign3A_138 = arith.cmpi slt, %add3A_131, %sign3A_137 : i32
      %sign3A_139 = arith.extui %sign3A_138 : i1 to i32
      %sign3A_140 = arith.subi %sign3A_136, %sign3A_139 : i32
      %sign3A_141 = arith.constant 0 : i32
      %sign3A_142 = arith.cmpi sgt, %jit3A_132, %sign3A_141 : i32
      %sign3A_143 = arith.extui %sign3A_142 : i1 to i32
      %sign3A_144 = arith.constant 0 : i32
      %sign3A_145 = arith.cmpi slt, %jit3A_132, %sign3A_144 : i32
      %sign3A_146 = arith.extui %sign3A_145 : i1 to i32
      %sign3A_147 = arith.subi %sign3A_143, %sign3A_146 : i32
      %ne3A_148 = arith.cmpi ne, %sign3A_140, %sign3A_147 : i32
      %rem3A_149 = arith.remsi %add3A_131, %jit3A_132 : i32
      %ne3A_150 = arith.constant 0 : i32
      %ne3A_151 = arith.cmpi ne, %rem3A_149, %ne3A_150 : i32
      %and3A_152 = arith.andi %ne3A_148, %ne3A_151 : i1
      %sub3A_153 = arith.constant 1 : i32
      %sub3A_154 = arith.subi %div3A_133, %sub3A_153 : i32
      %select_n3A_155 = arith.select %and3A_152, %sub3A_154, %div3A_133 : i32
      %mul3A_156 = arith.constant 2 : i32
      %mul3A_157 = arith.muli %mul3A_156, %select_n3A_155 : i32
      %sub3A_158 = arith.subi %add3A_131, %mul3A_157 : i32
      %mul3A_159 = arith.constant 64 : i32
      %mul3A_160 = arith.muli %sub3A_158, %mul3A_159 : i32
      %dma_start3A_161 = arith.constant 0 : i32
      %dma_start3A_162 = arith.constant 0 : i32
      %dma_start3A_163 = arith.constant 0 : i32
      %dma_start3A_164 = tpu.memref_slice %arg9[%dma_start3A_161, %dma_start3A_162, %dma_start3A_163] : memref<3x64x128xf32, #tpu.memory_space<vmem>> -> memref<1x64x128xf32, #tpu.memory_space<vmem>>
      %dma_start3A_165 = tpu.memref_squeeze %dma_start3A_164 : memref<1x64x128xf32, #tpu.memory_space<vmem>> -> memref<64x128xf32, #tpu.memory_space<vmem>>
      %dma_start3A_166 = tpu.memref_slice %arg7[%select_n3A_155, %mul3A_160] : memref<81x128xi32, #tpu.memory_space<vmem>> -> memref<1x64xi32, #tpu.memory_space<vmem>>
      %dma_start3A_167 = tpu.memref_squeeze %dma_start3A_166 : memref<1x64xi32, #tpu.memory_space<vmem>> -> memref<64xi32, #tpu.memory_space<vmem>>
      %dma_start3A_168 = arith.constant 0 : i32
      %dma_start3A_169 = arith.constant 0 : i32
      %dma_start3A_170 = tpu.memref_slice %arg2[%dma_start3A_168, %dma_start3A_169] : memref<10240x128xf32, #tpu.memory_space<hbm>> -> memref<10240x128xf32, #tpu.memory_space<hbm>>
      tpu.enqueue_indirect_dma source(%dma_start3A_170 : memref<10240x128xf32, #tpu.memory_space<hbm>>) target(%dma_start3A_165 : memref<64x128xf32, #tpu.memory_space<vmem>>) offsets(%dma_start3A_167 : memref<64xi32, #tpu.memory_space<vmem>>) semaphore(%arg11 : memref<!tpu.dma_semaphore, #tpu.memory_space<semaphore_mem>>)
      %add3A_171 = arith.constant 1 : i32
      %add3A_172 = arith.addi %mul3A_94, %add3A_171 : i32
      %jit3A_173 = arith.constant 2 : i32
      %div3A_174 = arith.divsi %add3A_172, %jit3A_173 : i32
      %sign3A_175 = arith.constant 0 : i32
      %sign3A_176 = arith.cmpi sgt, %add3A_172, %sign3A_175 : i32
      %sign3A_177 = arith.extui %sign3A_176 : i1 to i32
      %sign3A_178 = arith.constant 0 : i32
      %sign3A_179 = arith.cmpi slt, %add3A_172, %sign3A_178 : i32
      %sign3A_180 = arith.extui %sign3A_179 : i1 to i32
      %sign3A_181 = arith.subi %sign3A_177, %sign3A_180 : i32
      %sign3A_182 = arith.constant 0 : i32
      %sign3A_183 = arith.cmpi sgt, %jit3A_173, %sign3A_182 : i32
      %sign3A_184 = arith.extui %sign3A_183 : i1 to i32
      %sign3A_185 = arith.constant 0 : i32
      %sign3A_186 = arith.cmpi slt, %jit3A_173, %sign3A_185 : i32
      %sign3A_187 = arith.extui %sign3A_186 : i1 to i32
      %sign3A_188 = arith.subi %sign3A_184, %sign3A_187 : i32
      %ne3A_189 = arith.cmpi ne, %sign3A_181, %sign3A_188 : i32
      %rem3A_190 = arith.remsi %add3A_172, %jit3A_173 : i32
      %ne3A_191 = arith.constant 0 : i32
      %ne3A_192 = arith.cmpi ne, %rem3A_190, %ne3A_191 : i32
      %and3A_193 = arith.andi %ne3A_189, %ne3A_192 : i1
      %sub3A_194 = arith.constant 1 : i32
      %sub3A_195 = arith.subi %div3A_174, %sub3A_194 : i32
      %select_n3A_196 = arith.select %and3A_193, %sub3A_195, %div3A_174 : i32
      %mul3A_197 = arith.constant 2 : i32
      %mul3A_198 = arith.muli %mul3A_197, %select_n3A_196 : i32
      %sub3A_199 = arith.subi %add3A_172, %mul3A_198 : i32
      %mul3A_200 = arith.constant 64 : i32
      %mul3A_201 = arith.muli %sub3A_199, %mul3A_200 : i32
      %dma_wait3A_202 = arith.constant 1 : i32
      %dma_wait3A_203 = arith.constant 0 : i32
      %dma_wait3A_204 = arith.constant 0 : i32
      %dma_wait3A_205 = tpu.memref_slice %arg9[%dma_wait3A_202, %dma_wait3A_203, %dma_wait3A_204] : memref<3x64x128xf32, #tpu.memory_space<vmem>> -> memref<1x64x128xf32, #tpu.memory_space<vmem>>
      %dma_wait3A_206 = tpu.memref_squeeze %dma_wait3A_205 : memref<1x64x128xf32, #tpu.memory_space<vmem>> -> memref<64x128xf32, #tpu.memory_space<vmem>>
      %dma_wait3A_207 = tpu.memref_slice %arg7[%select_n3A_196, %mul3A_201] : memref<81x128xi32, #tpu.memory_space<vmem>> -> memref<1x64xi32, #tpu.memory_space<vmem>>
      %dma_wait3A_208 = tpu.memref_squeeze %dma_wait3A_207 : memref<1x64xi32, #tpu.memory_space<vmem>> -> memref<64xi32, #tpu.memory_space<vmem>>
      %dma_wait3A_209 = arith.constant 0 : i32
      %dma_wait3A_210 = arith.constant 0 : i32
      %dma_wait3A_211 = tpu.memref_slice %arg2[%dma_wait3A_209, %dma_wait3A_210] : memref<10240x128xf32, #tpu.memory_space<hbm>> -> memref<10240x128xf32, #tpu.memory_space<hbm>>
      tpu.wait_indirect_dma semaphore(%arg12 : memref<!tpu.dma_semaphore, #tpu.memory_space<semaphore_mem>>) src(%dma_wait3A_211 : memref<10240x128xf32, #tpu.memory_space<hbm>>) dst(%dma_wait3A_206 : memref<64x128xf32, #tpu.memory_space<vmem>>)
      %run_scoped3A_212 = arith.constant 1 : i32
      "tpu.region"() ({
        %run_scoped3A_337 = tpu.sem_alloc : memref<!tpu.dma_semaphore, #tpu.memory_space<semaphore_mem>>
        %dma_start3A_338 = arith.constant 0 : i32
        %dma_start3A_339 = arith.constant 0 : i32
        %dma_start3A_340 = tpu.memref_slice %arg9[%run_scoped3A_212, %dma_start3A_338, %dma_start3A_339] : memref<3x64x128xf32, #tpu.memory_space<vmem>> -> memref<1x64x128xf32, #tpu.memory_space<vmem>>
        %dma_start3A_341 = tpu.memref_squeeze %dma_start3A_340 : memref<1x64x128xf32, #tpu.memory_space<vmem>> -> memref<64x128xf32, #tpu.memory_space<vmem>>
        %dma_start3A_342 = tpu.memref_slice %arg8[%select_n3A_196, %mul3A_201] : memref<81x128xi32, #tpu.memory_space<vmem>> -> memref<1x64xi32, #tpu.memory_space<vmem>>
        %dma_start3A_343 = tpu.memref_squeeze %dma_start3A_342 : memref<1x64xi32, #tpu.memory_space<vmem>> -> memref<64xi32, #tpu.memory_space<vmem>>
        %dma_start3A_344 = arith.constant 0 : i32
        %dma_start3A_345 = arith.constant 0 : i32
        %dma_start3A_346 = tpu.memref_slice %arg10[%dma_start3A_344, %dma_start3A_345] : memref<10240x128xf32, #tpu.memory_space<vmem_shared>> -> memref<10240x128xf32, #tpu.memory_space<vmem_shared>>
        tpu.enqueue_indirect_dma source(%dma_start3A_341 : memref<64x128xf32, #tpu.memory_space<vmem>>) target(%dma_start3A_346 : memref<10240x128xf32, #tpu.memory_space<vmem_shared>>) offsets(%dma_start3A_343 : memref<64xi32, #tpu.memory_space<vmem>>) semaphore(%run_scoped3A_337 : memref<!tpu.dma_semaphore, #tpu.memory_space<semaphore_mem>>) {add = true}
        %dma_wait3A_347 = arith.constant 0 : i32
        %dma_wait3A_348 = arith.constant 0 : i32
        %dma_wait3A_349 = tpu.memref_slice %arg9[%run_scoped3A_212, %dma_wait3A_347, %dma_wait3A_348] : memref<3x64x128xf32, #tpu.memory_space<vmem>> -> memref<1x64x128xf32, #tpu.memory_space<vmem>>
        %dma_wait3A_350 = tpu.memref_squeeze %dma_wait3A_349 : memref<1x64x128xf32, #tpu.memory_space<vmem>> -> memref<64x128xf32, #tpu.memory_space<vmem>>
        %dma_wait3A_351 = tpu.memref_slice %arg8[%select_n3A_196, %mul3A_201] : memref<81x128xi32, #tpu.memory_space<vmem>> -> memref<1x64xi32, #tpu.memory_space<vmem>>
        %dma_wait3A_352 = tpu.memref_squeeze %dma_wait3A_351 : memref<1x64xi32, #tpu.memory_space<vmem>> -> memref<64xi32, #tpu.memory_space<vmem>>
        %dma_wait3A_353 = arith.constant 0 : i32
        %dma_wait3A_354 = arith.constant 0 : i32
        %dma_wait3A_355 = tpu.memref_slice %arg10[%dma_wait3A_353, %dma_wait3A_354] : memref<10240x128xf32, #tpu.memory_space<vmem_shared>> -> memref<10240x128xf32, #tpu.memory_space<vmem_shared>>
        tpu.wait_indirect_dma semaphore(%run_scoped3A_337 : memref<!tpu.dma_semaphore, #tpu.memory_space<semaphore_mem>>) src(%dma_wait3A_350 : memref<64x128xf32, #tpu.memory_space<vmem>>) dst(%dma_wait3A_355 : memref<10240x128xf32, #tpu.memory_space<vmem_shared>>)
        tpu.yield
      }) : () -> ()
      %add3A_213 = arith.constant 3 : i32
      %add3A_214 = arith.addi %add3A_172, %add3A_213 : i32
      %jit3A_215 = arith.constant 2 : i32
      %div3A_216 = arith.divsi %add3A_214, %jit3A_215 : i32
      %sign3A_217 = arith.constant 0 : i32
      %sign3A_218 = arith.cmpi sgt, %add3A_214, %sign3A_217 : i32
      %sign3A_219 = arith.extui %sign3A_218 : i1 to i32
      %sign3A_220 = arith.constant 0 : i32
      %sign3A_221 = arith.cmpi slt, %add3A_214, %sign3A_220 : i32
      %sign3A_222 = arith.extui %sign3A_221 : i1 to i32
      %sign3A_223 = arith.subi %sign3A_219, %sign3A_222 : i32
      %sign3A_224 = arith.constant 0 : i32
      %sign3A_225 = arith.cmpi sgt, %jit3A_215, %sign3A_224 : i32
      %sign3A_226 = arith.extui %sign3A_225 : i1 to i32
      %sign3A_227 = arith.constant 0 : i32
      %sign3A_228 = arith.cmpi slt, %jit3A_215, %sign3A_227 : i32
      %sign3A_229 = arith.extui %sign3A_228 : i1 to i32
      %sign3A_230 = arith.subi %sign3A_226, %sign3A_229 : i32
      %ne3A_231 = arith.cmpi ne, %sign3A_223, %sign3A_230 : i32
      %rem3A_232 = arith.remsi %add3A_214, %jit3A_215 : i32
      %ne3A_233 = arith.constant 0 : i32
      %ne3A_234 = arith.cmpi ne, %rem3A_232, %ne3A_233 : i32
      %and3A_235 = arith.andi %ne3A_231, %ne3A_234 : i1
      %sub3A_236 = arith.constant 1 : i32
      %sub3A_237 = arith.subi %div3A_216, %sub3A_236 : i32
      %select_n3A_238 = arith.select %and3A_235, %sub3A_237, %div3A_216 : i32
      %mul3A_239 = arith.constant 2 : i32
      %mul3A_240 = arith.muli %mul3A_239, %select_n3A_238 : i32
      %sub3A_241 = arith.subi %add3A_214, %mul3A_240 : i32
      %mul3A_242 = arith.constant 64 : i32
      %mul3A_243 = arith.muli %sub3A_241, %mul3A_242 : i32
      %dma_start3A_244 = arith.constant 1 : i32
      %dma_start3A_245 = arith.constant 0 : i32
      %dma_start3A_246 = arith.constant 0 : i32
      %dma_start3A_247 = tpu.memref_slice %arg9[%dma_start3A_244, %dma_start3A_245, %dma_start3A_246] : memref<3x64x128xf32, #tpu.memory_space<vmem>> -> memref<1x64x128xf32, #tpu.memory_space<vmem>>
      %dma_start3A_248 = tpu.memref_squeeze %dma_start3A_247 : memref<1x64x128xf32, #tpu.memory_space<vmem>> -> memref<64x128xf32, #tpu.memory_space<vmem>>
      %dma_start3A_249 = tpu.memref_slice %arg7[%select_n3A_238, %mul3A_243] : memref<81x128xi32, #tpu.memory_space<vmem>> -> memref<1x64xi32, #tpu.memory_space<vmem>>
      %dma_start3A_250 = tpu.memref_squeeze %dma_start3A_249 : memref<1x64xi32, #tpu.memory_space<vmem>> -> memref<64xi32, #tpu.memory_space<vmem>>
      %dma_start3A_251 = arith.constant 0 : i32
      %dma_start3A_252 = arith.constant 0 : i32
      %dma_start3A_253 = tpu.memref_slice %arg2[%dma_start3A_251, %dma_start3A_252] : memref<10240x128xf32, #tpu.memory_space<hbm>> -> memref<10240x128xf32, #tpu.memory_space<hbm>>
      tpu.enqueue_indirect_dma source(%dma_start3A_253 : memref<10240x128xf32, #tpu.memory_space<hbm>>) target(%dma_start3A_248 : memref<64x128xf32, #tpu.memory_space<vmem>>) offsets(%dma_start3A_250 : memref<64xi32, #tpu.memory_space<vmem>>) semaphore(%arg12 : memref<!tpu.dma_semaphore, #tpu.memory_space<semaphore_mem>>)
      %add3A_254 = arith.constant 2 : i32
      %add3A_255 = arith.addi %mul3A_94, %add3A_254 : i32
      %jit3A_256 = arith.constant 2 : i32
      %div3A_257 = arith.divsi %add3A_255, %jit3A_256 : i32
      %sign3A_258 = arith.constant 0 : i32
      %sign3A_259 = arith.cmpi sgt, %add3A_255, %sign3A_258 : i32
      %sign3A_260 = arith.extui %sign3A_259 : i1 to i32
      %sign3A_261 = arith.constant 0 : i32
      %sign3A_262 = arith.cmpi slt, %add3A_255, %sign3A_261 : i32
      %sign3A_263 = arith.extui %sign3A_262 : i1 to i32
      %sign3A_264 = arith.subi %sign3A_260, %sign3A_263 : i32
      %sign3A_265 = arith.constant 0 : i32
      %sign3A_266 = arith.cmpi sgt, %jit3A_256, %sign3A_265 : i32
      %sign3A_267 = arith.extui %sign3A_266 : i1 to i32
      %sign3A_268 = arith.constant 0 : i32
      %sign3A_269 = arith.cmpi slt, %jit3A_256, %sign3A_268 : i32
      %sign3A_270 = arith.extui %sign3A_269 : i1 to i32
      %sign3A_271 = arith.subi %sign3A_267, %sign3A_270 : i32
      %ne3A_272 = arith.cmpi ne, %sign3A_264, %sign3A_271 : i32
      %rem3A_273 = arith.remsi %add3A_255, %jit3A_256 : i32
      %ne3A_274 = arith.constant 0 : i32
      %ne3A_275 = arith.cmpi ne, %rem3A_273, %ne3A_274 : i32
      %and3A_276 = arith.andi %ne3A_272, %ne3A_275 : i1
      %sub3A_277 = arith.constant 1 : i32
      %sub3A_278 = arith.subi %div3A_257, %sub3A_277 : i32
      %select_n3A_279 = arith.select %and3A_276, %sub3A_278, %div3A_257 : i32
      %mul3A_280 = arith.constant 2 : i32
      %mul3A_281 = arith.muli %mul3A_280, %select_n3A_279 : i32
      %sub3A_282 = arith.subi %add3A_255, %mul3A_281 : i32
      %mul3A_283 = arith.constant 64 : i32
      %mul3A_284 = arith.muli %sub3A_282, %mul3A_283 : i32
      %dma_wait3A_285 = arith.constant 2 : i32
      %dma_wait3A_286 = arith.constant 0 : i32
      %dma_wait3A_287 = arith.constant 0 : i32
      %dma_wait3A_288 = tpu.memref_slice %arg9[%dma_wait3A_285, %dma_wait3A_286, %dma_wait3A_287] : memref<3x64x128xf32, #tpu.memory_space<vmem>> -> memref<1x64x128xf32, #tpu.memory_space<vmem>>
      %dma_wait3A_289 = tpu.memref_squeeze %dma_wait3A_288 : memref<1x64x128xf32, #tpu.memory_space<vmem>> -> memref<64x128xf32, #tpu.memory_space<vmem>>
      %dma_wait3A_290 = tpu.memref_slice %arg7[%select_n3A_279, %mul3A_284] : memref<81x128xi32, #tpu.memory_space<vmem>> -> memref<1x64xi32, #tpu.memory_space<vmem>>
      %dma_wait3A_291 = tpu.memref_squeeze %dma_wait3A_290 : memref<1x64xi32, #tpu.memory_space<vmem>> -> memref<64xi32, #tpu.memory_space<vmem>>
      %dma_wait3A_292 = arith.constant 0 : i32
      %dma_wait3A_293 = arith.constant 0 : i32
      %dma_wait3A_294 = tpu.memref_slice %arg2[%dma_wait3A_292, %dma_wait3A_293] : memref<10240x128xf32, #tpu.memory_space<hbm>> -> memref<10240x128xf32, #tpu.memory_space<hbm>>
      tpu.wait_indirect_dma semaphore(%arg13 : memref<!tpu.dma_semaphore, #tpu.memory_space<semaphore_mem>>) src(%dma_wait3A_294 : memref<10240x128xf32, #tpu.memory_space<hbm>>) dst(%dma_wait3A_289 : memref<64x128xf32, #tpu.memory_space<vmem>>)
      %run_scoped3A_295 = arith.constant 2 : i32
      "tpu.region"() ({
        %run_scoped3A_337 = tpu.sem_alloc : memref<!tpu.dma_semaphore, #tpu.memory_space<semaphore_mem>>
        %dma_start3A_338 = arith.constant 0 : i32
        %dma_start3A_339 = arith.constant 0 : i32
        %dma_start3A_340 = tpu.memref_slice %arg9[%run_scoped3A_295, %dma_start3A_338, %dma_start3A_339] : memref<3x64x128xf32, #tpu.memory_space<vmem>> -> memref<1x64x128xf32, #tpu.memory_space<vmem>>
        %dma_start3A_341 = tpu.memref_squeeze %dma_start3A_340 : memref<1x64x128xf32, #tpu.memory_space<vmem>> -> memref<64x128xf32, #tpu.memory_space<vmem>>
        %dma_start3A_342 = tpu.memref_slice %arg8[%select_n3A_279, %mul3A_284] : memref<81x128xi32, #tpu.memory_space<vmem>> -> memref<1x64xi32, #tpu.memory_space<vmem>>
        %dma_start3A_343 = tpu.memref_squeeze %dma_start3A_342 : memref<1x64xi32, #tpu.memory_space<vmem>> -> memref<64xi32, #tpu.memory_space<vmem>>
        %dma_start3A_344 = arith.constant 0 : i32
        %dma_start3A_345 = arith.constant 0 : i32
        %dma_start3A_346 = tpu.memref_slice %arg10[%dma_start3A_344, %dma_start3A_345] : memref<10240x128xf32, #tpu.memory_space<vmem_shared>> -> memref<10240x128xf32, #tpu.memory_space<vmem_shared>>
        tpu.enqueue_indirect_dma source(%dma_start3A_341 : memref<64x128xf32, #tpu.memory_space<vmem>>) target(%dma_start3A_346 : memref<10240x128xf32, #tpu.memory_space<vmem_shared>>) offsets(%dma_start3A_343 : memref<64xi32, #tpu.memory_space<vmem>>) semaphore(%run_scoped3A_337 : memref<!tpu.dma_semaphore, #tpu.memory_space<semaphore_mem>>) {add = true}
        %dma_wait3A_347 = arith.constant 0 : i32
        %dma_wait3A_348 = arith.constant 0 : i32
        %dma_wait3A_349 = tpu.memref_slice %arg9[%run_scoped3A_295, %dma_wait3A_347, %dma_wait3A_348] : memref<3x64x128xf32, #tpu.memory_space<vmem>> -> memref<1x64x128xf32, #tpu.memory_space<vmem>>
        %dma_wait3A_350 = tpu.memref_squeeze %dma_wait3A_349 : memref<1x64x128xf32, #tpu.memory_space<vmem>> -> memref<64x128xf32, #tpu.memory_space<vmem>>
        %dma_wait3A_351 = tpu.memref_slice %arg8[%select_n3A_279, %mul3A_284] : memref<81x128xi32, #tpu.memory_space<vmem>> -> memref<1x64xi32, #tpu.memory_space<vmem>>
        %dma_wait3A_352 = tpu.memref_squeeze %dma_wait3A_351 : memref<1x64xi32, #tpu.memory_space<vmem>> -> memref<64xi32, #tpu.memory_space<vmem>>
        %dma_wait3A_353 = arith.constant 0 : i32
        %dma_wait3A_354 = arith.constant 0 : i32
        %dma_wait3A_355 = tpu.memref_slice %arg10[%dma_wait3A_353, %dma_wait3A_354] : memref<10240x128xf32, #tpu.memory_space<vmem_shared>> -> memref<10240x128xf32, #tpu.memory_space<vmem_shared>>
        tpu.wait_indirect_dma semaphore(%run_scoped3A_337 : memref<!tpu.dma_semaphore, #tpu.memory_space<semaphore_mem>>) src(%dma_wait3A_350 : memref<64x128xf32, #tpu.memory_space<vmem>>) dst(%dma_wait3A_355 : memref<10240x128xf32, #tpu.memory_space<vmem_shared>>)
        tpu.yield
      }) : () -> ()
      %add3A_296 = arith.constant 3 : i32
      %add3A_297 = arith.addi %add3A_255, %add3A_296 : i32
      %jit3A_298 = arith.constant 2 : i32
      %div3A_299 = arith.divsi %add3A_297, %jit3A_298 : i32
      %sign3A_300 = arith.constant 0 : i32
      %sign3A_301 = arith.cmpi sgt, %add3A_297, %sign3A_300 : i32
      %sign3A_302 = arith.extui %sign3A_301 : i1 to i32
      %sign3A_303 = arith.constant 0 : i32
      %sign3A_304 = arith.cmpi slt, %add3A_297, %sign3A_303 : i32
      %sign3A_305 = arith.extui %sign3A_304 : i1 to i32
      %sign3A_306 = arith.subi %sign3A_302, %sign3A_305 : i32
      %sign3A_307 = arith.constant 0 : i32
      %sign3A_308 = arith.cmpi sgt, %jit3A_298, %sign3A_307 : i32
      %sign3A_309 = arith.extui %sign3A_308 : i1 to i32
      %sign3A_310 = arith.constant 0 : i32
      %sign3A_311 = arith.cmpi slt, %jit3A_298, %sign3A_310 : i32
      %sign3A_312 = arith.extui %sign3A_311 : i1 to i32
      %sign3A_313 = arith.subi %sign3A_309, %sign3A_312 : i32
      %ne3A_314 = arith.cmpi ne, %sign3A_306, %sign3A_313 : i32
      %rem3A_315 = arith.remsi %add3A_297, %jit3A_298 : i32
      %ne3A_316 = arith.constant 0 : i32
      %ne3A_317 = arith.cmpi ne, %rem3A_315, %ne3A_316 : i32
      %and3A_318 = arith.andi %ne3A_314, %ne3A_317 : i1
      %sub3A_319 = arith.constant 1 : i32
      %sub3A_320 = arith.subi %div3A_299, %sub3A_319 : i32
      %select_n3A_321 = arith.select %and3A_318, %sub3A_320, %div3A_299 : i32
      %mul3A_322 = arith.constant 2 : i32
      %mul3A_323 = arith.muli %mul3A_322, %select_n3A_321 : i32
      %sub3A_324 = arith.subi %add3A_297, %mul3A_323 : i32
      %mul3A_325 = arith.constant 64 : i32
      %mul3A_326 = arith.muli %sub3A_324, %mul3A_325 : i32
      %dma_start3A_327 = arith.constant 2 : i32
      %dma_start3A_328 = arith.constant 0 : i32
      %dma_start3A_329 = arith.constant 0 : i32
      %dma_start3A_330 = tpu.memref_slice %arg9[%dma_start3A_327, %dma_start3A_328, %dma_start3A_329] : memref<3x64x128xf32, #tpu.memory_space<vmem>> -> memref<1x64x128xf32, #tpu.memory_space<vmem>>
      %dma_start3A_331 = tpu.memref_squeeze %dma_start3A_330 : memref<1x64x128xf32, #tpu.memory_space<vmem>> -> memref<64x128xf32, #tpu.memory_space<vmem>>
      %dma_start3A_332 = tpu.memref_slice %arg7[%select_n3A_321, %mul3A_326] : memref<81x128xi32, #tpu.memory_space<vmem>> -> memref<1x64xi32, #tpu.memory_space<vmem>>
      %dma_start3A_333 = tpu.memref_squeeze %dma_start3A_332 : memref<1x64xi32, #tpu.memory_space<vmem>> -> memref<64xi32, #tpu.memory_space<vmem>>
      %dma_start3A_334 = arith.constant 0 : i32
      %dma_start3A_335 = arith.constant 0 : i32
      %dma_start3A_336 = tpu.memref_slice %arg2[%dma_start3A_334, %dma_start3A_335] : memref<10240x128xf32, #tpu.memory_space<hbm>> -> memref<10240x128xf32, #tpu.memory_space<hbm>>
      tpu.enqueue_indirect_dma source(%dma_start3A_336 : memref<10240x128xf32, #tpu.memory_space<hbm>>) target(%dma_start3A_331 : memref<64x128xf32, #tpu.memory_space<vmem>>) offsets(%dma_start3A_333 : memref<64xi32, #tpu.memory_space<vmem>>) semaphore(%arg13 : memref<!tpu.dma_semaphore, #tpu.memory_space<semaphore_mem>>)
    }
    %scan3A_46 = arith.constant 53 : i32
    %dma_wait3A = arith.constant 79 : i32
    %dma_wait3A_47 = arith.constant 0 : i32
    %dma_wait3A_48 = arith.constant 0 : i32
    %dma_wait3A_49 = arith.constant 0 : i32
    %dma_wait3A_50 = tpu.memref_slice %arg9[%dma_wait3A_47, %dma_wait3A_48, %dma_wait3A_49] : memref<3x64x128xf32, #tpu.memory_space<vmem>> -> memref<1x64x128xf32, #tpu.memory_space<vmem>>
    %dma_wait3A_51 = tpu.memref_squeeze %dma_wait3A_50 : memref<1x64x128xf32, #tpu.memory_space<vmem>> -> memref<64x128xf32, #tpu.memory_space<vmem>>
    %dma_wait3A_52 = arith.constant 64 : i32
    %dma_wait3A_53 = tpu.memref_slice %arg7[%dma_wait3A, %dma_wait3A_52] : memref<81x128xi32, #tpu.memory_space<vmem>> -> memref<1x64xi32, #tpu.memory_space<vmem>>
    %dma_wait3A_54 = tpu.memref_squeeze %dma_wait3A_53 : memref<1x64xi32, #tpu.memory_space<vmem>> -> memref<64xi32, #tpu.memory_space<vmem>>
    %dma_wait3A_55 = arith.constant 0 : i32
    %dma_wait3A_56 = arith.constant 0 : i32
    %dma_wait3A_57 = tpu.memref_slice %arg2[%dma_wait3A_55, %dma_wait3A_56] : memref<10240x128xf32, #tpu.memory_space<hbm>> -> memref<10240x128xf32, #tpu.memory_space<hbm>>
    tpu.wait_indirect_dma semaphore(%arg11 : memref<!tpu.dma_semaphore, #tpu.memory_space<semaphore_mem>>) src(%dma_wait3A_57 : memref<10240x128xf32, #tpu.memory_space<hbm>>) dst(%dma_wait3A_51 : memref<64x128xf32, #tpu.memory_space<vmem>>)
    %run_scoped3A = arith.constant 0 : i32
    %run_scoped3A_58 = arith.constant 79 : i32
    "tpu.region"() ({
      %run_scoped3A_92 = tpu.sem_alloc : memref<!tpu.dma_semaphore, #tpu.memory_space<semaphore_mem>>
      %dma_start3A_93 = arith.constant 0 : i32
      %dma_start3A_94 = arith.constant 0 : i32
      %dma_start3A_95 = tpu.memref_slice %arg9[%run_scoped3A, %dma_start3A_93, %dma_start3A_94] : memref<3x64x128xf32, #tpu.memory_space<vmem>> -> memref<1x64x128xf32, #tpu.memory_space<vmem>>
      %dma_start3A_96 = tpu.memref_squeeze %dma_start3A_95 : memref<1x64x128xf32, #tpu.memory_space<vmem>> -> memref<64x128xf32, #tpu.memory_space<vmem>>
      %dma_start3A_97 = arith.constant 64 : i32
      %dma_start3A_98 = tpu.memref_slice %arg8[%run_scoped3A_58, %dma_start3A_97] : memref<81x128xi32, #tpu.memory_space<vmem>> -> memref<1x64xi32, #tpu.memory_space<vmem>>
      %dma_start3A_99 = tpu.memref_squeeze %dma_start3A_98 : memref<1x64xi32, #tpu.memory_space<vmem>> -> memref<64xi32, #tpu.memory_space<vmem>>
      %dma_start3A_100 = arith.constant 0 : i32
      %dma_start3A_101 = arith.constant 0 : i32
      %dma_start3A_102 = tpu.memref_slice %arg10[%dma_start3A_100, %dma_start3A_101] : memref<10240x128xf32, #tpu.memory_space<vmem_shared>> -> memref<10240x128xf32, #tpu.memory_space<vmem_shared>>
      tpu.enqueue_indirect_dma source(%dma_start3A_96 : memref<64x128xf32, #tpu.memory_space<vmem>>) target(%dma_start3A_102 : memref<10240x128xf32, #tpu.memory_space<vmem_shared>>) offsets(%dma_start3A_99 : memref<64xi32, #tpu.memory_space<vmem>>) semaphore(%run_scoped3A_92 : memref<!tpu.dma_semaphore, #tpu.memory_space<semaphore_mem>>) {add = true}
      %dma_wait3A_103 = arith.constant 0 : i32
      %dma_wait3A_104 = arith.constant 0 : i32
      %dma_wait3A_105 = tpu.memref_slice %arg9[%run_scoped3A, %dma_wait3A_103, %dma_wait3A_104] : memref<3x64x128xf32, #tpu.memory_space<vmem>> -> memref<1x64x128xf32, #tpu.memory_space<vmem>>
      %dma_wait3A_106 = tpu.memref_squeeze %dma_wait3A_105 : memref<1x64x128xf32, #tpu.memory_space<vmem>> -> memref<64x128xf32, #tpu.memory_space<vmem>>
      %dma_wait3A_107 = arith.constant 64 : i32
      %dma_wait3A_108 = tpu.memref_slice %arg8[%run_scoped3A_58, %dma_wait3A_107] : memref<81x128xi32, #tpu.memory_space<vmem>> -> memref<1x64xi32, #tpu.memory_space<vmem>>
      %dma_wait3A_109 = tpu.memref_squeeze %dma_wait3A_108 : memref<1x64xi32, #tpu.memory_space<vmem>> -> memref<64xi32, #tpu.memory_space<vmem>>
      %dma_wait3A_110 = arith.constant 0 : i32
      %dma_wait3A_111 = arith.constant 0 : i32
      %dma_wait3A_112 = tpu.memref_slice %arg10[%dma_wait3A_110, %dma_wait3A_111] : memref<10240x128xf32, #tpu.memory_space<vmem_shared>> -> memref<10240x128xf32, #tpu.memory_space<vmem_shared>>
      tpu.wait_indirect_dma semaphore(%run_scoped3A_92 : memref<!tpu.dma_semaphore, #tpu.memory_space<semaphore_mem>>) src(%dma_wait3A_106 : memref<64x128xf32, #tpu.memory_space<vmem>>) dst(%dma_wait3A_112 : memref<10240x128xf32, #tpu.memory_space<vmem_shared>>)
      tpu.yield
    }) : () -> ()
    %dma_wait3A_59 = arith.constant 80 : i32
    %dma_wait3A_60 = arith.constant 1 : i32
    %dma_wait3A_61 = arith.constant 0 : i32
    %dma_wait3A_62 = arith.constant 0 : i32
    %dma_wait3A_63 = tpu.memref_slice %arg9[%dma_wait3A_60, %dma_wait3A_61, %dma_wait3A_62] : memref<3x64x128xf32, #tpu.memory_space<vmem>> -> memref<1x64x128xf32, #tpu.memory_space<vmem>>
    %dma_wait3A_64 = tpu.memref_squeeze %dma_wait3A_63 : memref<1x64x128xf32, #tpu.memory_space<vmem>> -> memref<64x128xf32, #tpu.memory_space<vmem>>
    %dma_wait3A_65 = arith.constant 0 : i32
    %dma_wait3A_66 = tpu.memref_slice %arg7[%dma_wait3A_59, %dma_wait3A_65] : memref<81x128xi32, #tpu.memory_space<vmem>> -> memref<1x64xi32, #tpu.memory_space<vmem>>
    %dma_wait3A_67 = tpu.memref_squeeze %dma_wait3A_66 : memref<1x64xi32, #tpu.memory_space<vmem>> -> memref<64xi32, #tpu.memory_space<vmem>>
    %dma_wait3A_68 = arith.constant 0 : i32
    %dma_wait3A_69 = arith.constant 0 : i32
    %dma_wait3A_70 = tpu.memref_slice %arg2[%dma_wait3A_68, %dma_wait3A_69] : memref<10240x128xf32, #tpu.memory_space<hbm>> -> memref<10240x128xf32, #tpu.memory_space<hbm>>
    tpu.wait_indirect_dma semaphore(%arg12 : memref<!tpu.dma_semaphore, #tpu.memory_space<semaphore_mem>>) src(%dma_wait3A_70 : memref<10240x128xf32, #tpu.memory_space<hbm>>) dst(%dma_wait3A_64 : memref<64x128xf32, #tpu.memory_space<vmem>>)
    %run_scoped3A_71 = arith.constant 1 : i32
    %run_scoped3A_72 = arith.constant 80 : i32
    "tpu.region"() ({
      %run_scoped3A_92 = tpu.sem_alloc : memref<!tpu.dma_semaphore, #tpu.memory_space<semaphore_mem>>
      %dma_start3A_93 = arith.constant 0 : i32
      %dma_start3A_94 = arith.constant 0 : i32
      %dma_start3A_95 = tpu.memref_slice %arg9[%run_scoped3A_71, %dma_start3A_93, %dma_start3A_94] : memref<3x64x128xf32, #tpu.memory_space<vmem>> -> memref<1x64x128xf32, #tpu.memory_space<vmem>>
      %dma_start3A_96 = tpu.memref_squeeze %dma_start3A_95 : memref<1x64x128xf32, #tpu.memory_space<vmem>> -> memref<64x128xf32, #tpu.memory_space<vmem>>
      %dma_start3A_97 = arith.constant 0 : i32
      %dma_start3A_98 = tpu.memref_slice %arg8[%run_scoped3A_72, %dma_start3A_97] : memref<81x128xi32, #tpu.memory_space<vmem>> -> memref<1x64xi32, #tpu.memory_space<vmem>>
      %dma_start3A_99 = tpu.memref_squeeze %dma_start3A_98 : memref<1x64xi32, #tpu.memory_space<vmem>> -> memref<64xi32, #tpu.memory_space<vmem>>
      %dma_start3A_100 = arith.constant 0 : i32
      %dma_start3A_101 = arith.constant 0 : i32
      %dma_start3A_102 = tpu.memref_slice %arg10[%dma_start3A_100, %dma_start3A_101] : memref<10240x128xf32, #tpu.memory_space<vmem_shared>> -> memref<10240x128xf32, #tpu.memory_space<vmem_shared>>
      tpu.enqueue_indirect_dma source(%dma_start3A_96 : memref<64x128xf32, #tpu.memory_space<vmem>>) target(%dma_start3A_102 : memref<10240x128xf32, #tpu.memory_space<vmem_shared>>) offsets(%dma_start3A_99 : memref<64xi32, #tpu.memory_space<vmem>>) semaphore(%run_scoped3A_92 : memref<!tpu.dma_semaphore, #tpu.memory_space<semaphore_mem>>) {add = true}
      %dma_wait3A_103 = arith.constant 0 : i32
      %dma_wait3A_104 = arith.constant 0 : i32
      %dma_wait3A_105 = tpu.memref_slice %arg9[%run_scoped3A_71, %dma_wait3A_103, %dma_wait3A_104] : memref<3x64x128xf32, #tpu.memory_space<vmem>> -> memref<1x64x128xf32, #tpu.memory_space<vmem>>
      %dma_wait3A_106 = tpu.memref_squeeze %dma_wait3A_105 : memref<1x64x128xf32, #tpu.memory_space<vmem>> -> memref<64x128xf32, #tpu.memory_space<vmem>>
      %dma_wait3A_107 = arith.constant 0 : i32
      %dma_wait3A_108 = tpu.memref_slice %arg8[%run_scoped3A_72, %dma_wait3A_107] : memref<81x128xi32, #tpu.memory_space<vmem>> -> memref<1x64xi32, #tpu.memory_space<vmem>>
      %dma_wait3A_109 = tpu.memref_squeeze %dma_wait3A_108 : memref<1x64xi32, #tpu.memory_space<vmem>> -> memref<64xi32, #tpu.memory_space<vmem>>
      %dma_wait3A_110 = arith.constant 0 : i32
      %dma_wait3A_111 = arith.constant 0 : i32
      %dma_wait3A_112 = tpu.memref_slice %arg10[%dma_wait3A_110, %dma_wait3A_111] : memref<10240x128xf32, #tpu.memory_space<vmem_shared>> -> memref<10240x128xf32, #tpu.memory_space<vmem_shared>>
      tpu.wait_indirect_dma semaphore(%run_scoped3A_92 : memref<!tpu.dma_semaphore, #tpu.memory_space<semaphore_mem>>) src(%dma_wait3A_106 : memref<64x128xf32, #tpu.memory_space<vmem>>) dst(%dma_wait3A_112 : memref<10240x128xf32, #tpu.memory_space<vmem_shared>>)
      tpu.yield
    }) : () -> ()
    %dma_wait3A_73 = arith.constant 80 : i32
    %dma_wait3A_74 = arith.constant 2 : i32
    %dma_wait3A_75 = arith.constant 0 : i32
    %dma_wait3A_76 = arith.constant 0 : i32
    %dma_wait3A_77 = tpu.memref_slice %arg9[%dma_wait3A_74, %dma_wait3A_75, %dma_wait3A_76] : memref<3x64x128xf32, #tpu.memory_space<vmem>> -> memref<1x64x128xf32, #tpu.memory_space<vmem>>
    %dma_wait3A_78 = tpu.memref_squeeze %dma_wait3A_77 : memref<1x64x128xf32, #tpu.memory_space<vmem>> -> memref<64x128xf32, #tpu.memory_space<vmem>>
    %dma_wait3A_79 = arith.constant 64 : i32
    %dma_wait3A_80 = tpu.memref_slice %arg7[%dma_wait3A_73, %dma_wait3A_79] : memref<81x128xi32, #tpu.memory_space<vmem>> -> memref<1x64xi32, #tpu.memory_space<vmem>>
    %dma_wait3A_81 = tpu.memref_squeeze %dma_wait3A_80 : memref<1x64xi32, #tpu.memory_space<vmem>> -> memref<64xi32, #tpu.memory_space<vmem>>
    %dma_wait3A_82 = arith.constant 0 : i32
    %dma_wait3A_83 = arith.constant 0 : i32
    %dma_wait3A_84 = tpu.memref_slice %arg2[%dma_wait3A_82, %dma_wait3A_83] : memref<10240x128xf32, #tpu.memory_space<hbm>> -> memref<10240x128xf32, #tpu.memory_space<hbm>>
    tpu.wait_indirect_dma semaphore(%arg13 : memref<!tpu.dma_semaphore, #tpu.memory_space<semaphore_mem>>) src(%dma_wait3A_84 : memref<10240x128xf32, #tpu.memory_space<hbm>>) dst(%dma_wait3A_78 : memref<64x128xf32, #tpu.memory_space<vmem>>)
    %run_scoped3A_85 = arith.constant 2 : i32
    %run_scoped3A_86 = arith.constant 80 : i32
    "tpu.region"() ({
      %run_scoped3A_92 = tpu.sem_alloc : memref<!tpu.dma_semaphore, #tpu.memory_space<semaphore_mem>>
      %dma_start3A_93 = arith.constant 0 : i32
      %dma_start3A_94 = arith.constant 0 : i32
      %dma_start3A_95 = tpu.memref_slice %arg9[%run_scoped3A_85, %dma_start3A_93, %dma_start3A_94] : memref<3x64x128xf32, #tpu.memory_space<vmem>> -> memref<1x64x128xf32, #tpu.memory_space<vmem>>
      %dma_start3A_96 = tpu.memref_squeeze %dma_start3A_95 : memref<1x64x128xf32, #tpu.memory_space<vmem>> -> memref<64x128xf32, #tpu.memory_space<vmem>>
      %dma_start3A_97 = arith.constant 64 : i32
      %dma_start3A_98 = tpu.memref_slice %arg8[%run_scoped3A_86, %dma_start3A_97] : memref<81x128xi32, #tpu.memory_space<vmem>> -> memref<1x64xi32, #tpu.memory_space<vmem>>
      %dma_start3A_99 = tpu.memref_squeeze %dma_start3A_98 : memref<1x64xi32, #tpu.memory_space<vmem>> -> memref<64xi32, #tpu.memory_space<vmem>>
      %dma_start3A_100 = arith.constant 0 : i32
      %dma_start3A_101 = arith.constant 0 : i32
      %dma_start3A_102 = tpu.memref_slice %arg10[%dma_start3A_100, %dma_start3A_101] : memref<10240x128xf32, #tpu.memory_space<vmem_shared>> -> memref<10240x128xf32, #tpu.memory_space<vmem_shared>>
      tpu.enqueue_indirect_dma source(%dma_start3A_96 : memref<64x128xf32, #tpu.memory_space<vmem>>) target(%dma_start3A_102 : memref<10240x128xf32, #tpu.memory_space<vmem_shared>>) offsets(%dma_start3A_99 : memref<64xi32, #tpu.memory_space<vmem>>) semaphore(%run_scoped3A_92 : memref<!tpu.dma_semaphore, #tpu.memory_space<semaphore_mem>>) {add = true}
      %dma_wait3A_103 = arith.constant 0 : i32
      %dma_wait3A_104 = arith.constant 0 : i32
      %dma_wait3A_105 = tpu.memref_slice %arg9[%run_scoped3A_85, %dma_wait3A_103, %dma_wait3A_104] : memref<3x64x128xf32, #tpu.memory_space<vmem>> -> memref<1x64x128xf32, #tpu.memory_space<vmem>>
      %dma_wait3A_106 = tpu.memref_squeeze %dma_wait3A_105 : memref<1x64x128xf32, #tpu.memory_space<vmem>> -> memref<64x128xf32, #tpu.memory_space<vmem>>
      %dma_wait3A_107 = arith.constant 64 : i32
      %dma_wait3A_108 = tpu.memref_slice %arg8[%run_scoped3A_86, %dma_wait3A_107] : memref<81x128xi32, #tpu.memory_space<vmem>> -> memref<1x64xi32, #tpu.memory_space<vmem>>
      %dma_wait3A_109 = tpu.memref_squeeze %dma_wait3A_108 : memref<1x64xi32, #tpu.memory_space<vmem>> -> memref<64xi32, #tpu.memory_space<vmem>>
      %dma_wait3A_110 = arith.constant 0 : i32
      %dma_wait3A_111 = arith.constant 0 : i32
      %dma_wait3A_112 = tpu.memref_slice %arg10[%dma_wait3A_110, %dma_wait3A_111] : memref<10240x128xf32, #tpu.memory_space<vmem_shared>> -> memref<10240x128xf32, #tpu.memory_space<vmem_shared>>
      tpu.wait_indirect_dma semaphore(%run_scoped3A_92 : memref<!tpu.dma_semaphore, #tpu.memory_space<semaphore_mem>>) src(%dma_wait3A_106 : memref<64x128xf32, #tpu.memory_space<vmem>>) dst(%dma_wait3A_112 : memref<10240x128xf32, #tpu.memory_space<vmem_shared>>)
      tpu.yield
    }) : () -> ()
    %barrier3A_87 = arith.constant 0 : index
    tpu.barrier barrier_id(%barrier3A_87)
    %mul3A_88 = arith.constant 640 : i32
    %mul3A_89 = arith.muli %arg1, %mul3A_88 : i32
    %mul3A_90 = arith.constant 640 : i32
    %mul3A_91 = arith.muli %arg1, %mul3A_90 : i32
    "tpu.region"() ({
      %run_scoped3A_92 = tpu.sem_alloc : memref<!tpu.dma_semaphore, #tpu.memory_space<semaphore_mem>>
      %dma_start3A_93 = arith.constant 0 : i32
      %dma_start3A_94 = tpu.memref_slice %arg6[%arg0, %mul3A_91, %dma_start3A_93] : memref<2x10240x128xf32, #tpu.memory_space<hbm>> -> memref<1x640x128xf32, #tpu.memory_space<hbm>>
      %dma_start3A_95 = tpu.memref_squeeze %dma_start3A_94 : memref<1x640x128xf32, #tpu.memory_space<hbm>> -> memref<640x128xf32, #tpu.memory_space<hbm>>
      %dma_start3A_96 = arith.constant 0 : i32
      %dma_start3A_97 = tpu.memref_slice %arg10[%mul3A_89, %dma_start3A_96] : memref<10240x128xf32, #tpu.memory_space<vmem_shared>> -> memref<640x128xf32, #tpu.memory_space<vmem_shared>>
      tpu.enqueue_dma source(%dma_start3A_97 : memref<640x128xf32, #tpu.memory_space<vmem_shared>>) target(%dma_start3A_95 : memref<640x128xf32, #tpu.memory_space<hbm>>) target_semaphore(%run_scoped3A_92 : memref<!tpu.dma_semaphore, #tpu.memory_space<semaphore_mem>>)
      %dma_wait3A_98 = arith.constant 0 : i32
      %dma_wait3A_99 = tpu.memref_slice %arg6[%arg0, %mul3A_91, %dma_wait3A_98] : memref<2x10240x128xf32, #tpu.memory_space<hbm>> -> memref<1x640x128xf32, #tpu.memory_space<hbm>>
      %dma_wait3A_100 = tpu.memref_squeeze %dma_wait3A_99 : memref<1x640x128xf32, #tpu.memory_space<hbm>> -> memref<640x128xf32, #tpu.memory_space<hbm>>
      %dma_wait3A_101 = arith.constant 0 : i32
      %dma_wait3A_102 = tpu.memref_slice %arg10[%mul3A_89, %dma_wait3A_101] : memref<10240x128xf32, #tpu.memory_space<vmem_shared>> -> memref<640x128xf32, #tpu.memory_space<vmem_shared>>
      tpu.wait_dma2 semaphore(%run_scoped3A_92 : memref<!tpu.dma_semaphore, #tpu.memory_space<semaphore_mem>>) src(%dma_wait3A_102 : memref<640x128xf32, #tpu.memory_space<vmem_shared>>) dst(%dma_wait3A_100 : memref<640x128xf32, #tpu.memory_space<hbm>>)
      tpu.yield
    }) : () -> ()
    return
  }
}

#map = affine_map<(d0, d1) -> (0, 0, 0)>
#map1 = affine_map<(d0, d1) -> (0)>
module attributes {stable_mosaic.version = 14 : i64} {
  func.func @k(%arg0: i32, %arg1: i32, %arg2: memref<32x81x128xi32, #tpu.memory_space<hbm>>, %arg3: memref<10240xf32, #tpu.memory_space<hbm>>, %arg4: memref<20480xf32, #tpu.memory_space<hbm>>, %arg5: memref<81x128xi32, #tpu.memory_space<vmem>>, %arg6: memref<128xf32, #tpu.memory_space<vmem>>, %arg7: memref<10240xf32, #tpu.memory_space<vmem_shared>>) attributes {dimension_semantics = [#tpu.dimension_semantics<core_parallel>, #tpu.dimension_semantics<subcore_parallel>], iteration_bounds = array<i64: 2, 16>, scalar_prefetch = 0 : i64, scratch_operands = 3 : i64, tpu.core_type = #tpu.core_type<sc_vector_subcore>, window_params = [{transform_indices = #map}, {transform_indices = #map1}, {transform_indices = #map1}]} {
    %mul3A = arith.constant 2 : i32
    %mul3A_0 = arith.muli %arg1, %mul3A : i32
    %add3A = arith.addi %mul3A_0, %arg0 : i32
    "tpu.region"() ({
      %run_scoped3A = tpu.sem_alloc : memref<!tpu.dma_semaphore, #tpu.memory_space<semaphore_mem>>
      %dma_start3A = arith.constant 0 : i32
      %dma_start3A_64 = arith.constant 0 : i32
      %dma_start3A_65 = tpu.memref_slice %arg2[%add3A, %dma_start3A, %dma_start3A_64] : memref<32x81x128xi32, #tpu.memory_space<hbm>> -> memref<1x81x128xi32, #tpu.memory_space<hbm>>
      %dma_start3A_66 = tpu.memref_squeeze %dma_start3A_65 : memref<1x81x128xi32, #tpu.memory_space<hbm>> -> memref<81x128xi32, #tpu.memory_space<hbm>>
      %dma_start3A_67 = arith.constant 0 : i32
      %dma_start3A_68 = arith.constant 0 : i32
      %dma_start3A_69 = tpu.memref_slice %arg2[%add3A, %dma_start3A_67, %dma_start3A_68] : memref<32x81x128xi32, #tpu.memory_space<hbm>> -> memref<1x81x128xi32, #tpu.memory_space<hbm>>
      %dma_start3A_70 = tpu.memref_squeeze %dma_start3A_69 : memref<1x81x128xi32, #tpu.memory_space<hbm>> -> memref<81x128xi32, #tpu.memory_space<hbm>>
      tpu.enqueue_dma source(%dma_start3A_70 : memref<81x128xi32, #tpu.memory_space<hbm>>) target(%arg5 : memref<81x128xi32, #tpu.memory_space<vmem>>) target_semaphore(%run_scoped3A : memref<!tpu.dma_semaphore, #tpu.memory_space<semaphore_mem>>)
      %dma_wait3A = arith.constant 0 : i32
      %dma_wait3A_71 = arith.constant 0 : i32
      %dma_wait3A_72 = tpu.memref_slice %arg2[%add3A, %dma_wait3A, %dma_wait3A_71] : memref<32x81x128xi32, #tpu.memory_space<hbm>> -> memref<1x81x128xi32, #tpu.memory_space<hbm>>
      %dma_wait3A_73 = tpu.memref_squeeze %dma_wait3A_72 : memref<1x81x128xi32, #tpu.memory_space<hbm>> -> memref<81x128xi32, #tpu.memory_space<hbm>>
      %dma_wait3A_74 = arith.constant 0 : i32
      %dma_wait3A_75 = arith.constant 0 : i32
      %dma_wait3A_76 = tpu.memref_slice %arg2[%add3A, %dma_wait3A_74, %dma_wait3A_75] : memref<32x81x128xi32, #tpu.memory_space<hbm>> -> memref<1x81x128xi32, #tpu.memory_space<hbm>>
      %dma_wait3A_77 = tpu.memref_squeeze %dma_wait3A_76 : memref<1x81x128xi32, #tpu.memory_space<hbm>> -> memref<81x128xi32, #tpu.memory_space<hbm>>
      tpu.wait_dma2 semaphore(%run_scoped3A : memref<!tpu.dma_semaphore, #tpu.memory_space<semaphore_mem>>) src(%dma_wait3A_77 : memref<81x128xi32, #tpu.memory_space<hbm>>) dst(%arg5 : memref<81x128xi32, #tpu.memory_space<vmem>>)
      tpu.yield
    }) : () -> ()
    %broadcast_in_dim3A = arith.constant 1.000000e+00 : f32
    %broadcast_in_dim3A_1 = vector.broadcast %broadcast_in_dim3A : f32 to vector<16xf32>
    %swap3A = arith.constant 0 : index
    %swap3A_2 = tpu.vector_load %arg6[%swap3A] {strides = array<i32>} : memref<128xf32, #tpu.memory_space<vmem>>, vector<16xf32>,
    %swap3A_3 = vector.shape_cast %swap3A_2 : vector<16xf32> to vector<16xf32>
    %swap3A_4 = vector.shape_cast %broadcast_in_dim3A_1 : vector<16xf32> to vector<16xf32>
    tpu.vector_store %arg6[%swap3A], %swap3A_4 {strides = array<i32>} : memref<128xf32, #tpu.memory_space<vmem>>, vector<16xf32>,
    %broadcast_in_dim3A_5 = arith.constant 1.000000e+00 : f32
    %broadcast_in_dim3A_6 = vector.broadcast %broadcast_in_dim3A_5 : f32 to vector<16xf32>
    %swap3A_7 = arith.constant 16 : index
    %swap3A_8 = tpu.vector_load %arg6[%swap3A_7] {strides = array<i32>} : memref<128xf32, #tpu.memory_space<vmem>>, vector<16xf32>,
    %swap3A_9 = vector.shape_cast %swap3A_8 : vector<16xf32> to vector<16xf32>
    %swap3A_10 = vector.shape_cast %broadcast_in_dim3A_6 : vector<16xf32> to vector<16xf32>
    tpu.vector_store %arg6[%swap3A_7], %swap3A_10 {strides = array<i32>} : memref<128xf32, #tpu.memory_space<vmem>>, vector<16xf32>,
    %broadcast_in_dim3A_11 = arith.constant 1.000000e+00 : f32
    %broadcast_in_dim3A_12 = vector.broadcast %broadcast_in_dim3A_11 : f32 to vector<16xf32>
    %swap3A_13 = arith.constant 32 : index
    %swap3A_14 = tpu.vector_load %arg6[%swap3A_13] {strides = array<i32>} : memref<128xf32, #tpu.memory_space<vmem>>, vector<16xf32>,
    %swap3A_15 = vector.shape_cast %swap3A_14 : vector<16xf32> to vector<16xf32>
    %swap3A_16 = vector.shape_cast %broadcast_in_dim3A_12 : vector<16xf32> to vector<16xf32>
    tpu.vector_store %arg6[%swap3A_13], %swap3A_16 {strides = array<i32>} : memref<128xf32, #tpu.memory_space<vmem>>, vector<16xf32>,
    %broadcast_in_dim3A_17 = arith.constant 1.000000e+00 : f32
    %broadcast_in_dim3A_18 = vector.broadcast %broadcast_in_dim3A_17 : f32 to vector<16xf32>
    %swap3A_19 = arith.constant 48 : index
    %swap3A_20 = tpu.vector_load %arg6[%swap3A_19] {strides = array<i32>} : memref<128xf32, #tpu.memory_space<vmem>>, vector<16xf32>,
    %swap3A_21 = vector.shape_cast %swap3A_20 : vector<16xf32> to vector<16xf32>
    %swap3A_22 = vector.shape_cast %broadcast_in_dim3A_18 : vector<16xf32> to vector<16xf32>
    tpu.vector_store %arg6[%swap3A_19], %swap3A_22 {strides = array<i32>} : memref<128xf32, #tpu.memory_space<vmem>>, vector<16xf32>,
    %broadcast_in_dim3A_23 = arith.constant 1.000000e+00 : f32
    %broadcast_in_dim3A_24 = vector.broadcast %broadcast_in_dim3A_23 : f32 to vector<16xf32>
    %swap3A_25 = arith.constant 64 : index
    %swap3A_26 = tpu.vector_load %arg6[%swap3A_25] {strides = array<i32>} : memref<128xf32, #tpu.memory_space<vmem>>, vector<16xf32>,
    %swap3A_27 = vector.shape_cast %swap3A_26 : vector<16xf32> to vector<16xf32>
    %swap3A_28 = vector.shape_cast %broadcast_in_dim3A_24 : vector<16xf32> to vector<16xf32>
    tpu.vector_store %arg6[%swap3A_25], %swap3A_28 {strides = array<i32>} : memref<128xf32, #tpu.memory_space<vmem>>, vector<16xf32>,
    %broadcast_in_dim3A_29 = arith.constant 1.000000e+00 : f32
    %broadcast_in_dim3A_30 = vector.broadcast %broadcast_in_dim3A_29 : f32 to vector<16xf32>
    %swap3A_31 = arith.constant 80 : index
    %swap3A_32 = tpu.vector_load %arg6[%swap3A_31] {strides = array<i32>} : memref<128xf32, #tpu.memory_space<vmem>>, vector<16xf32>,
    %swap3A_33 = vector.shape_cast %swap3A_32 : vector<16xf32> to vector<16xf32>
    %swap3A_34 = vector.shape_cast %broadcast_in_dim3A_30 : vector<16xf32> to vector<16xf32>
    tpu.vector_store %arg6[%swap3A_31], %swap3A_34 {strides = array<i32>} : memref<128xf32, #tpu.memory_space<vmem>>, vector<16xf32>,
    %broadcast_in_dim3A_35 = arith.constant 1.000000e+00 : f32
    %broadcast_in_dim3A_36 = vector.broadcast %broadcast_in_dim3A_35 : f32 to vector<16xf32>
    %swap3A_37 = arith.constant 96 : index
    %swap3A_38 = tpu.vector_load %arg6[%swap3A_37] {strides = array<i32>} : memref<128xf32, #tpu.memory_space<vmem>>, vector<16xf32>,
    %swap3A_39 = vector.shape_cast %swap3A_38 : vector<16xf32> to vector<16xf32>
    %swap3A_40 = vector.shape_cast %broadcast_in_dim3A_36 : vector<16xf32> to vector<16xf32>
    tpu.vector_store %arg6[%swap3A_37], %swap3A_40 {strides = array<i32>} : memref<128xf32, #tpu.memory_space<vmem>>, vector<16xf32>,
    %broadcast_in_dim3A_41 = arith.constant 1.000000e+00 : f32
    %broadcast_in_dim3A_42 = vector.broadcast %broadcast_in_dim3A_41 : f32 to vector<16xf32>
    %swap3A_43 = arith.constant 112 : index
    %swap3A_44 = tpu.vector_load %arg6[%swap3A_43] {strides = array<i32>} : memref<128xf32, #tpu.memory_space<vmem>>, vector<16xf32>,
    %swap3A_45 = vector.shape_cast %swap3A_44 : vector<16xf32> to vector<16xf32>
    %swap3A_46 = vector.shape_cast %broadcast_in_dim3A_42 : vector<16xf32> to vector<16xf32>
    tpu.vector_store %arg6[%swap3A_43], %swap3A_46 {strides = array<i32>} : memref<128xf32, #tpu.memory_space<vmem>>, vector<16xf32>,
    %mul3A_47 = arith.constant 640 : i32
    %mul3A_48 = arith.muli %arg1, %mul3A_47 : i32
    %mul3A_49 = arith.constant 640 : i32
    %mul3A_50 = arith.muli %arg1, %mul3A_49 : i32
    "tpu.region"() ({
      %run_scoped3A = tpu.sem_alloc : memref<!tpu.dma_semaphore, #tpu.memory_space<semaphore_mem>>
      %dma_start3A = tpu.memref_slice %arg7[%mul3A_50] : memref<10240xf32, #tpu.memory_space<vmem_shared>> -> memref<640xf32, #tpu.memory_space<vmem_shared>>
      %dma_start3A_64 = tpu.memref_slice %arg3[%mul3A_48] : memref<10240xf32, #tpu.memory_space<hbm>> -> memref<640xf32, #tpu.memory_space<hbm>>
      tpu.enqueue_dma source(%dma_start3A_64 : memref<640xf32, #tpu.memory_space<hbm>>) target(%dma_start3A : memref<640xf32, #tpu.memory_space<vmem_shared>>) target_semaphore(%run_scoped3A : memref<!tpu.dma_semaphore, #tpu.memory_space<semaphore_mem>>)
      %dma_wait3A = tpu.memref_slice %arg7[%mul3A_50] : memref<10240xf32, #tpu.memory_space<vmem_shared>> -> memref<640xf32, #tpu.memory_space<vmem_shared>>
      %dma_wait3A_65 = tpu.memref_slice %arg3[%mul3A_48] : memref<10240xf32, #tpu.memory_space<hbm>> -> memref<640xf32, #tpu.memory_space<hbm>>
      tpu.wait_dma2 semaphore(%run_scoped3A : memref<!tpu.dma_semaphore, #tpu.memory_space<semaphore_mem>>) src(%dma_wait3A_65 : memref<640xf32, #tpu.memory_space<hbm>>) dst(%dma_wait3A : memref<640xf32, #tpu.memory_space<vmem_shared>>)
      tpu.yield
    }) : () -> ()
    %barrier3A = arith.constant 0 : index
    tpu.barrier barrier_id(%barrier3A)
    %scan3A = arith.constant 0 : i32
    %scan3A_51 = arith.constant 0 : i32
    %scan3A_52 = arith.constant 81 : i32
    %scan3A_53 = arith.addi %scan3A_51, %scan3A_52 : i32
    %scan3A_54 = arith.constant 1 : i32
    scf.for %scan3A_64 = %scan3A_51 to %scan3A_53 step %scan3A_54  : i32 {
      "tpu.region"() ({
        %run_scoped3A = tpu.sem_alloc : memref<!tpu.dma_semaphore, #tpu.memory_space<semaphore_mem>>
        %dma_start3A = arith.constant 0 : i32
        %dma_start3A_65 = tpu.memref_slice %arg5[%scan3A_64, %dma_start3A] : memref<81x128xi32, #tpu.memory_space<vmem>> -> memref<1x128xi32, #tpu.memory_space<vmem>>
        %dma_start3A_66 = tpu.memref_squeeze %dma_start3A_65 : memref<1x128xi32, #tpu.memory_space<vmem>> -> memref<128xi32, #tpu.memory_space<vmem>>
        %dma_start3A_67 = arith.constant 0 : i32
        %dma_start3A_68 = tpu.memref_slice %arg7[%dma_start3A_67] : memref<10240xf32, #tpu.memory_space<vmem_shared>> -> memref<10240xf32, #tpu.memory_space<vmem_shared>>
        tpu.enqueue_indirect_dma source(%arg6 : memref<128xf32, #tpu.memory_space<vmem>>) target(%dma_start3A_68 : memref<10240xf32, #tpu.memory_space<vmem_shared>>) offsets(%dma_start3A_66 : memref<128xi32, #tpu.memory_space<vmem>>) semaphore(%run_scoped3A : memref<!tpu.dma_semaphore, #tpu.memory_space<semaphore_mem>>) {add = true}
        %dma_wait3A = arith.constant 0 : i32
        %dma_wait3A_69 = tpu.memref_slice %arg5[%scan3A_64, %dma_wait3A] : memref<81x128xi32, #tpu.memory_space<vmem>> -> memref<1x128xi32, #tpu.memory_space<vmem>>
        %dma_wait3A_70 = tpu.memref_squeeze %dma_wait3A_69 : memref<1x128xi32, #tpu.memory_space<vmem>> -> memref<128xi32, #tpu.memory_space<vmem>>
        %dma_wait3A_71 = arith.constant 0 : i32
        %dma_wait3A_72 = tpu.memref_slice %arg7[%dma_wait3A_71] : memref<10240xf32, #tpu.memory_space<vmem_shared>> -> memref<10240xf32, #tpu.memory_space<vmem_shared>>
        tpu.wait_indirect_dma semaphore(%run_scoped3A : memref<!tpu.dma_semaphore, #tpu.memory_space<semaphore_mem>>) src(%arg6 : memref<128xf32, #tpu.memory_space<vmem>>) dst(%dma_wait3A_72 : memref<10240xf32, #tpu.memory_space<vmem_shared>>)
        tpu.yield
      }) : () -> ()
    }
    %scan3A_55 = arith.constant 81 : i32
    %barrier3A_56 = arith.constant 0 : index
    tpu.barrier barrier_id(%barrier3A_56)
    %mul3A_57 = arith.constant 640 : i32
    %mul3A_58 = arith.muli %arg1, %mul3A_57 : i32
    %mul3A_59 = arith.constant 10240 : i32
    %mul3A_60 = arith.muli %arg0, %mul3A_59 : i32
    %mul3A_61 = arith.constant 640 : i32
    %mul3A_62 = arith.muli %arg1, %mul3A_61 : i32
    %add3A_63 = arith.addi %mul3A_60, %mul3A_62 : i32
    "tpu.region"() ({
      %run_scoped3A = tpu.sem_alloc : memref<!tpu.dma_semaphore, #tpu.memory_space<semaphore_mem>>
      %dma_start3A = tpu.memref_slice %arg4[%add3A_63] : memref<20480xf32, #tpu.memory_space<hbm>> -> memref<640xf32, #tpu.memory_space<hbm>>
      %dma_start3A_64 = tpu.memref_slice %arg7[%mul3A_58] : memref<10240xf32, #tpu.memory_space<vmem_shared>> -> memref<640xf32, #tpu.memory_space<vmem_shared>>
      tpu.enqueue_dma source(%dma_start3A_64 : memref<640xf32, #tpu.memory_space<vmem_shared>>) target(%dma_start3A : memref<640xf32, #tpu.memory_space<hbm>>) target_semaphore(%run_scoped3A : memref<!tpu.dma_semaphore, #tpu.memory_space<semaphore_mem>>)
      %dma_wait3A = tpu.memref_slice %arg4[%add3A_63] : memref<20480xf32, #tpu.memory_space<hbm>> -> memref<640xf32, #tpu.memory_space<hbm>>
      %dma_wait3A_65 = tpu.memref_slice %arg7[%mul3A_58] : memref<10240xf32, #tpu.memory_space<vmem_shared>> -> memref<640xf32, #tpu.memory_space<vmem_shared>>
      tpu.wait_dma2 semaphore(%run_scoped3A : memref<!tpu.dma_semaphore, #tpu.memory_space<semaphore_mem>>) src(%dma_wait3A_65 : memref<640xf32, #tpu.memory_space<vmem_shared>>) dst(%dma_wait3A : memref<640xf32, #tpu.memory_space<hbm>>)
      tpu.yield
    }) : () -> ()
    return
  }
}

#map = affine_map<(d0, d1) -> (0, 0)>
#map1 = affine_map<(d0, d1) -> (0, 0, 0)>
module attributes {stable_mosaic.version = 14 : i64} {
  func.func @k(%arg0: i32, %arg1: i32, %arg2: memref<10240x128xf32, #tpu.memory_space<hbm>>, %arg3: memref<32x81x128xi32, #tpu.memory_space<hbm>>, %arg4: memref<32x81x128xi32, #tpu.memory_space<hbm>>, %arg5: memref<10240x128xf32, #tpu.memory_space<hbm>>, %arg6: memref<2x10240x128xf32, #tpu.memory_space<hbm>>, %arg7: memref<81x128xi32, #tpu.memory_space<vmem>>, %arg8: memref<81x128xi32, #tpu.memory_space<vmem>>, %arg9: memref<3x64x128xf32, #tpu.memory_space<vmem>>, %arg10: memref<10240x128xf32, #tpu.memory_space<vmem_shared>>, %arg11: memref<!tpu.dma_semaphore, #tpu.memory_space<semaphore_mem>>, %arg12: memref<!tpu.dma_semaphore, #tpu.memory_space<semaphore_mem>>, %arg13: memref<!tpu.dma_semaphore, #tpu.memory_space<semaphore_mem>>) attributes {dimension_semantics = [#tpu.dimension_semantics<core_parallel>, #tpu.dimension_semantics<subcore_parallel>], iteration_bounds = array<i64: 2, 16>, scalar_prefetch = 0 : i64, scratch_operands = 7 : i64, tpu.core_type = #tpu.core_type<sc_vector_subcore>, window_params = [{transform_indices = #map}, {transform_indices = #map1}, {transform_indices = #map1}, {transform_indices = #map}, {transform_indices = #map1}]} {
    %mul3A = arith.constant 2 : i32
    %mul3A_0 = arith.muli %arg1, %mul3A : i32
    %add3A = arith.addi %mul3A_0, %arg0 : i32
    "tpu.region"() ({
      %run_scoped3A_92 = tpu.sem_alloc : memref<!tpu.dma_semaphore, #tpu.memory_space<semaphore_mem>>
      %dma_start3A_93 = arith.constant 0 : i32
      %dma_start3A_94 = arith.constant 0 : i32
      %dma_start3A_95 = tpu.memref_slice %arg3[%add3A, %dma_start3A_93, %dma_start3A_94] : memref<32x81x128xi32, #tpu.memory_space<hbm>> -> memref<1x81x128xi32, #tpu.memory_space<hbm>>
      %dma_start3A_96 = tpu.memref_squeeze %dma_start3A_95 : memref<1x81x128xi32, #tpu.memory_space<hbm>> -> memref<81x128xi32, #tpu.memory_space<hbm>>
      %dma_start3A_97 = arith.constant 0 : i32
      %dma_start3A_98 = arith.constant 0 : i32
      %dma_start3A_99 = tpu.memref_slice %arg3[%add3A, %dma_start3A_97, %dma_start3A_98] : memref<32x81x128xi32, #tpu.memory_space<hbm>> -> memref<1x81x128xi32, #tpu.memory_space<hbm>>
      %dma_start3A_100 = tpu.memref_squeeze %dma_start3A_99 : memref<1x81x128xi32, #tpu.memory_space<hbm>> -> memref<81x128xi32, #tpu.memory_space<hbm>>
      tpu.enqueue_dma source(%dma_start3A_100 : memref<81x128xi32, #tpu.memory_space<hbm>>) target(%arg7 : memref<81x128xi32, #tpu.memory_space<vmem>>) target_semaphore(%run_scoped3A_92 : memref<!tpu.dma_semaphore, #tpu.memory_space<semaphore_mem>>)
      %dma_wait3A_101 = arith.constant 0 : i32
      %dma_wait3A_102 = arith.constant 0 : i32
      %dma_wait3A_103 = tpu.memref_slice %arg3[%add3A, %dma_wait3A_101, %dma_wait3A_102] : memref<32x81x128xi32, #tpu.memory_space<hbm>> -> memref<1x81x128xi32, #tpu.memory_space<hbm>>
      %dma_wait3A_104 = tpu.memref_squeeze %dma_wait3A_103 : memref<1x81x128xi32, #tpu.memory_space<hbm>> -> memref<81x128xi32, #tpu.memory_space<hbm>>
      %dma_wait3A_105 = arith.constant 0 : i32
      %dma_wait3A_106 = arith.constant 0 : i32
      %dma_wait3A_107 = tpu.memref_slice %arg3[%add3A, %dma_wait3A_105, %dma_wait3A_106] : memref<32x81x128xi32, #tpu.memory_space<hbm>> -> memref<1x81x128xi32, #tpu.memory_space<hbm>>
      %dma_wait3A_108 = tpu.memref_squeeze %dma_wait3A_107 : memref<1x81x128xi32, #tpu.memory_space<hbm>> -> memref<81x128xi32, #tpu.memory_space<hbm>>
      tpu.wait_dma2 semaphore(%run_scoped3A_92 : memref<!tpu.dma_semaphore, #tpu.memory_space<semaphore_mem>>) src(%dma_wait3A_108 : memref<81x128xi32, #tpu.memory_space<hbm>>) dst(%arg7 : memref<81x128xi32, #tpu.memory_space<vmem>>)
      tpu.yield
    }) : () -> ()
    "tpu.region"() ({
      %run_scoped3A_92 = tpu.sem_alloc : memref<!tpu.dma_semaphore, #tpu.memory_space<semaphore_mem>>
      %dma_start3A_93 = arith.constant 0 : i32
      %dma_start3A_94 = arith.constant 0 : i32
      %dma_start3A_95 = tpu.memref_slice %arg4[%add3A, %dma_start3A_93, %dma_start3A_94] : memref<32x81x128xi32, #tpu.memory_space<hbm>> -> memref<1x81x128xi32, #tpu.memory_space<hbm>>
      %dma_start3A_96 = tpu.memref_squeeze %dma_start3A_95 : memref<1x81x128xi32, #tpu.memory_space<hbm>> -> memref<81x128xi32, #tpu.memory_space<hbm>>
      %dma_start3A_97 = arith.constant 0 : i32
      %dma_start3A_98 = arith.constant 0 : i32
      %dma_start3A_99 = tpu.memref_slice %arg4[%add3A, %dma_start3A_97, %dma_start3A_98] : memref<32x81x128xi32, #tpu.memory_space<hbm>> -> memref<1x81x128xi32, #tpu.memory_space<hbm>>
      %dma_start3A_100 = tpu.memref_squeeze %dma_start3A_99 : memref<1x81x128xi32, #tpu.memory_space<hbm>> -> memref<81x128xi32, #tpu.memory_space<hbm>>
      tpu.enqueue_dma source(%dma_start3A_100 : memref<81x128xi32, #tpu.memory_space<hbm>>) target(%arg8 : memref<81x128xi32, #tpu.memory_space<vmem>>) target_semaphore(%run_scoped3A_92 : memref<!tpu.dma_semaphore, #tpu.memory_space<semaphore_mem>>)
      %dma_wait3A_101 = arith.constant 0 : i32
      %dma_wait3A_102 = arith.constant 0 : i32
      %dma_wait3A_103 = tpu.memref_slice %arg4[%add3A, %dma_wait3A_101, %dma_wait3A_102] : memref<32x81x128xi32, #tpu.memory_space<hbm>> -> memref<1x81x128xi32, #tpu.memory_space<hbm>>
      %dma_wait3A_104 = tpu.memref_squeeze %dma_wait3A_103 : memref<1x81x128xi32, #tpu.memory_space<hbm>> -> memref<81x128xi32, #tpu.memory_space<hbm>>
      %dma_wait3A_105 = arith.constant 0 : i32
      %dma_wait3A_106 = arith.constant 0 : i32
      %dma_wait3A_107 = tpu.memref_slice %arg4[%add3A, %dma_wait3A_105, %dma_wait3A_106] : memref<32x81x128xi32, #tpu.memory_space<hbm>> -> memref<1x81x128xi32, #tpu.memory_space<hbm>>
      %dma_wait3A_108 = tpu.memref_squeeze %dma_wait3A_107 : memref<1x81x128xi32, #tpu.memory_space<hbm>> -> memref<81x128xi32, #tpu.memory_space<hbm>>
      tpu.wait_dma2 semaphore(%run_scoped3A_92 : memref<!tpu.dma_semaphore, #tpu.memory_space<semaphore_mem>>) src(%dma_wait3A_108 : memref<81x128xi32, #tpu.memory_space<hbm>>) dst(%arg8 : memref<81x128xi32, #tpu.memory_space<vmem>>)
      tpu.yield
    }) : () -> ()
    %eq3A = arith.constant 0 : i32
    %eq3A_1 = arith.cmpi eq, %arg0, %eq3A : i32
    %convert_element_type3A = arith.extui %eq3A_1 : i1 to i32
    %cond3A = arith.constant 0 : i32
    %cond3A_2 = arith.cmpi ne, %convert_element_type3A, %cond3A : i32
    scf.if %cond3A_2 {
      %mul3A_92 = arith.constant 640 : i32
      %mul3A_93 = arith.muli %arg1, %mul3A_92 : i32
      %mul3A_94 = arith.constant 640 : i32
      %mul3A_95 = arith.muli %arg1, %mul3A_94 : i32
      "tpu.region"() ({
        %run_scoped3A_96 = tpu.sem_alloc : memref<!tpu.dma_semaphore, #tpu.memory_space<semaphore_mem>>
        %dma_start3A_97 = arith.constant 0 : i32
        %dma_start3A_98 = tpu.memref_slice %arg10[%mul3A_95, %dma_start3A_97] : memref<10240x128xf32, #tpu.memory_space<vmem_shared>> -> memref<640x128xf32, #tpu.memory_space<vmem_shared>>
        %dma_start3A_99 = arith.constant 0 : i32
        %dma_start3A_100 = tpu.memref_slice %arg2[%mul3A_93, %dma_start3A_99] : memref<10240x128xf32, #tpu.memory_space<hbm>> -> memref<640x128xf32, #tpu.memory_space<hbm>>
        tpu.enqueue_dma source(%dma_start3A_100 : memref<640x128xf32, #tpu.memory_space<hbm>>) target(%dma_start3A_98 : memref<640x128xf32, #tpu.memory_space<vmem_shared>>) target_semaphore(%run_scoped3A_96 : memref<!tpu.dma_semaphore, #tpu.memory_space<semaphore_mem>>)
        %dma_wait3A_101 = arith.constant 0 : i32
        %dma_wait3A_102 = tpu.memref_slice %arg10[%mul3A_95, %dma_wait3A_101] : memref<10240x128xf32, #tpu.memory_space<vmem_shared>> -> memref<640x128xf32, #tpu.memory_space<vmem_shared>>
        %dma_wait3A_103 = arith.constant 0 : i32
        %dma_wait3A_104 = tpu.memref_slice %arg2[%mul3A_93, %dma_wait3A_103] : memref<10240x128xf32, #tpu.memory_space<hbm>> -> memref<640x128xf32, #tpu.memory_space<hbm>>
        tpu.wait_dma2 semaphore(%run_scoped3A_96 : memref<!tpu.dma_semaphore, #tpu.memory_space<semaphore_mem>>) src(%dma_wait3A_104 : memref<640x128xf32, #tpu.memory_space<hbm>>) dst(%dma_wait3A_102 : memref<640x128xf32, #tpu.memory_space<vmem_shared>>)
        tpu.yield
      }) : () -> ()
    } else {
    }
    %ne3A = arith.constant 0 : i32
    %ne3A_3 = arith.cmpi ne, %arg0, %ne3A : i32
    %convert_element_type3A_4 = arith.extui %ne3A_3 : i1 to i32
    %cond3A_5 = arith.constant 0 : i32
    %cond3A_6 = arith.cmpi ne, %convert_element_type3A_4, %cond3A_5 : i32
    scf.if %cond3A_6 {
      %mul3A_92 = arith.constant 640 : i32
      %mul3A_93 = arith.muli %arg1, %mul3A_92 : i32
      %mul3A_94 = arith.constant 640 : i32
      %mul3A_95 = arith.muli %arg1, %mul3A_94 : i32
      "tpu.region"() ({
        %run_scoped3A_96 = tpu.sem_alloc : memref<!tpu.dma_semaphore, #tpu.memory_space<semaphore_mem>>
        %dma_start3A_97 = arith.constant 0 : i32
        %dma_start3A_98 = tpu.memref_slice %arg10[%mul3A_95, %dma_start3A_97] : memref<10240x128xf32, #tpu.memory_space<vmem_shared>> -> memref<640x128xf32, #tpu.memory_space<vmem_shared>>
        %dma_start3A_99 = arith.constant 0 : i32
        %dma_start3A_100 = tpu.memref_slice %arg5[%mul3A_93, %dma_start3A_99] : memref<10240x128xf32, #tpu.memory_space<hbm>> -> memref<640x128xf32, #tpu.memory_space<hbm>>
        tpu.enqueue_dma source(%dma_start3A_100 : memref<640x128xf32, #tpu.memory_space<hbm>>) target(%dma_start3A_98 : memref<640x128xf32, #tpu.memory_space<vmem_shared>>) target_semaphore(%run_scoped3A_96 : memref<!tpu.dma_semaphore, #tpu.memory_space<semaphore_mem>>)
        %dma_wait3A_101 = arith.constant 0 : i32
        %dma_wait3A_102 = tpu.memref_slice %arg10[%mul3A_95, %dma_wait3A_101] : memref<10240x128xf32, #tpu.memory_space<vmem_shared>> -> memref<640x128xf32, #tpu.memory_space<vmem_shared>>
        %dma_wait3A_103 = arith.constant 0 : i32
        %dma_wait3A_104 = tpu.memref_slice %arg5[%mul3A_93, %dma_wait3A_103] : memref<10240x128xf32, #tpu.memory_space<hbm>> -> memref<640x128xf32, #tpu.memory_space<hbm>>
        tpu.wait_dma2 semaphore(%run_scoped3A_96 : memref<!tpu.dma_semaphore, #tpu.memory_space<semaphore_mem>>) src(%dma_wait3A_104 : memref<640x128xf32, #tpu.memory_space<hbm>>) dst(%dma_wait3A_102 : memref<640x128xf32, #tpu.memory_space<vmem_shared>>)
        tpu.yield
      }) : () -> ()
    } else {
    }
    %barrier3A = arith.constant 0 : index
    tpu.barrier barrier_id(%barrier3A)
    %dma_start3A = arith.constant 0 : i32
    %dma_start3A_7 = arith.constant 0 : i32
    %dma_start3A_8 = arith.constant 0 : i32
    %dma_start3A_9 = arith.constant 0 : i32
    %dma_start3A_10 = tpu.memref_slice %arg9[%dma_start3A_7, %dma_start3A_8, %dma_start3A_9] : memref<3x64x128xf32, #tpu.memory_space<vmem>> -> memref<1x64x128xf32, #tpu.memory_space<vmem>>
    %dma_start3A_11 = tpu.memref_squeeze %dma_start3A_10 : memref<1x64x128xf32, #tpu.memory_space<vmem>> -> memref<64x128xf32, #tpu.memory_space<vmem>>
    %dma_start3A_12 = arith.constant 0 : i32
    %dma_start3A_13 = tpu.memref_slice %arg7[%dma_start3A, %dma_start3A_12] : memref<81x128xi32, #tpu.memory_space<vmem>> -> memref<1x64xi32, #tpu.memory_space<vmem>>
    %dma_start3A_14 = tpu.memref_squeeze %dma_start3A_13 : memref<1x64xi32, #tpu.memory_space<vmem>> -> memref<64xi32, #tpu.memory_space<vmem>>
    %dma_start3A_15 = arith.constant 0 : i32
    %dma_start3A_16 = arith.constant 0 : i32
    %dma_start3A_17 = tpu.memref_slice %arg2[%dma_start3A_15, %dma_start3A_16] : memref<10240x128xf32, #tpu.memory_space<hbm>> -> memref<10240x128xf32, #tpu.memory_space<hbm>>
    tpu.enqueue_indirect_dma source(%dma_start3A_17 : memref<10240x128xf32, #tpu.memory_space<hbm>>) target(%dma_start3A_11 : memref<64x128xf32, #tpu.memory_space<vmem>>) offsets(%dma_start3A_14 : memref<64xi32, #tpu.memory_space<vmem>>) semaphore(%arg11 : memref<!tpu.dma_semaphore, #tpu.memory_space<semaphore_mem>>)
    %dma_start3A_18 = arith.constant 0 : i32
    %dma_start3A_19 = arith.constant 1 : i32
    %dma_start3A_20 = arith.constant 0 : i32
    %dma_start3A_21 = arith.constant 0 : i32
    %dma_start3A_22 = tpu.memref_slice %arg9[%dma_start3A_19, %dma_start3A_20, %dma_start3A_21] : memref<3x64x128xf32, #tpu.memory_space<vmem>> -> memref<1x64x128xf32, #tpu.memory_space<vmem>>
    %dma_start3A_23 = tpu.memref_squeeze %dma_start3A_22 : memref<1x64x128xf32, #tpu.memory_space<vmem>> -> memref<64x128xf32, #tpu.memory_space<vmem>>
    %dma_start3A_24 = arith.constant 64 : i32
    %dma_start3A_25 = tpu.memref_slice %arg7[%dma_start3A_18, %dma_start3A_24] : memref<81x128xi32, #tpu.memory_space<vmem>> -> memref<1x64xi32, #tpu.memory_space<vmem>>
    %dma_start3A_26 = tpu.memref_squeeze %dma_start3A_25 : memref<1x64xi32, #tpu.memory_space<vmem>> -> memref<64xi32, #tpu.memory_space<vmem>>
    %dma_start3A_27 = arith.constant 0 : i32
    %dma_start3A_28 = arith.constant 0 : i32
    %dma_start3A_29 = tpu.memref_slice %arg2[%dma_start3A_27, %dma_start3A_28] : memref<10240x128xf32, #tpu.memory_space<hbm>> -> memref<10240x128xf32, #tpu.memory_space<hbm>>
    tpu.enqueue_indirect_dma source(%dma_start3A_29 : memref<10240x128xf32, #tpu.memory_space<hbm>>) target(%dma_start3A_23 : memref<64x128xf32, #tpu.memory_space<vmem>>) offsets(%dma_start3A_26 : memref<64xi32, #tpu.memory_space<vmem>>) semaphore(%arg12 : memref<!tpu.dma_semaphore, #tpu.memory_space<semaphore_mem>>)
    %dma_start3A_30 = arith.constant 1 : i32
    %dma_start3A_31 = arith.constant 2 : i32
    %dma_start3A_32 = arith.constant 0 : i32
    %dma_start3A_33 = arith.constant 0 : i32
    %dma_start3A_34 = tpu.memref_slice %arg9[%dma_start3A_31, %dma_start3A_32, %dma_start3A_33] : memref<3x64x128xf32, #tpu.memory_space<vmem>> -> memref<1x64x128xf32, #tpu.memory_space<vmem>>
    %dma_start3A_35 = tpu.memref_squeeze %dma_start3A_34 : memref<1x64x128xf32, #tpu.memory_space<vmem>> -> memref<64x128xf32, #tpu.memory_space<vmem>>
    %dma_start3A_36 = arith.constant 0 : i32
    %dma_start3A_37 = tpu.memref_slice %arg7[%dma_start3A_30, %dma_start3A_36] : memref<81x128xi32, #tpu.memory_space<vmem>> -> memref<1x64xi32, #tpu.memory_space<vmem>>
    %dma_start3A_38 = tpu.memref_squeeze %dma_start3A_37 : memref<1x64xi32, #tpu.memory_space<vmem>> -> memref<64xi32, #tpu.memory_space<vmem>>
    %dma_start3A_39 = arith.constant 0 : i32
    %dma_start3A_40 = arith.constant 0 : i32
    %dma_start3A_41 = tpu.memref_slice %arg2[%dma_start3A_39, %dma_start3A_40] : memref<10240x128xf32, #tpu.memory_space<hbm>> -> memref<10240x128xf32, #tpu.memory_space<hbm>>
    tpu.enqueue_indirect_dma source(%dma_start3A_41 : memref<10240x128xf32, #tpu.memory_space<hbm>>) target(%dma_start3A_35 : memref<64x128xf32, #tpu.memory_space<vmem>>) offsets(%dma_start3A_38 : memref<64xi32, #tpu.memory_space<vmem>>) semaphore(%arg13 : memref<!tpu.dma_semaphore, #tpu.memory_space<semaphore_mem>>)
    %scan3A = arith.constant 0 : i32
    %scan3A_42 = arith.constant 0 : i32
    %scan3A_43 = arith.constant 53 : i32
    %scan3A_44 = arith.addi %scan3A_42, %scan3A_43 : i32
    %scan3A_45 = arith.constant 1 : i32
    scf.for %scan3A_92 = %scan3A_42 to %scan3A_44 step %scan3A_45  : i32 {
      %mul3A_93 = arith.constant 3 : i32
      %mul3A_94 = arith.muli %scan3A_92, %mul3A_93 : i32
      %add3A_95 = arith.constant 0 : i32
      %add3A_96 = arith.addi %mul3A_94, %add3A_95 : i32
      %jit3A = arith.constant 2 : i32
      %div3A = arith.divsi %add3A_96, %jit3A : i32
      %sign3A = arith.constant 0 : i32
      %sign3A_97 = arith.cmpi sgt, %add3A_96, %sign3A : i32
      %sign3A_98 = arith.extui %sign3A_97 : i1 to i32
      %sign3A_99 = arith.constant 0 : i32
      %sign3A_100 = arith.cmpi slt, %add3A_96, %sign3A_99 : i32
      %sign3A_101 = arith.extui %sign3A_100 : i1 to i32
      %sign3A_102 = arith.subi %sign3A_98, %sign3A_101 : i32
      %sign3A_103 = arith.constant 0 : i32
      %sign3A_104 = arith.cmpi sgt, %jit3A, %sign3A_103 : i32
      %sign3A_105 = arith.extui %sign3A_104 : i1 to i32
      %sign3A_106 = arith.constant 0 : i32
      %sign3A_107 = arith.cmpi slt, %jit3A, %sign3A_106 : i32
      %sign3A_108 = arith.extui %sign3A_107 : i1 to i32
      %sign3A_109 = arith.subi %sign3A_105, %sign3A_108 : i32
      %ne3A_110 = arith.cmpi ne, %sign3A_102, %sign3A_109 : i32
      %rem3A = arith.remsi %add3A_96, %jit3A : i32
      %ne3A_111 = arith.constant 0 : i32
      %ne3A_112 = arith.cmpi ne, %rem3A, %ne3A_111 : i32
      %and3A = arith.andi %ne3A_110, %ne3A_112 : i1
      %sub3A = arith.constant 1 : i32
      %sub3A_113 = arith.subi %div3A, %sub3A : i32
      %select_n3A = arith.select %and3A, %sub3A_113, %div3A : i32
      %mul3A_114 = arith.constant 2 : i32
      %mul3A_115 = arith.muli %mul3A_114, %select_n3A : i32
      %sub3A_116 = arith.subi %add3A_96, %mul3A_115 : i32
      %mul3A_117 = arith.constant 64 : i32
      %mul3A_118 = arith.muli %sub3A_116, %mul3A_117 : i32
      %dma_wait3A_119 = arith.constant 0 : i32
      %dma_wait3A_120 = arith.constant 0 : i32
      %dma_wait3A_121 = arith.constant 0 : i32
      %dma_wait3A_122 = tpu.memref_slice %arg9[%dma_wait3A_119, %dma_wait3A_120, %dma_wait3A_121] : memref<3x64x128xf32, #tpu.memory_space<vmem>> -> memref<1x64x128xf32, #tpu.memory_space<vmem>>
      %dma_wait3A_123 = tpu.memref_squeeze %dma_wait3A_122 : memref<1x64x128xf32, #tpu.memory_space<vmem>> -> memref<64x128xf32, #tpu.memory_space<vmem>>
      %dma_wait3A_124 = tpu.memref_slice %arg7[%select_n3A, %mul3A_118] : memref<81x128xi32, #tpu.memory_space<vmem>> -> memref<1x64xi32, #tpu.memory_space<vmem>>
      %dma_wait3A_125 = tpu.memref_squeeze %dma_wait3A_124 : memref<1x64xi32, #tpu.memory_space<vmem>> -> memref<64xi32, #tpu.memory_space<vmem>>
      %dma_wait3A_126 = arith.constant 0 : i32
      %dma_wait3A_127 = arith.constant 0 : i32
      %dma_wait3A_128 = tpu.memref_slice %arg2[%dma_wait3A_126, %dma_wait3A_127] : memref<10240x128xf32, #tpu.memory_space<hbm>> -> memref<10240x128xf32, #tpu.memory_space<hbm>>
      tpu.wait_indirect_dma semaphore(%arg11 : memref<!tpu.dma_semaphore, #tpu.memory_space<semaphore_mem>>) src(%dma_wait3A_128 : memref<10240x128xf32, #tpu.memory_space<hbm>>) dst(%dma_wait3A_123 : memref<64x128xf32, #tpu.memory_space<vmem>>)
      %run_scoped3A_129 = arith.constant 0 : i32
      "tpu.region"() ({
        %run_scoped3A_337 = tpu.sem_alloc : memref<!tpu.dma_semaphore, #tpu.memory_space<semaphore_mem>>
        %dma_start3A_338 = arith.constant 0 : i32
        %dma_start3A_339 = arith.constant 0 : i32
        %dma_start3A_340 = tpu.memref_slice %arg9[%run_scoped3A_129, %dma_start3A_338, %dma_start3A_339] : memref<3x64x128xf32, #tpu.memory_space<vmem>> -> memref<1x64x128xf32, #tpu.memory_space<vmem>>
        %dma_start3A_341 = tpu.memref_squeeze %dma_start3A_340 : memref<1x64x128xf32, #tpu.memory_space<vmem>> -> memref<64x128xf32, #tpu.memory_space<vmem>>
        %dma_start3A_342 = tpu.memref_slice %arg8[%select_n3A, %mul3A_118] : memref<81x128xi32, #tpu.memory_space<vmem>> -> memref<1x64xi32, #tpu.memory_space<vmem>>
        %dma_start3A_343 = tpu.memref_squeeze %dma_start3A_342 : memref<1x64xi32, #tpu.memory_space<vmem>> -> memref<64xi32, #tpu.memory_space<vmem>>
        %dma_start3A_344 = arith.constant 0 : i32
        %dma_start3A_345 = arith.constant 0 : i32
        %dma_start3A_346 = tpu.memref_slice %arg10[%dma_start3A_344, %dma_start3A_345] : memref<10240x128xf32, #tpu.memory_space<vmem_shared>> -> memref<10240x128xf32, #tpu.memory_space<vmem_shared>>
        tpu.enqueue_indirect_dma source(%dma_start3A_341 : memref<64x128xf32, #tpu.memory_space<vmem>>) target(%dma_start3A_346 : memref<10240x128xf32, #tpu.memory_space<vmem_shared>>) offsets(%dma_start3A_343 : memref<64xi32, #tpu.memory_space<vmem>>) semaphore(%run_scoped3A_337 : memref<!tpu.dma_semaphore, #tpu.memory_space<semaphore_mem>>) {add = true}
        %dma_wait3A_347 = arith.constant 0 : i32
        %dma_wait3A_348 = arith.constant 0 : i32
        %dma_wait3A_349 = tpu.memref_slice %arg9[%run_scoped3A_129, %dma_wait3A_347, %dma_wait3A_348] : memref<3x64x128xf32, #tpu.memory_space<vmem>> -> memref<1x64x128xf32, #tpu.memory_space<vmem>>
        %dma_wait3A_350 = tpu.memref_squeeze %dma_wait3A_349 : memref<1x64x128xf32, #tpu.memory_space<vmem>> -> memref<64x128xf32, #tpu.memory_space<vmem>>
        %dma_wait3A_351 = tpu.memref_slice %arg8[%select_n3A, %mul3A_118] : memref<81x128xi32, #tpu.memory_space<vmem>> -> memref<1x64xi32, #tpu.memory_space<vmem>>
        %dma_wait3A_352 = tpu.memref_squeeze %dma_wait3A_351 : memref<1x64xi32, #tpu.memory_space<vmem>> -> memref<64xi32, #tpu.memory_space<vmem>>
        %dma_wait3A_353 = arith.constant 0 : i32
        %dma_wait3A_354 = arith.constant 0 : i32
        %dma_wait3A_355 = tpu.memref_slice %arg10[%dma_wait3A_353, %dma_wait3A_354] : memref<10240x128xf32, #tpu.memory_space<vmem_shared>> -> memref<10240x128xf32, #tpu.memory_space<vmem_shared>>
        tpu.wait_indirect_dma semaphore(%run_scoped3A_337 : memref<!tpu.dma_semaphore, #tpu.memory_space<semaphore_mem>>) src(%dma_wait3A_350 : memref<64x128xf32, #tpu.memory_space<vmem>>) dst(%dma_wait3A_355 : memref<10240x128xf32, #tpu.memory_space<vmem_shared>>)
        tpu.yield
      }) : () -> ()
      %add3A_130 = arith.constant 3 : i32
      %add3A_131 = arith.addi %add3A_96, %add3A_130 : i32
      %jit3A_132 = arith.constant 2 : i32
      %div3A_133 = arith.divsi %add3A_131, %jit3A_132 : i32
      %sign3A_134 = arith.constant 0 : i32
      %sign3A_135 = arith.cmpi sgt, %add3A_131, %sign3A_134 : i32
      %sign3A_136 = arith.extui %sign3A_135 : i1 to i32
      %sign3A_137 = arith.constant 0 : i32
      %sign3A_138 = arith.cmpi slt, %add3A_131, %sign3A_137 : i32
      %sign3A_139 = arith.extui %sign3A_138 : i1 to i32
      %sign3A_140 = arith.subi %sign3A_136, %sign3A_139 : i32
      %sign3A_141 = arith.constant 0 : i32
      %sign3A_142 = arith.cmpi sgt, %jit3A_132, %sign3A_141 : i32
      %sign3A_143 = arith.extui %sign3A_142 : i1 to i32
      %sign3A_144 = arith.constant 0 : i32
      %sign3A_145 = arith.cmpi slt, %jit3A_132, %sign3A_144 : i32
      %sign3A_146 = arith.extui %sign3A_145 : i1 to i32
      %sign3A_147 = arith.subi %sign3A_143, %sign3A_146 : i32
      %ne3A_148 = arith.cmpi ne, %sign3A_140, %sign3A_147 : i32
      %rem3A_149 = arith.remsi %add3A_131, %jit3A_132 : i32
      %ne3A_150 = arith.constant 0 : i32
      %ne3A_151 = arith.cmpi ne, %rem3A_149, %ne3A_150 : i32
      %and3A_152 = arith.andi %ne3A_148, %ne3A_151 : i1
      %sub3A_153 = arith.constant 1 : i32
      %sub3A_154 = arith.subi %div3A_133, %sub3A_153 : i32
      %select_n3A_155 = arith.select %and3A_152, %sub3A_154, %div3A_133 : i32
      %mul3A_156 = arith.constant 2 : i32
      %mul3A_157 = arith.muli %mul3A_156, %select_n3A_155 : i32
      %sub3A_158 = arith.subi %add3A_131, %mul3A_157 : i32
      %mul3A_159 = arith.constant 64 : i32
      %mul3A_160 = arith.muli %sub3A_158, %mul3A_159 : i32
      %dma_start3A_161 = arith.constant 0 : i32
      %dma_start3A_162 = arith.constant 0 : i32
      %dma_start3A_163 = arith.constant 0 : i32
      %dma_start3A_164 = tpu.memref_slice %arg9[%dma_start3A_161, %dma_start3A_162, %dma_start3A_163] : memref<3x64x128xf32, #tpu.memory_space<vmem>> -> memref<1x64x128xf32, #tpu.memory_space<vmem>>
      %dma_start3A_165 = tpu.memref_squeeze %dma_start3A_164 : memref<1x64x128xf32, #tpu.memory_space<vmem>> -> memref<64x128xf32, #tpu.memory_space<vmem>>
      %dma_start3A_166 = tpu.memref_slice %arg7[%select_n3A_155, %mul3A_160] : memref<81x128xi32, #tpu.memory_space<vmem>> -> memref<1x64xi32, #tpu.memory_space<vmem>>
      %dma_start3A_167 = tpu.memref_squeeze %dma_start3A_166 : memref<1x64xi32, #tpu.memory_space<vmem>> -> memref<64xi32, #tpu.memory_space<vmem>>
      %dma_start3A_168 = arith.constant 0 : i32
      %dma_start3A_169 = arith.constant 0 : i32
      %dma_start3A_170 = tpu.memref_slice %arg2[%dma_start3A_168, %dma_start3A_169] : memref<10240x128xf32, #tpu.memory_space<hbm>> -> memref<10240x128xf32, #tpu.memory_space<hbm>>
      tpu.enqueue_indirect_dma source(%dma_start3A_170 : memref<10240x128xf32, #tpu.memory_space<hbm>>) target(%dma_start3A_165 : memref<64x128xf32, #tpu.memory_space<vmem>>) offsets(%dma_start3A_167 : memref<64xi32, #tpu.memory_space<vmem>>) semaphore(%arg11 : memref<!tpu.dma_semaphore, #tpu.memory_space<semaphore_mem>>)
      %add3A_171 = arith.constant 1 : i32
      %add3A_172 = arith.addi %mul3A_94, %add3A_171 : i32
      %jit3A_173 = arith.constant 2 : i32
      %div3A_174 = arith.divsi %add3A_172, %jit3A_173 : i32
      %sign3A_175 = arith.constant 0 : i32
      %sign3A_176 = arith.cmpi sgt, %add3A_172, %sign3A_175 : i32
      %sign3A_177 = arith.extui %sign3A_176 : i1 to i32
      %sign3A_178 = arith.constant 0 : i32
      %sign3A_179 = arith.cmpi slt, %add3A_172, %sign3A_178 : i32
      %sign3A_180 = arith.extui %sign3A_179 : i1 to i32
      %sign3A_181 = arith.subi %sign3A_177, %sign3A_180 : i32
      %sign3A_182 = arith.constant 0 : i32
      %sign3A_183 = arith.cmpi sgt, %jit3A_173, %sign3A_182 : i32
      %sign3A_184 = arith.extui %sign3A_183 : i1 to i32
      %sign3A_185 = arith.constant 0 : i32
      %sign3A_186 = arith.cmpi slt, %jit3A_173, %sign3A_185 : i32
      %sign3A_187 = arith.extui %sign3A_186 : i1 to i32
      %sign3A_188 = arith.subi %sign3A_184, %sign3A_187 : i32
      %ne3A_189 = arith.cmpi ne, %sign3A_181, %sign3A_188 : i32
      %rem3A_190 = arith.remsi %add3A_172, %jit3A_173 : i32
      %ne3A_191 = arith.constant 0 : i32
      %ne3A_192 = arith.cmpi ne, %rem3A_190, %ne3A_191 : i32
      %and3A_193 = arith.andi %ne3A_189, %ne3A_192 : i1
      %sub3A_194 = arith.constant 1 : i32
      %sub3A_195 = arith.subi %div3A_174, %sub3A_194 : i32
      %select_n3A_196 = arith.select %and3A_193, %sub3A_195, %div3A_174 : i32
      %mul3A_197 = arith.constant 2 : i32
      %mul3A_198 = arith.muli %mul3A_197, %select_n3A_196 : i32
      %sub3A_199 = arith.subi %add3A_172, %mul3A_198 : i32
      %mul3A_200 = arith.constant 64 : i32
      %mul3A_201 = arith.muli %sub3A_199, %mul3A_200 : i32
      %dma_wait3A_202 = arith.constant 1 : i32
      %dma_wait3A_203 = arith.constant 0 : i32
      %dma_wait3A_204 = arith.constant 0 : i32
      %dma_wait3A_205 = tpu.memref_slice %arg9[%dma_wait3A_202, %dma_wait3A_203, %dma_wait3A_204] : memref<3x64x128xf32, #tpu.memory_space<vmem>> -> memref<1x64x128xf32, #tpu.memory_space<vmem>>
      %dma_wait3A_206 = tpu.memref_squeeze %dma_wait3A_205 : memref<1x64x128xf32, #tpu.memory_space<vmem>> -> memref<64x128xf32, #tpu.memory_space<vmem>>
      %dma_wait3A_207 = tpu.memref_slice %arg7[%select_n3A_196, %mul3A_201] : memref<81x128xi32, #tpu.memory_space<vmem>> -> memref<1x64xi32, #tpu.memory_space<vmem>>
      %dma_wait3A_208 = tpu.memref_squeeze %dma_wait3A_207 : memref<1x64xi32, #tpu.memory_space<vmem>> -> memref<64xi32, #tpu.memory_space<vmem>>
      %dma_wait3A_209 = arith.constant 0 : i32
      %dma_wait3A_210 = arith.constant 0 : i32
      %dma_wait3A_211 = tpu.memref_slice %arg2[%dma_wait3A_209, %dma_wait3A_210] : memref<10240x128xf32, #tpu.memory_space<hbm>> -> memref<10240x128xf32, #tpu.memory_space<hbm>>
      tpu.wait_indirect_dma semaphore(%arg12 : memref<!tpu.dma_semaphore, #tpu.memory_space<semaphore_mem>>) src(%dma_wait3A_211 : memref<10240x128xf32, #tpu.memory_space<hbm>>) dst(%dma_wait3A_206 : memref<64x128xf32, #tpu.memory_space<vmem>>)
      %run_scoped3A_212 = arith.constant 1 : i32
      "tpu.region"() ({
        %run_scoped3A_337 = tpu.sem_alloc : memref<!tpu.dma_semaphore, #tpu.memory_space<semaphore_mem>>
        %dma_start3A_338 = arith.constant 0 : i32
        %dma_start3A_339 = arith.constant 0 : i32
        %dma_start3A_340 = tpu.memref_slice %arg9[%run_scoped3A_212, %dma_start3A_338, %dma_start3A_339] : memref<3x64x128xf32, #tpu.memory_space<vmem>> -> memref<1x64x128xf32, #tpu.memory_space<vmem>>
        %dma_start3A_341 = tpu.memref_squeeze %dma_start3A_340 : memref<1x64x128xf32, #tpu.memory_space<vmem>> -> memref<64x128xf32, #tpu.memory_space<vmem>>
        %dma_start3A_342 = tpu.memref_slice %arg8[%select_n3A_196, %mul3A_201] : memref<81x128xi32, #tpu.memory_space<vmem>> -> memref<1x64xi32, #tpu.memory_space<vmem>>
        %dma_start3A_343 = tpu.memref_squeeze %dma_start3A_342 : memref<1x64xi32, #tpu.memory_space<vmem>> -> memref<64xi32, #tpu.memory_space<vmem>>
        %dma_start3A_344 = arith.constant 0 : i32
        %dma_start3A_345 = arith.constant 0 : i32
        %dma_start3A_346 = tpu.memref_slice %arg10[%dma_start3A_344, %dma_start3A_345] : memref<10240x128xf32, #tpu.memory_space<vmem_shared>> -> memref<10240x128xf32, #tpu.memory_space<vmem_shared>>
        tpu.enqueue_indirect_dma source(%dma_start3A_341 : memref<64x128xf32, #tpu.memory_space<vmem>>) target(%dma_start3A_346 : memref<10240x128xf32, #tpu.memory_space<vmem_shared>>) offsets(%dma_start3A_343 : memref<64xi32, #tpu.memory_space<vmem>>) semaphore(%run_scoped3A_337 : memref<!tpu.dma_semaphore, #tpu.memory_space<semaphore_mem>>) {add = true}
        %dma_wait3A_347 = arith.constant 0 : i32
        %dma_wait3A_348 = arith.constant 0 : i32
        %dma_wait3A_349 = tpu.memref_slice %arg9[%run_scoped3A_212, %dma_wait3A_347, %dma_wait3A_348] : memref<3x64x128xf32, #tpu.memory_space<vmem>> -> memref<1x64x128xf32, #tpu.memory_space<vmem>>
        %dma_wait3A_350 = tpu.memref_squeeze %dma_wait3A_349 : memref<1x64x128xf32, #tpu.memory_space<vmem>> -> memref<64x128xf32, #tpu.memory_space<vmem>>
        %dma_wait3A_351 = tpu.memref_slice %arg8[%select_n3A_196, %mul3A_201] : memref<81x128xi32, #tpu.memory_space<vmem>> -> memref<1x64xi32, #tpu.memory_space<vmem>>
        %dma_wait3A_352 = tpu.memref_squeeze %dma_wait3A_351 : memref<1x64xi32, #tpu.memory_space<vmem>> -> memref<64xi32, #tpu.memory_space<vmem>>
        %dma_wait3A_353 = arith.constant 0 : i32
        %dma_wait3A_354 = arith.constant 0 : i32
        %dma_wait3A_355 = tpu.memref_slice %arg10[%dma_wait3A_353, %dma_wait3A_354] : memref<10240x128xf32, #tpu.memory_space<vmem_shared>> -> memref<10240x128xf32, #tpu.memory_space<vmem_shared>>
        tpu.wait_indirect_dma semaphore(%run_scoped3A_337 : memref<!tpu.dma_semaphore, #tpu.memory_space<semaphore_mem>>) src(%dma_wait3A_350 : memref<64x128xf32, #tpu.memory_space<vmem>>) dst(%dma_wait3A_355 : memref<10240x128xf32, #tpu.memory_space<vmem_shared>>)
        tpu.yield
      }) : () -> ()
      %add3A_213 = arith.constant 3 : i32
      %add3A_214 = arith.addi %add3A_172, %add3A_213 : i32
      %jit3A_215 = arith.constant 2 : i32
      %div3A_216 = arith.divsi %add3A_214, %jit3A_215 : i32
      %sign3A_217 = arith.constant 0 : i32
      %sign3A_218 = arith.cmpi sgt, %add3A_214, %sign3A_217 : i32
      %sign3A_219 = arith.extui %sign3A_218 : i1 to i32
      %sign3A_220 = arith.constant 0 : i32
      %sign3A_221 = arith.cmpi slt, %add3A_214, %sign3A_220 : i32
      %sign3A_222 = arith.extui %sign3A_221 : i1 to i32
      %sign3A_223 = arith.subi %sign3A_219, %sign3A_222 : i32
      %sign3A_224 = arith.constant 0 : i32
      %sign3A_225 = arith.cmpi sgt, %jit3A_215, %sign3A_224 : i32
      %sign3A_226 = arith.extui %sign3A_225 : i1 to i32
      %sign3A_227 = arith.constant 0 : i32
      %sign3A_228 = arith.cmpi slt, %jit3A_215, %sign3A_227 : i32
      %sign3A_229 = arith.extui %sign3A_228 : i1 to i32
      %sign3A_230 = arith.subi %sign3A_226, %sign3A_229 : i32
      %ne3A_231 = arith.cmpi ne, %sign3A_223, %sign3A_230 : i32
      %rem3A_232 = arith.remsi %add3A_214, %jit3A_215 : i32
      %ne3A_233 = arith.constant 0 : i32
      %ne3A_234 = arith.cmpi ne, %rem3A_232, %ne3A_233 : i32
      %and3A_235 = arith.andi %ne3A_231, %ne3A_234 : i1
      %sub3A_236 = arith.constant 1 : i32
      %sub3A_237 = arith.subi %div3A_216, %sub3A_236 : i32
      %select_n3A_238 = arith.select %and3A_235, %sub3A_237, %div3A_216 : i32
      %mul3A_239 = arith.constant 2 : i32
      %mul3A_240 = arith.muli %mul3A_239, %select_n3A_238 : i32
      %sub3A_241 = arith.subi %add3A_214, %mul3A_240 : i32
      %mul3A_242 = arith.constant 64 : i32
      %mul3A_243 = arith.muli %sub3A_241, %mul3A_242 : i32
      %dma_start3A_244 = arith.constant 1 : i32
      %dma_start3A_245 = arith.constant 0 : i32
      %dma_start3A_246 = arith.constant 0 : i32
      %dma_start3A_247 = tpu.memref_slice %arg9[%dma_start3A_244, %dma_start3A_245, %dma_start3A_246] : memref<3x64x128xf32, #tpu.memory_space<vmem>> -> memref<1x64x128xf32, #tpu.memory_space<vmem>>
      %dma_start3A_248 = tpu.memref_squeeze %dma_start3A_247 : memref<1x64x128xf32, #tpu.memory_space<vmem>> -> memref<64x128xf32, #tpu.memory_space<vmem>>
      %dma_start3A_249 = tpu.memref_slice %arg7[%select_n3A_238, %mul3A_243] : memref<81x128xi32, #tpu.memory_space<vmem>> -> memref<1x64xi32, #tpu.memory_space<vmem>>
      %dma_start3A_250 = tpu.memref_squeeze %dma_start3A_249 : memref<1x64xi32, #tpu.memory_space<vmem>> -> memref<64xi32, #tpu.memory_space<vmem>>
      %dma_start3A_251 = arith.constant 0 : i32
      %dma_start3A_252 = arith.constant 0 : i32
      %dma_start3A_253 = tpu.memref_slice %arg2[%dma_start3A_251, %dma_start3A_252] : memref<10240x128xf32, #tpu.memory_space<hbm>> -> memref<10240x128xf32, #tpu.memory_space<hbm>>
      tpu.enqueue_indirect_dma source(%dma_start3A_253 : memref<10240x128xf32, #tpu.memory_space<hbm>>) target(%dma_start3A_248 : memref<64x128xf32, #tpu.memory_space<vmem>>) offsets(%dma_start3A_250 : memref<64xi32, #tpu.memory_space<vmem>>) semaphore(%arg12 : memref<!tpu.dma_semaphore, #tpu.memory_space<semaphore_mem>>)
      %add3A_254 = arith.constant 2 : i32
      %add3A_255 = arith.addi %mul3A_94, %add3A_254 : i32
      %jit3A_256 = arith.constant 2 : i32
      %div3A_257 = arith.divsi %add3A_255, %jit3A_256 : i32
      %sign3A_258 = arith.constant 0 : i32
      %sign3A_259 = arith.cmpi sgt, %add3A_255, %sign3A_258 : i32
      %sign3A_260 = arith.extui %sign3A_259 : i1 to i32
      %sign3A_261 = arith.constant 0 : i32
      %sign3A_262 = arith.cmpi slt, %add3A_255, %sign3A_261 : i32
      %sign3A_263 = arith.extui %sign3A_262 : i1 to i32
      %sign3A_264 = arith.subi %sign3A_260, %sign3A_263 : i32
      %sign3A_265 = arith.constant 0 : i32
      %sign3A_266 = arith.cmpi sgt, %jit3A_256, %sign3A_265 : i32
      %sign3A_267 = arith.extui %sign3A_266 : i1 to i32
      %sign3A_268 = arith.constant 0 : i32
      %sign3A_269 = arith.cmpi slt, %jit3A_256, %sign3A_268 : i32
      %sign3A_270 = arith.extui %sign3A_269 : i1 to i32
      %sign3A_271 = arith.subi %sign3A_267, %sign3A_270 : i32
      %ne3A_272 = arith.cmpi ne, %sign3A_264, %sign3A_271 : i32
      %rem3A_273 = arith.remsi %add3A_255, %jit3A_256 : i32
      %ne3A_274 = arith.constant 0 : i32
      %ne3A_275 = arith.cmpi ne, %rem3A_273, %ne3A_274 : i32
      %and3A_276 = arith.andi %ne3A_272, %ne3A_275 : i1
      %sub3A_277 = arith.constant 1 : i32
      %sub3A_278 = arith.subi %div3A_257, %sub3A_277 : i32
      %select_n3A_279 = arith.select %and3A_276, %sub3A_278, %div3A_257 : i32
      %mul3A_280 = arith.constant 2 : i32
      %mul3A_281 = arith.muli %mul3A_280, %select_n3A_279 : i32
      %sub3A_282 = arith.subi %add3A_255, %mul3A_281 : i32
      %mul3A_283 = arith.constant 64 : i32
      %mul3A_284 = arith.muli %sub3A_282, %mul3A_283 : i32
      %dma_wait3A_285 = arith.constant 2 : i32
      %dma_wait3A_286 = arith.constant 0 : i32
      %dma_wait3A_287 = arith.constant 0 : i32
      %dma_wait3A_288 = tpu.memref_slice %arg9[%dma_wait3A_285, %dma_wait3A_286, %dma_wait3A_287] : memref<3x64x128xf32, #tpu.memory_space<vmem>> -> memref<1x64x128xf32, #tpu.memory_space<vmem>>
      %dma_wait3A_289 = tpu.memref_squeeze %dma_wait3A_288 : memref<1x64x128xf32, #tpu.memory_space<vmem>> -> memref<64x128xf32, #tpu.memory_space<vmem>>
      %dma_wait3A_290 = tpu.memref_slice %arg7[%select_n3A_279, %mul3A_284] : memref<81x128xi32, #tpu.memory_space<vmem>> -> memref<1x64xi32, #tpu.memory_space<vmem>>
      %dma_wait3A_291 = tpu.memref_squeeze %dma_wait3A_290 : memref<1x64xi32, #tpu.memory_space<vmem>> -> memref<64xi32, #tpu.memory_space<vmem>>
      %dma_wait3A_292 = arith.constant 0 : i32
      %dma_wait3A_293 = arith.constant 0 : i32
      %dma_wait3A_294 = tpu.memref_slice %arg2[%dma_wait3A_292, %dma_wait3A_293] : memref<10240x128xf32, #tpu.memory_space<hbm>> -> memref<10240x128xf32, #tpu.memory_space<hbm>>
      tpu.wait_indirect_dma semaphore(%arg13 : memref<!tpu.dma_semaphore, #tpu.memory_space<semaphore_mem>>) src(%dma_wait3A_294 : memref<10240x128xf32, #tpu.memory_space<hbm>>) dst(%dma_wait3A_289 : memref<64x128xf32, #tpu.memory_space<vmem>>)
      %run_scoped3A_295 = arith.constant 2 : i32
      "tpu.region"() ({
        %run_scoped3A_337 = tpu.sem_alloc : memref<!tpu.dma_semaphore, #tpu.memory_space<semaphore_mem>>
        %dma_start3A_338 = arith.constant 0 : i32
        %dma_start3A_339 = arith.constant 0 : i32
        %dma_start3A_340 = tpu.memref_slice %arg9[%run_scoped3A_295, %dma_start3A_338, %dma_start3A_339] : memref<3x64x128xf32, #tpu.memory_space<vmem>> -> memref<1x64x128xf32, #tpu.memory_space<vmem>>
        %dma_start3A_341 = tpu.memref_squeeze %dma_start3A_340 : memref<1x64x128xf32, #tpu.memory_space<vmem>> -> memref<64x128xf32, #tpu.memory_space<vmem>>
        %dma_start3A_342 = tpu.memref_slice %arg8[%select_n3A_279, %mul3A_284] : memref<81x128xi32, #tpu.memory_space<vmem>> -> memref<1x64xi32, #tpu.memory_space<vmem>>
        %dma_start3A_343 = tpu.memref_squeeze %dma_start3A_342 : memref<1x64xi32, #tpu.memory_space<vmem>> -> memref<64xi32, #tpu.memory_space<vmem>>
        %dma_start3A_344 = arith.constant 0 : i32
        %dma_start3A_345 = arith.constant 0 : i32
        %dma_start3A_346 = tpu.memref_slice %arg10[%dma_start3A_344, %dma_start3A_345] : memref<10240x128xf32, #tpu.memory_space<vmem_shared>> -> memref<10240x128xf32, #tpu.memory_space<vmem_shared>>
        tpu.enqueue_indirect_dma source(%dma_start3A_341 : memref<64x128xf32, #tpu.memory_space<vmem>>) target(%dma_start3A_346 : memref<10240x128xf32, #tpu.memory_space<vmem_shared>>) offsets(%dma_start3A_343 : memref<64xi32, #tpu.memory_space<vmem>>) semaphore(%run_scoped3A_337 : memref<!tpu.dma_semaphore, #tpu.memory_space<semaphore_mem>>) {add = true}
        %dma_wait3A_347 = arith.constant 0 : i32
        %dma_wait3A_348 = arith.constant 0 : i32
        %dma_wait3A_349 = tpu.memref_slice %arg9[%run_scoped3A_295, %dma_wait3A_347, %dma_wait3A_348] : memref<3x64x128xf32, #tpu.memory_space<vmem>> -> memref<1x64x128xf32, #tpu.memory_space<vmem>>
        %dma_wait3A_350 = tpu.memref_squeeze %dma_wait3A_349 : memref<1x64x128xf32, #tpu.memory_space<vmem>> -> memref<64x128xf32, #tpu.memory_space<vmem>>
        %dma_wait3A_351 = tpu.memref_slice %arg8[%select_n3A_279, %mul3A_284] : memref<81x128xi32, #tpu.memory_space<vmem>> -> memref<1x64xi32, #tpu.memory_space<vmem>>
        %dma_wait3A_352 = tpu.memref_squeeze %dma_wait3A_351 : memref<1x64xi32, #tpu.memory_space<vmem>> -> memref<64xi32, #tpu.memory_space<vmem>>
        %dma_wait3A_353 = arith.constant 0 : i32
        %dma_wait3A_354 = arith.constant 0 : i32
        %dma_wait3A_355 = tpu.memref_slice %arg10[%dma_wait3A_353, %dma_wait3A_354] : memref<10240x128xf32, #tpu.memory_space<vmem_shared>> -> memref<10240x128xf32, #tpu.memory_space<vmem_shared>>
        tpu.wait_indirect_dma semaphore(%run_scoped3A_337 : memref<!tpu.dma_semaphore, #tpu.memory_space<semaphore_mem>>) src(%dma_wait3A_350 : memref<64x128xf32, #tpu.memory_space<vmem>>) dst(%dma_wait3A_355 : memref<10240x128xf32, #tpu.memory_space<vmem_shared>>)
        tpu.yield
      }) : () -> ()
      %add3A_296 = arith.constant 3 : i32
      %add3A_297 = arith.addi %add3A_255, %add3A_296 : i32
      %jit3A_298 = arith.constant 2 : i32
      %div3A_299 = arith.divsi %add3A_297, %jit3A_298 : i32
      %sign3A_300 = arith.constant 0 : i32
      %sign3A_301 = arith.cmpi sgt, %add3A_297, %sign3A_300 : i32
      %sign3A_302 = arith.extui %sign3A_301 : i1 to i32
      %sign3A_303 = arith.constant 0 : i32
      %sign3A_304 = arith.cmpi slt, %add3A_297, %sign3A_303 : i32
      %sign3A_305 = arith.extui %sign3A_304 : i1 to i32
      %sign3A_306 = arith.subi %sign3A_302, %sign3A_305 : i32
      %sign3A_307 = arith.constant 0 : i32
      %sign3A_308 = arith.cmpi sgt, %jit3A_298, %sign3A_307 : i32
      %sign3A_309 = arith.extui %sign3A_308 : i1 to i32
      %sign3A_310 = arith.constant 0 : i32
      %sign3A_311 = arith.cmpi slt, %jit3A_298, %sign3A_310 : i32
      %sign3A_312 = arith.extui %sign3A_311 : i1 to i32
      %sign3A_313 = arith.subi %sign3A_309, %sign3A_312 : i32
      %ne3A_314 = arith.cmpi ne, %sign3A_306, %sign3A_313 : i32
      %rem3A_315 = arith.remsi %add3A_297, %jit3A_298 : i32
      %ne3A_316 = arith.constant 0 : i32
      %ne3A_317 = arith.cmpi ne, %rem3A_315, %ne3A_316 : i32
      %and3A_318 = arith.andi %ne3A_314, %ne3A_317 : i1
      %sub3A_319 = arith.constant 1 : i32
      %sub3A_320 = arith.subi %div3A_299, %sub3A_319 : i32
      %select_n3A_321 = arith.select %and3A_318, %sub3A_320, %div3A_299 : i32
      %mul3A_322 = arith.constant 2 : i32
      %mul3A_323 = arith.muli %mul3A_322, %select_n3A_321 : i32
      %sub3A_324 = arith.subi %add3A_297, %mul3A_323 : i32
      %mul3A_325 = arith.constant 64 : i32
      %mul3A_326 = arith.muli %sub3A_324, %mul3A_325 : i32
      %dma_start3A_327 = arith.constant 2 : i32
      %dma_start3A_328 = arith.constant 0 : i32
      %dma_start3A_329 = arith.constant 0 : i32
      %dma_start3A_330 = tpu.memref_slice %arg9[%dma_start3A_327, %dma_start3A_328, %dma_start3A_329] : memref<3x64x128xf32, #tpu.memory_space<vmem>> -> memref<1x64x128xf32, #tpu.memory_space<vmem>>
      %dma_start3A_331 = tpu.memref_squeeze %dma_start3A_330 : memref<1x64x128xf32, #tpu.memory_space<vmem>> -> memref<64x128xf32, #tpu.memory_space<vmem>>
      %dma_start3A_332 = tpu.memref_slice %arg7[%select_n3A_321, %mul3A_326] : memref<81x128xi32, #tpu.memory_space<vmem>> -> memref<1x64xi32, #tpu.memory_space<vmem>>
      %dma_start3A_333 = tpu.memref_squeeze %dma_start3A_332 : memref<1x64xi32, #tpu.memory_space<vmem>> -> memref<64xi32, #tpu.memory_space<vmem>>
      %dma_start3A_334 = arith.constant 0 : i32
      %dma_start3A_335 = arith.constant 0 : i32
      %dma_start3A_336 = tpu.memref_slice %arg2[%dma_start3A_334, %dma_start3A_335] : memref<10240x128xf32, #tpu.memory_space<hbm>> -> memref<10240x128xf32, #tpu.memory_space<hbm>>
      tpu.enqueue_indirect_dma source(%dma_start3A_336 : memref<10240x128xf32, #tpu.memory_space<hbm>>) target(%dma_start3A_331 : memref<64x128xf32, #tpu.memory_space<vmem>>) offsets(%dma_start3A_333 : memref<64xi32, #tpu.memory_space<vmem>>) semaphore(%arg13 : memref<!tpu.dma_semaphore, #tpu.memory_space<semaphore_mem>>)
    }
    %scan3A_46 = arith.constant 53 : i32
    %dma_wait3A = arith.constant 79 : i32
    %dma_wait3A_47 = arith.constant 0 : i32
    %dma_wait3A_48 = arith.constant 0 : i32
    %dma_wait3A_49 = arith.constant 0 : i32
    %dma_wait3A_50 = tpu.memref_slice %arg9[%dma_wait3A_47, %dma_wait3A_48, %dma_wait3A_49] : memref<3x64x128xf32, #tpu.memory_space<vmem>> -> memref<1x64x128xf32, #tpu.memory_space<vmem>>
    %dma_wait3A_51 = tpu.memref_squeeze %dma_wait3A_50 : memref<1x64x128xf32, #tpu.memory_space<vmem>> -> memref<64x128xf32, #tpu.memory_space<vmem>>
    %dma_wait3A_52 = arith.constant 64 : i32
    %dma_wait3A_53 = tpu.memref_slice %arg7[%dma_wait3A, %dma_wait3A_52] : memref<81x128xi32, #tpu.memory_space<vmem>> -> memref<1x64xi32, #tpu.memory_space<vmem>>
    %dma_wait3A_54 = tpu.memref_squeeze %dma_wait3A_53 : memref<1x64xi32, #tpu.memory_space<vmem>> -> memref<64xi32, #tpu.memory_space<vmem>>
    %dma_wait3A_55 = arith.constant 0 : i32
    %dma_wait3A_56 = arith.constant 0 : i32
    %dma_wait3A_57 = tpu.memref_slice %arg2[%dma_wait3A_55, %dma_wait3A_56] : memref<10240x128xf32, #tpu.memory_space<hbm>> -> memref<10240x128xf32, #tpu.memory_space<hbm>>
    tpu.wait_indirect_dma semaphore(%arg11 : memref<!tpu.dma_semaphore, #tpu.memory_space<semaphore_mem>>) src(%dma_wait3A_57 : memref<10240x128xf32, #tpu.memory_space<hbm>>) dst(%dma_wait3A_51 : memref<64x128xf32, #tpu.memory_space<vmem>>)
    %run_scoped3A = arith.constant 0 : i32
    %run_scoped3A_58 = arith.constant 79 : i32
    "tpu.region"() ({
      %run_scoped3A_92 = tpu.sem_alloc : memref<!tpu.dma_semaphore, #tpu.memory_space<semaphore_mem>>
      %dma_start3A_93 = arith.constant 0 : i32
      %dma_start3A_94 = arith.constant 0 : i32
      %dma_start3A_95 = tpu.memref_slice %arg9[%run_scoped3A, %dma_start3A_93, %dma_start3A_94] : memref<3x64x128xf32, #tpu.memory_space<vmem>> -> memref<1x64x128xf32, #tpu.memory_space<vmem>>
      %dma_start3A_96 = tpu.memref_squeeze %dma_start3A_95 : memref<1x64x128xf32, #tpu.memory_space<vmem>> -> memref<64x128xf32, #tpu.memory_space<vmem>>
      %dma_start3A_97 = arith.constant 64 : i32
      %dma_start3A_98 = tpu.memref_slice %arg8[%run_scoped3A_58, %dma_start3A_97] : memref<81x128xi32, #tpu.memory_space<vmem>> -> memref<1x64xi32, #tpu.memory_space<vmem>>
      %dma_start3A_99 = tpu.memref_squeeze %dma_start3A_98 : memref<1x64xi32, #tpu.memory_space<vmem>> -> memref<64xi32, #tpu.memory_space<vmem>>
      %dma_start3A_100 = arith.constant 0 : i32
      %dma_start3A_101 = arith.constant 0 : i32
      %dma_start3A_102 = tpu.memref_slice %arg10[%dma_start3A_100, %dma_start3A_101] : memref<10240x128xf32, #tpu.memory_space<vmem_shared>> -> memref<10240x128xf32, #tpu.memory_space<vmem_shared>>
      tpu.enqueue_indirect_dma source(%dma_start3A_96 : memref<64x128xf32, #tpu.memory_space<vmem>>) target(%dma_start3A_102 : memref<10240x128xf32, #tpu.memory_space<vmem_shared>>) offsets(%dma_start3A_99 : memref<64xi32, #tpu.memory_space<vmem>>) semaphore(%run_scoped3A_92 : memref<!tpu.dma_semaphore, #tpu.memory_space<semaphore_mem>>) {add = true}
      %dma_wait3A_103 = arith.constant 0 : i32
      %dma_wait3A_104 = arith.constant 0 : i32
      %dma_wait3A_105 = tpu.memref_slice %arg9[%run_scoped3A, %dma_wait3A_103, %dma_wait3A_104] : memref<3x64x128xf32, #tpu.memory_space<vmem>> -> memref<1x64x128xf32, #tpu.memory_space<vmem>>
      %dma_wait3A_106 = tpu.memref_squeeze %dma_wait3A_105 : memref<1x64x128xf32, #tpu.memory_space<vmem>> -> memref<64x128xf32, #tpu.memory_space<vmem>>
      %dma_wait3A_107 = arith.constant 64 : i32
      %dma_wait3A_108 = tpu.memref_slice %arg8[%run_scoped3A_58, %dma_wait3A_107] : memref<81x128xi32, #tpu.memory_space<vmem>> -> memref<1x64xi32, #tpu.memory_space<vmem>>
      %dma_wait3A_109 = tpu.memref_squeeze %dma_wait3A_108 : memref<1x64xi32, #tpu.memory_space<vmem>> -> memref<64xi32, #tpu.memory_space<vmem>>
      %dma_wait3A_110 = arith.constant 0 : i32
      %dma_wait3A_111 = arith.constant 0 : i32
      %dma_wait3A_112 = tpu.memref_slice %arg10[%dma_wait3A_110, %dma_wait3A_111] : memref<10240x128xf32, #tpu.memory_space<vmem_shared>> -> memref<10240x128xf32, #tpu.memory_space<vmem_shared>>
      tpu.wait_indirect_dma semaphore(%run_scoped3A_92 : memref<!tpu.dma_semaphore, #tpu.memory_space<semaphore_mem>>) src(%dma_wait3A_106 : memref<64x128xf32, #tpu.memory_space<vmem>>) dst(%dma_wait3A_112 : memref<10240x128xf32, #tpu.memory_space<vmem_shared>>)
      tpu.yield
    }) : () -> ()
    %dma_wait3A_59 = arith.constant 80 : i32
    %dma_wait3A_60 = arith.constant 1 : i32
    %dma_wait3A_61 = arith.constant 0 : i32
    %dma_wait3A_62 = arith.constant 0 : i32
    %dma_wait3A_63 = tpu.memref_slice %arg9[%dma_wait3A_60, %dma_wait3A_61, %dma_wait3A_62] : memref<3x64x128xf32, #tpu.memory_space<vmem>> -> memref<1x64x128xf32, #tpu.memory_space<vmem>>
    %dma_wait3A_64 = tpu.memref_squeeze %dma_wait3A_63 : memref<1x64x128xf32, #tpu.memory_space<vmem>> -> memref<64x128xf32, #tpu.memory_space<vmem>>
    %dma_wait3A_65 = arith.constant 0 : i32
    %dma_wait3A_66 = tpu.memref_slice %arg7[%dma_wait3A_59, %dma_wait3A_65] : memref<81x128xi32, #tpu.memory_space<vmem>> -> memref<1x64xi32, #tpu.memory_space<vmem>>
    %dma_wait3A_67 = tpu.memref_squeeze %dma_wait3A_66 : memref<1x64xi32, #tpu.memory_space<vmem>> -> memref<64xi32, #tpu.memory_space<vmem>>
    %dma_wait3A_68 = arith.constant 0 : i32
    %dma_wait3A_69 = arith.constant 0 : i32
    %dma_wait3A_70 = tpu.memref_slice %arg2[%dma_wait3A_68, %dma_wait3A_69] : memref<10240x128xf32, #tpu.memory_space<hbm>> -> memref<10240x128xf32, #tpu.memory_space<hbm>>
    tpu.wait_indirect_dma semaphore(%arg12 : memref<!tpu.dma_semaphore, #tpu.memory_space<semaphore_mem>>) src(%dma_wait3A_70 : memref<10240x128xf32, #tpu.memory_space<hbm>>) dst(%dma_wait3A_64 : memref<64x128xf32, #tpu.memory_space<vmem>>)
    %run_scoped3A_71 = arith.constant 1 : i32
    %run_scoped3A_72 = arith.constant 80 : i32
    "tpu.region"() ({
      %run_scoped3A_92 = tpu.sem_alloc : memref<!tpu.dma_semaphore, #tpu.memory_space<semaphore_mem>>
      %dma_start3A_93 = arith.constant 0 : i32
      %dma_start3A_94 = arith.constant 0 : i32
      %dma_start3A_95 = tpu.memref_slice %arg9[%run_scoped3A_71, %dma_start3A_93, %dma_start3A_94] : memref<3x64x128xf32, #tpu.memory_space<vmem>> -> memref<1x64x128xf32, #tpu.memory_space<vmem>>
      %dma_start3A_96 = tpu.memref_squeeze %dma_start3A_95 : memref<1x64x128xf32, #tpu.memory_space<vmem>> -> memref<64x128xf32, #tpu.memory_space<vmem>>
      %dma_start3A_97 = arith.constant 0 : i32
      %dma_start3A_98 = tpu.memref_slice %arg8[%run_scoped3A_72, %dma_start3A_97] : memref<81x128xi32, #tpu.memory_space<vmem>> -> memref<1x64xi32, #tpu.memory_space<vmem>>
      %dma_start3A_99 = tpu.memref_squeeze %dma_start3A_98 : memref<1x64xi32, #tpu.memory_space<vmem>> -> memref<64xi32, #tpu.memory_space<vmem>>
      %dma_start3A_100 = arith.constant 0 : i32
      %dma_start3A_101 = arith.constant 0 : i32
      %dma_start3A_102 = tpu.memref_slice %arg10[%dma_start3A_100, %dma_start3A_101] : memref<10240x128xf32, #tpu.memory_space<vmem_shared>> -> memref<10240x128xf32, #tpu.memory_space<vmem_shared>>
      tpu.enqueue_indirect_dma source(%dma_start3A_96 : memref<64x128xf32, #tpu.memory_space<vmem>>) target(%dma_start3A_102 : memref<10240x128xf32, #tpu.memory_space<vmem_shared>>) offsets(%dma_start3A_99 : memref<64xi32, #tpu.memory_space<vmem>>) semaphore(%run_scoped3A_92 : memref<!tpu.dma_semaphore, #tpu.memory_space<semaphore_mem>>) {add = true}
      %dma_wait3A_103 = arith.constant 0 : i32
      %dma_wait3A_104 = arith.constant 0 : i32
      %dma_wait3A_105 = tpu.memref_slice %arg9[%run_scoped3A_71, %dma_wait3A_103, %dma_wait3A_104] : memref<3x64x128xf32, #tpu.memory_space<vmem>> -> memref<1x64x128xf32, #tpu.memory_space<vmem>>
      %dma_wait3A_106 = tpu.memref_squeeze %dma_wait3A_105 : memref<1x64x128xf32, #tpu.memory_space<vmem>> -> memref<64x128xf32, #tpu.memory_space<vmem>>
      %dma_wait3A_107 = arith.constant 0 : i32
      %dma_wait3A_108 = tpu.memref_slice %arg8[%run_scoped3A_72, %dma_wait3A_107] : memref<81x128xi32, #tpu.memory_space<vmem>> -> memref<1x64xi32, #tpu.memory_space<vmem>>
      %dma_wait3A_109 = tpu.memref_squeeze %dma_wait3A_108 : memref<1x64xi32, #tpu.memory_space<vmem>> -> memref<64xi32, #tpu.memory_space<vmem>>
      %dma_wait3A_110 = arith.constant 0 : i32
      %dma_wait3A_111 = arith.constant 0 : i32
      %dma_wait3A_112 = tpu.memref_slice %arg10[%dma_wait3A_110, %dma_wait3A_111] : memref<10240x128xf32, #tpu.memory_space<vmem_shared>> -> memref<10240x128xf32, #tpu.memory_space<vmem_shared>>
      tpu.wait_indirect_dma semaphore(%run_scoped3A_92 : memref<!tpu.dma_semaphore, #tpu.memory_space<semaphore_mem>>) src(%dma_wait3A_106 : memref<64x128xf32, #tpu.memory_space<vmem>>) dst(%dma_wait3A_112 : memref<10240x128xf32, #tpu.memory_space<vmem_shared>>)
      tpu.yield
    }) : () -> ()
    %dma_wait3A_73 = arith.constant 80 : i32
    %dma_wait3A_74 = arith.constant 2 : i32
    %dma_wait3A_75 = arith.constant 0 : i32
    %dma_wait3A_76 = arith.constant 0 : i32
    %dma_wait3A_77 = tpu.memref_slice %arg9[%dma_wait3A_74, %dma_wait3A_75, %dma_wait3A_76] : memref<3x64x128xf32, #tpu.memory_space<vmem>> -> memref<1x64x128xf32, #tpu.memory_space<vmem>>
    %dma_wait3A_78 = tpu.memref_squeeze %dma_wait3A_77 : memref<1x64x128xf32, #tpu.memory_space<vmem>> -> memref<64x128xf32, #tpu.memory_space<vmem>>
    %dma_wait3A_79 = arith.constant 64 : i32
    %dma_wait3A_80 = tpu.memref_slice %arg7[%dma_wait3A_73, %dma_wait3A_79] : memref<81x128xi32, #tpu.memory_space<vmem>> -> memref<1x64xi32, #tpu.memory_space<vmem>>
    %dma_wait3A_81 = tpu.memref_squeeze %dma_wait3A_80 : memref<1x64xi32, #tpu.memory_space<vmem>> -> memref<64xi32, #tpu.memory_space<vmem>>
    %dma_wait3A_82 = arith.constant 0 : i32
    %dma_wait3A_83 = arith.constant 0 : i32
    %dma_wait3A_84 = tpu.memref_slice %arg2[%dma_wait3A_82, %dma_wait3A_83] : memref<10240x128xf32, #tpu.memory_space<hbm>> -> memref<10240x128xf32, #tpu.memory_space<hbm>>
    tpu.wait_indirect_dma semaphore(%arg13 : memref<!tpu.dma_semaphore, #tpu.memory_space<semaphore_mem>>) src(%dma_wait3A_84 : memref<10240x128xf32, #tpu.memory_space<hbm>>) dst(%dma_wait3A_78 : memref<64x128xf32, #tpu.memory_space<vmem>>)
    %run_scoped3A_85 = arith.constant 2 : i32
    %run_scoped3A_86 = arith.constant 80 : i32
    "tpu.region"() ({
      %run_scoped3A_92 = tpu.sem_alloc : memref<!tpu.dma_semaphore, #tpu.memory_space<semaphore_mem>>
      %dma_start3A_93 = arith.constant 0 : i32
      %dma_start3A_94 = arith.constant 0 : i32
      %dma_start3A_95 = tpu.memref_slice %arg9[%run_scoped3A_85, %dma_start3A_93, %dma_start3A_94] : memref<3x64x128xf32, #tpu.memory_space<vmem>> -> memref<1x64x128xf32, #tpu.memory_space<vmem>>
      %dma_start3A_96 = tpu.memref_squeeze %dma_start3A_95 : memref<1x64x128xf32, #tpu.memory_space<vmem>> -> memref<64x128xf32, #tpu.memory_space<vmem>>
      %dma_start3A_97 = arith.constant 64 : i32
      %dma_start3A_98 = tpu.memref_slice %arg8[%run_scoped3A_86, %dma_start3A_97] : memref<81x128xi32, #tpu.memory_space<vmem>> -> memref<1x64xi32, #tpu.memory_space<vmem>>
      %dma_start3A_99 = tpu.memref_squeeze %dma_start3A_98 : memref<1x64xi32, #tpu.memory_space<vmem>> -> memref<64xi32, #tpu.memory_space<vmem>>
      %dma_start3A_100 = arith.constant 0 : i32
      %dma_start3A_101 = arith.constant 0 : i32
      %dma_start3A_102 = tpu.memref_slice %arg10[%dma_start3A_100, %dma_start3A_101] : memref<10240x128xf32, #tpu.memory_space<vmem_shared>> -> memref<10240x128xf32, #tpu.memory_space<vmem_shared>>
      tpu.enqueue_indirect_dma source(%dma_start3A_96 : memref<64x128xf32, #tpu.memory_space<vmem>>) target(%dma_start3A_102 : memref<10240x128xf32, #tpu.memory_space<vmem_shared>>) offsets(%dma_start3A_99 : memref<64xi32, #tpu.memory_space<vmem>>) semaphore(%run_scoped3A_92 : memref<!tpu.dma_semaphore, #tpu.memory_space<semaphore_mem>>) {add = true}
      %dma_wait3A_103 = arith.constant 0 : i32
      %dma_wait3A_104 = arith.constant 0 : i32
      %dma_wait3A_105 = tpu.memref_slice %arg9[%run_scoped3A_85, %dma_wait3A_103, %dma_wait3A_104] : memref<3x64x128xf32, #tpu.memory_space<vmem>> -> memref<1x64x128xf32, #tpu.memory_space<vmem>>
      %dma_wait3A_106 = tpu.memref_squeeze %dma_wait3A_105 : memref<1x64x128xf32, #tpu.memory_space<vmem>> -> memref<64x128xf32, #tpu.memory_space<vmem>>
      %dma_wait3A_107 = arith.constant 64 : i32
      %dma_wait3A_108 = tpu.memref_slice %arg8[%run_scoped3A_86, %dma_wait3A_107] : memref<81x128xi32, #tpu.memory_space<vmem>> -> memref<1x64xi32, #tpu.memory_space<vmem>>
      %dma_wait3A_109 = tpu.memref_squeeze %dma_wait3A_108 : memref<1x64xi32, #tpu.memory_space<vmem>> -> memref<64xi32, #tpu.memory_space<vmem>>
      %dma_wait3A_110 = arith.constant 0 : i32
      %dma_wait3A_111 = arith.constant 0 : i32
      %dma_wait3A_112 = tpu.memref_slice %arg10[%dma_wait3A_110, %dma_wait3A_111] : memref<10240x128xf32, #tpu.memory_space<vmem_shared>> -> memref<10240x128xf32, #tpu.memory_space<vmem_shared>>
      tpu.wait_indirect_dma semaphore(%run_scoped3A_92 : memref<!tpu.dma_semaphore, #tpu.memory_space<semaphore_mem>>) src(%dma_wait3A_106 : memref<64x128xf32, #tpu.memory_space<vmem>>) dst(%dma_wait3A_112 : memref<10240x128xf32, #tpu.memory_space<vmem_shared>>)
      tpu.yield
    }) : () -> ()
    %barrier3A_87 = arith.constant 0 : index
    tpu.barrier barrier_id(%barrier3A_87)
    %mul3A_88 = arith.constant 640 : i32
    %mul3A_89 = arith.muli %arg1, %mul3A_88 : i32
    %mul3A_90 = arith.constant 640 : i32
    %mul3A_91 = arith.muli %arg1, %mul3A_90 : i32
    "tpu.region"() ({
      %run_scoped3A_92 = tpu.sem_alloc : memref<!tpu.dma_semaphore, #tpu.memory_space<semaphore_mem>>
      %dma_start3A_93 = arith.constant 0 : i32
      %dma_start3A_94 = tpu.memref_slice %arg6[%arg0, %mul3A_91, %dma_start3A_93] : memref<2x10240x128xf32, #tpu.memory_space<hbm>> -> memref<1x640x128xf32, #tpu.memory_space<hbm>>
      %dma_start3A_95 = tpu.memref_squeeze %dma_start3A_94 : memref<1x640x128xf32, #tpu.memory_space<hbm>> -> memref<640x128xf32, #tpu.memory_space<hbm>>
      %dma_start3A_96 = arith.constant 0 : i32
      %dma_start3A_97 = tpu.memref_slice %arg10[%mul3A_89, %dma_start3A_96] : memref<10240x128xf32, #tpu.memory_space<vmem_shared>> -> memref<640x128xf32, #tpu.memory_space<vmem_shared>>
      tpu.enqueue_dma source(%dma_start3A_97 : memref<640x128xf32, #tpu.memory_space<vmem_shared>>) target(%dma_start3A_95 : memref<640x128xf32, #tpu.memory_space<hbm>>) target_semaphore(%run_scoped3A_92 : memref<!tpu.dma_semaphore, #tpu.memory_space<semaphore_mem>>)
      %dma_wait3A_98 = arith.constant 0 : i32
      %dma_wait3A_99 = tpu.memref_slice %arg6[%arg0, %mul3A_91, %dma_wait3A_98] : memref<2x10240x128xf32, #tpu.memory_space<hbm>> -> memref<1x640x128xf32, #tpu.memory_space<hbm>>
      %dma_wait3A_100 = tpu.memref_squeeze %dma_wait3A_99 : memref<1x640x128xf32, #tpu.memory_space<hbm>> -> memref<640x128xf32, #tpu.memory_space<hbm>>
      %dma_wait3A_101 = arith.constant 0 : i32
      %dma_wait3A_102 = tpu.memref_slice %arg10[%mul3A_89, %dma_wait3A_101] : memref<10240x128xf32, #tpu.memory_space<vmem_shared>> -> memref<640x128xf32, #tpu.memory_space<vmem_shared>>
      tpu.wait_dma2 semaphore(%run_scoped3A_92 : memref<!tpu.dma_semaphore, #tpu.memory_space<semaphore_mem>>) src(%dma_wait3A_102 : memref<640x128xf32, #tpu.memory_space<vmem_shared>>) dst(%dma_wait3A_100 : memref<640x128xf32, #tpu.memory_space<hbm>>)
      tpu.yield
    }) : () -> ()
    return
  }
}

module attributes {stable_mosaic.version = 14 : i64} {
  func.func @body(%arg0: i32, %arg1: memref<1024x128xf32, #tpu.memory_space<vmem>>, %arg2: memref<128x128xf32, #tpu.memory_space<vmem>>, %arg3: memref<1024x128xf32, #tpu.memory_space<vmem>>) attributes {dimension_semantics = [#tpu.dimension_semantics<arbitrary>], iteration_bounds = array<i64: 10>, scalar_prefetch = 0 : i64, scratch_operands = 0 : i64, tpu.core_type = #tpu.core_type<tc>, window_params = [{transform_indices = @transform_0, window_bounds = array<i64: 1024, 128>}, {pipeline_mode = #tpu.pipeline_mode<synchronous>, transform_indices = @transform_1, window_bounds = array<i64: 128, 128>}, {transform_indices = @transform_2, window_bounds = array<i64: 1024, 128>}]} {
    %get3A = arith.constant 0 : index
    %get3A_0 = arith.constant 0 : index
    %get3A_1 = vector.load %arg1[%get3A, %get3A_0] : memref<1024x128xf32, #tpu.memory_space<vmem>>, vector<1024x128xf32>
    %get3A_2 = arith.constant 0 : index
    %get3A_3 = arith.constant 0 : index
    %get3A_4 = vector.load %arg2[%get3A_2, %get3A_3] : memref<128x128xf32, #tpu.memory_space<vmem>>, vector<128x128xf32>
    %dot_general3A = arith.constant dense<0.000000e+00> : vector<1024x128xf32>
    %dot_general3A_5 = tpu.matmul %get3A_1, %get3A_4, %dot_general3A {dimension_numbers = #tpu.dot_dimension_numbers<[1], [0], [0], [1], [0, 0, 1, 1], [], []>, transpose_lhs_hint = false} : vector<1024x128xf32>, vector<128x128xf32>, vector<1024x128xf32> -> vector<1024x128xf32>
    %swap3A = arith.constant 0 : index
    %swap3A_6 = arith.constant 0 : index
    %swap3A_7 = vector.load %arg3[%swap3A, %swap3A_6] : memref<1024x128xf32, #tpu.memory_space<vmem>>, vector<1024x128xf32>
    tpu.vector_store %arg3[%swap3A, %swap3A_6], %dot_general3A_5 {strides = array<i32>} : memref<1024x128xf32, #tpu.memory_space<vmem>>, vector<1024x128xf32>,
    return
  }
  func.func @transform_0(%arg0: i32) -> (i32, i32) {
    %c0_i32 = arith.constant 0 : i32
    %c0_i32_0 = arith.constant 0 : i32
    return %arg0, %c0_i32 : i32, i32
  }
  func.func @transform_1(%arg0: i32) -> (i32, i32) {
    %c0_i32 = arith.constant 0 : i32
    %c0_i32_0 = arith.constant 0 : i32
    %c0_i32_1 = arith.constant 0 : i32
    return %c0_i32, %c0_i32_0 : i32, i32
  }
  func.func @transform_2(%arg0: i32) -> (i32, i32) {
    %c0_i32 = arith.constant 0 : i32
    %c0_i32_0 = arith.constant 0 : i32
    return %arg0, %c0_i32 : i32, i32
  }
}

module attributes {stable_mosaic.version = 14 : i64} {
  func.func @body(%arg0: memref<2x80x128xf32, #tpu.memory_space<vmem>>, %arg1: memref<80x128xf32, #tpu.memory_space<vmem>>) attributes {dimension_semantics = [], scalar_prefetch = 0 : i64, scratch_operands = 0 : i64, tpu.core_type = #tpu.core_type<tc>} {
    %get3A = arith.constant 0 : index
    %get3A_0 = arith.constant 0 : index
    %get3A_1 = arith.constant 0 : index
    %get3A_2 = vector.load %arg0[%get3A, %get3A_0, %get3A_1] : memref<2x80x128xf32, #tpu.memory_space<vmem>>, vector<2x80x128xf32>
    %reduce_sum3A = arith.constant dense<0.000000e+00> : vector<80x128xf32>
    %reduce_sum3A_3 = vector.multi_reduction <add>, %get3A_2, %reduce_sum3A [0] : vector<2x80x128xf32> to vector<80x128xf32>
    %add3A = arith.constant 1.000000e+00 : f32
    %add3A_4 = vector.broadcast %add3A : f32 to vector<80x128xf32>
    %add3A_5 = arith.addf %reduce_sum3A_3, %add3A_4 : vector<80x128xf32>
    %rsqrt3A = math.rsqrt %add3A_5 : vector<80x128xf32>
    %swap3A = arith.constant 0 : index
    %swap3A_6 = arith.constant 0 : index
    %swap3A_7 = vector.load %arg1[%swap3A, %swap3A_6] : memref<80x128xf32, #tpu.memory_space<vmem>>, vector<80x128xf32>
    tpu.vector_store %arg1[%swap3A, %swap3A_6], %rsqrt3A {strides = array<i32>} : memref<80x128xf32, #tpu.memory_space<vmem>>, vector<80x128xf32>,
    return
  }
}

module attributes {stable_mosaic.version = 14 : i64} {
  func.func @body(%arg0: i32, %arg1: memref<1024x128xf32, #tpu.memory_space<vmem>>, %arg2: memref<1024x1xf32, #tpu.memory_space<vmem>>, %arg3: memref<1024x128xf32, #tpu.memory_space<vmem>>) attributes {dimension_semantics = [#tpu.dimension_semantics<arbitrary>], iteration_bounds = array<i64: 10>, scalar_prefetch = 0 : i64, scratch_operands = 0 : i64, tpu.core_type = #tpu.core_type<tc>, window_params = [{transform_indices = @transform_0, window_bounds = array<i64: 1024, 128>}, {transform_indices = @transform_1, window_bounds = array<i64: 1024, 1>}, {transform_indices = @transform_2, window_bounds = array<i64: 1024, 128>}]} {
    %get3A = arith.constant 0 : index
    %get3A_0 = arith.constant 0 : index
    %get3A_1 = vector.load %arg1[%get3A, %get3A_0] : memref<1024x128xf32, #tpu.memory_space<vmem>>, vector<1024x128xf32>
    %get3A_2 = arith.constant 0 : index
    %get3A_3 = arith.constant 0 : index
    %get3A_4 = vector.load %arg2[%get3A_2, %get3A_3] : memref<1024x1xf32, #tpu.memory_space<vmem>>, vector<1024x1xf32>
    %mul3A = vector.broadcast %get3A_4 : vector<1024x1xf32> to vector<1024x128xf32>
    %mul3A_5 = arith.mulf %get3A_1, %mul3A : vector<1024x128xf32>
    %swap3A = arith.constant 0 : index
    %swap3A_6 = arith.constant 0 : index
    %swap3A_7 = vector.load %arg3[%swap3A, %swap3A_6] : memref<1024x128xf32, #tpu.memory_space<vmem>>, vector<1024x128xf32>
    tpu.vector_store %arg3[%swap3A, %swap3A_6], %mul3A_5 {strides = array<i32>} : memref<1024x128xf32, #tpu.memory_space<vmem>>, vector<1024x128xf32>,
    return
  }
  func.func @transform_0(%arg0: i32) -> (i32, i32) {
    %c0_i32 = arith.constant 0 : i32
    %c0_i32_0 = arith.constant 0 : i32
    return %arg0, %c0_i32 : i32, i32
  }
  func.func @transform_1(%arg0: i32) -> (i32, i32) {
    %c0_i32 = arith.constant 0 : i32
    %c0_i32_0 = arith.constant 0 : i32
    return %arg0, %c0_i32 : i32, i32
  }
  func.func @transform_2(%arg0: i32) -> (i32, i32) {
    %c0_i32 = arith.constant 0 : i32
    %c0_i32_0 = arith.constant 0 : i32
    return %arg0, %c0_i32 : i32, i32
  }
}

module attributes {stable_mosaic.version = 14 : i64} {
  func.func @body(%arg0: i32, %arg1: memref<1x1024x128xf32, #tpu.memory_space<vmem>>, %arg2: memref<1x1024x128xf32, #tpu.memory_space<vmem>>, %arg3: memref<1024x1xf32, #tpu.memory_space<vmem>>, %arg4: memref<1x128xf32, #tpu.memory_space<vmem>>, %arg5: memref<128x128xf32, #tpu.memory_space<vmem>>, %arg6: memref<1024x128xf32, #tpu.memory_space<vmem>>) attributes {dimension_semantics = [#tpu.dimension_semantics<arbitrary>], iteration_bounds = array<i64: 10>, scalar_prefetch = 0 : i64, scratch_operands = 0 : i64, tpu.core_type = #tpu.core_type<tc>, window_params = [{transform_indices = @transform_0, window_bounds = array<i64: 1, 1024, 128>}, {transform_indices = @transform_1, window_bounds = array<i64: 1, 1024, 128>}, {transform_indices = @transform_2, window_bounds = array<i64: 1024, 1>}, {pipeline_mode = #tpu.pipeline_mode<synchronous>, transform_indices = @transform_3, window_bounds = array<i64: 1, 128>}, {pipeline_mode = #tpu.pipeline_mode<synchronous>, transform_indices = @transform_4, window_bounds = array<i64: 128, 128>}, {transform_indices = @transform_5, window_bounds = array<i64: 1024, 128>}]} {
    %get3A = arith.constant 0 : index
    %get3A_0 = arith.constant 0 : index
    %get3A_1 = vector.load %arg3[%get3A, %get3A_0] : memref<1024x1xf32, #tpu.memory_space<vmem>>, vector<1024x1xf32>
    %get3A_2 = arith.constant 0 : index
    %get3A_3 = arith.constant 0 : index
    %get3A_4 = arith.constant 0 : index
    %get3A_5 = vector.load %arg1[%get3A_2, %get3A_3, %get3A_4] : memref<1x1024x128xf32, #tpu.memory_space<vmem>>, vector<1x1024x128xf32>
    %get3A_6 = vector.shape_cast %get3A_5 : vector<1x1024x128xf32> to vector<1024x128xf32>
    %get3A_7 = arith.constant 0 : index
    %get3A_8 = arith.constant 0 : index
    %get3A_9 = arith.constant 0 : index
    %get3A_10 = vector.load %arg2[%get3A_7, %get3A_8, %get3A_9] : memref<1x1024x128xf32, #tpu.memory_space<vmem>>, vector<1x1024x128xf32>
    %get3A_11 = vector.shape_cast %get3A_10 : vector<1x1024x128xf32> to vector<1024x128xf32>
    %add3A = arith.addf %get3A_6, %get3A_11 : vector<1024x128xf32>
    %mul3A = vector.broadcast %get3A_1 : vector<1024x1xf32> to vector<1024x128xf32>
    %mul3A_12 = arith.mulf %mul3A, %add3A : vector<1024x128xf32>
    %get3A_13 = arith.constant 0 : index
    %get3A_14 = arith.constant 0 : index
    %get3A_15 = vector.load %arg4[%get3A_13, %get3A_14] : memref<1x128xf32, #tpu.memory_space<vmem>>, vector<1x128xf32>
    %add3A_16 = vector.broadcast %get3A_15 : vector<1x128xf32> to vector<1024x128xf32>
    %add3A_17 = arith.addf %mul3A_12, %add3A_16 : vector<1024x128xf32>
    %max3A = arith.constant 0.000000e+00 : f32
    %max3A_18 = vector.broadcast %max3A : f32 to vector<1024x128xf32>
    %max3A_19 = arith.maximumf %add3A_17, %max3A_18 : vector<1024x128xf32>
    %get3A_20 = arith.constant 0 : index
    %get3A_21 = arith.constant 0 : index
    %get3A_22 = vector.load %arg5[%get3A_20, %get3A_21] : memref<128x128xf32, #tpu.memory_space<vmem>>, vector<128x128xf32>
    %dot_general3A = arith.constant dense<0.000000e+00> : vector<1024x128xf32>
    %dot_general3A_23 = tpu.matmul %max3A_19, %get3A_22, %dot_general3A {dimension_numbers = #tpu.dot_dimension_numbers<[1], [0], [0], [1], [0, 0, 1, 1], [], []>, transpose_lhs_hint = false} : vector<1024x128xf32>, vector<128x128xf32>, vector<1024x128xf32> -> vector<1024x128xf32>
    %mul3A_24 = vector.broadcast %get3A_1 : vector<1024x1xf32> to vector<1024x128xf32>
    %mul3A_25 = arith.mulf %dot_general3A_23, %mul3A_24 : vector<1024x128xf32>
    %swap3A = arith.constant 0 : index
    %swap3A_26 = arith.constant 0 : index
    %swap3A_27 = vector.load %arg6[%swap3A, %swap3A_26] : memref<1024x128xf32, #tpu.memory_space<vmem>>, vector<1024x128xf32>
    tpu.vector_store %arg6[%swap3A, %swap3A_26], %mul3A_25 {strides = array<i32>} : memref<1024x128xf32, #tpu.memory_space<vmem>>, vector<1024x128xf32>,
    return
  }
  func.func @transform_0(%arg0: i32) -> (i32, i32, i32) {
    %c0_i32 = arith.constant 0 : i32
    %c0_i32_0 = arith.constant 0 : i32
    %c0_i32_1 = arith.constant 0 : i32
    return %c0_i32, %arg0, %c0_i32_0 : i32, i32, i32
  }
  func.func @transform_1(%arg0: i32) -> (i32, i32, i32) {
    %c1_i32 = arith.constant 1 : i32
    %c0_i32 = arith.constant 0 : i32
    %c0_i32_0 = arith.constant 0 : i32
    return %c1_i32, %arg0, %c0_i32 : i32, i32, i32
  }
  func.func @transform_2(%arg0: i32) -> (i32, i32) {
    %c0_i32 = arith.constant 0 : i32
    %c0_i32_0 = arith.constant 0 : i32
    return %arg0, %c0_i32 : i32, i32
  }
  func.func @transform_3(%arg0: i32) -> (i32, i32) {
    %c0_i32 = arith.constant 0 : i32
    %c0_i32_0 = arith.constant 0 : i32
    %c0_i32_1 = arith.constant 0 : i32
    return %c0_i32, %c0_i32_0 : i32, i32
  }
  func.func @transform_4(%arg0: i32) -> (i32, i32) {
    %c0_i32 = arith.constant 0 : i32
    %c0_i32_0 = arith.constant 0 : i32
    %c0_i32_1 = arith.constant 0 : i32
    return %c0_i32, %c0_i32_0 : i32, i32
  }
  func.func @transform_5(%arg0: i32) -> (i32, i32) {
    %c0_i32 = arith.constant 0 : i32
    %c0_i32_0 = arith.constant 0 : i32
    return %arg0, %c0_i32 : i32, i32
  }
}

module attributes {stable_mosaic.version = 14 : i64} {
  func.func @body(%arg0: i32, %arg1: memref<1x1024x128xf32, #tpu.memory_space<vmem>>, %arg2: memref<1x1024x128xf32, #tpu.memory_space<vmem>>, %arg3: memref<1024x1xf32, #tpu.memory_space<vmem>>, %arg4: memref<1x128xf32, #tpu.memory_space<vmem>>, %arg5: memref<1024x1xi32, #tpu.memory_space<vmem>>, %arg6: memref<128x10xf32, #tpu.memory_space<vmem>>, %arg7: memref<1x10xf32, #tpu.memory_space<vmem>>, %arg8: memref<16x10xf32, #tpu.memory_space<vmem>>, %arg9: memref<16x128xf32, #tpu.memory_space<vmem>>, %arg10: memref<16x1xf32, #tpu.memory_space<vmem>>) attributes {dimension_semantics = [#tpu.dimension_semantics<arbitrary>], iteration_bounds = array<i64: 10>, scalar_prefetch = 0 : i64, scratch_operands = 2 : i64, tpu.core_type = #tpu.core_type<tc>, window_params = [{transform_indices = @transform_0, window_bounds = array<i64: 1, 1024, 128>}, {transform_indices = @transform_1, window_bounds = array<i64: 1, 1024, 128>}, {transform_indices = @transform_2, window_bounds = array<i64: 1024, 1>}, {pipeline_mode = #tpu.pipeline_mode<synchronous>, transform_indices = @transform_3, window_bounds = array<i64: 1, 128>}, {transform_indices = @transform_4, window_bounds = array<i64: 1024, 1>}, {pipeline_mode = #tpu.pipeline_mode<synchronous>, transform_indices = @transform_5, window_bounds = array<i64: 128, 10>}, {pipeline_mode = #tpu.pipeline_mode<synchronous>, transform_indices = @transform_6, window_bounds = array<i64: 1, 10>}, {pipeline_mode = #tpu.pipeline_mode<synchronous>, transform_indices = @transform_7, window_bounds = array<i64: 16, 10>}]} {
    %eq3A = arith.constant 0 : i32
    %eq3A_0 = arith.cmpi eq, %arg0, %eq3A : i32
    %convert_element_type3A = arith.extui %eq3A_0 : i1 to i32
    %cond3A = arith.constant 0 : i32
    %cond3A_1 = arith.cmpi ne, %convert_element_type3A, %cond3A : i32
    scf.if %cond3A_1 {
      %broadcast_in_dim3A_49 = arith.constant 0.000000e+00 : f32
      %broadcast_in_dim3A_50 = vector.broadcast %broadcast_in_dim3A_49 : f32 to vector<16x128xf32>
      %swap3A_51 = arith.constant 0 : index
      %swap3A_52 = arith.constant 0 : index
      %swap3A_53 = vector.load %arg9[%swap3A_51, %swap3A_52] : memref<16x128xf32, #tpu.memory_space<vmem>>, vector<16x128xf32>
      tpu.vector_store %arg9[%swap3A_51, %swap3A_52], %broadcast_in_dim3A_50 {strides = array<i32>} : memref<16x128xf32, #tpu.memory_space<vmem>>, vector<16x128xf32>,
      %broadcast_in_dim3A_54 = arith.constant 0.000000e+00 : f32
      %broadcast_in_dim3A_55 = vector.broadcast %broadcast_in_dim3A_54 : f32 to vector<16x1xf32>
      %swap3A_56 = arith.constant 0 : index
      %swap3A_57 = arith.constant 0 : index
      %swap3A_58 = vector.load %arg10[%swap3A_56, %swap3A_57] : memref<16x1xf32, #tpu.memory_space<vmem>>, vector<16x1xf32>
      tpu.vector_store %arg10[%swap3A_56, %swap3A_57], %broadcast_in_dim3A_55 {strides = array<i32>} : memref<16x1xf32, #tpu.memory_space<vmem>>, vector<16x1xf32>,
    } else {
    }
    %get3A = arith.constant 0 : index
    %get3A_2 = arith.constant 0 : index
    %get3A_3 = vector.load %arg3[%get3A, %get3A_2] : memref<1024x1xf32, #tpu.memory_space<vmem>>, vector<1024x1xf32>
    %get3A_4 = arith.constant 0 : index
    %get3A_5 = arith.constant 0 : index
    %get3A_6 = arith.constant 0 : index
    %get3A_7 = vector.load %arg1[%get3A_4, %get3A_5, %get3A_6] : memref<1x1024x128xf32, #tpu.memory_space<vmem>>, vector<1x1024x128xf32>
    %get3A_8 = vector.shape_cast %get3A_7 : vector<1x1024x128xf32> to vector<1024x128xf32>
    %get3A_9 = arith.constant 0 : index
    %get3A_10 = arith.constant 0 : index
    %get3A_11 = arith.constant 0 : index
    %get3A_12 = vector.load %arg2[%get3A_9, %get3A_10, %get3A_11] : memref<1x1024x128xf32, #tpu.memory_space<vmem>>, vector<1x1024x128xf32>
    %get3A_13 = vector.shape_cast %get3A_12 : vector<1x1024x128xf32> to vector<1024x128xf32>
    %add3A = arith.addf %get3A_8, %get3A_13 : vector<1024x128xf32>
    %mul3A = vector.broadcast %get3A_3 : vector<1024x1xf32> to vector<1024x128xf32>
    %mul3A_14 = arith.mulf %mul3A, %add3A : vector<1024x128xf32>
    %get3A_15 = arith.constant 0 : index
    %get3A_16 = arith.constant 0 : index
    %get3A_17 = vector.load %arg4[%get3A_15, %get3A_16] : memref<1x128xf32, #tpu.memory_space<vmem>>, vector<1x128xf32>
    %add3A_18 = vector.broadcast %get3A_17 : vector<1x128xf32> to vector<1024x128xf32>
    %add3A_19 = arith.addf %mul3A_14, %add3A_18 : vector<1024x128xf32>
    %get3A_20 = arith.constant 0 : index
    %get3A_21 = arith.constant 0 : index
    %get3A_22 = vector.load %arg5[%get3A_20, %get3A_21] : memref<1024x1xi32, #tpu.memory_space<vmem>>, vector<1024x1xi32>
    %iota3A = tpu.iota {dimensions = array<i32: 1>} : vector<1024x16xi32>
    %eq3A_23 = vector.broadcast %get3A_22 : vector<1024x1xi32> to vector<1024x16xi32>
    %eq3A_24 = arith.cmpi eq, %eq3A_23, %iota3A : vector<1024x16xi32>
    %convert_element_type3A_25 = arith.extui %eq3A_24 : vector<1024x16xi1> to vector<1024x16xi32>
    %convert_element_type3A_26 = arith.sitofp %convert_element_type3A_25 : vector<1024x16xi32> to vector<1024x16xf32>
    %get3A_27 = arith.constant 0 : index
    %get3A_28 = arith.constant 0 : index
    %get3A_29 = vector.load %arg9[%get3A_27, %get3A_28] : memref<16x128xf32, #tpu.memory_space<vmem>>, vector<16x128xf32>
    %dot_general3A = arith.constant dense<0.000000e+00> : vector<16x128xf32>
    %dot_general3A_30 = tpu.matmul %convert_element_type3A_26, %add3A_19, %dot_general3A {dimension_numbers = #tpu.dot_dimension_numbers<[0], [0], [1], [1], [0, 1, 1, 1], [], []>, transpose_lhs_hint = false} : vector<1024x16xf32>, vector<1024x128xf32>, vector<16x128xf32> -> vector<16x128xf32>
    %add3A_31 = arith.addf %get3A_29, %dot_general3A_30 : vector<16x128xf32>
    %swap3A = arith.constant 0 : index
    %swap3A_32 = arith.constant 0 : index
    %swap3A_33 = vector.load %arg9[%swap3A, %swap3A_32] : memref<16x128xf32, #tpu.memory_space<vmem>>, vector<16x128xf32>
    tpu.vector_store %arg9[%swap3A, %swap3A_32], %add3A_31 {strides = array<i32>} : memref<16x128xf32, #tpu.memory_space<vmem>>, vector<16x128xf32>,
    %get3A_34 = arith.constant 0 : index
    %get3A_35 = arith.constant 0 : index
    %get3A_36 = vector.load %arg10[%get3A_34, %get3A_35] : memref<16x1xf32, #tpu.memory_space<vmem>>, vector<16x1xf32>
    %broadcast_in_dim3A = arith.constant 1.000000e+00 : f32
    %broadcast_in_dim3A_37 = vector.broadcast %broadcast_in_dim3A : f32 to vector<1024x1xf32>
    %dot_general3A_38 = arith.constant dense<0.000000e+00> : vector<16x1xf32>
    %dot_general3A_39 = tpu.matmul %convert_element_type3A_26, %broadcast_in_dim3A_37, %dot_general3A_38 {dimension_numbers = #tpu.dot_dimension_numbers<[0], [0], [1], [1], [0, 1, 1, 1], [], []>, transpose_lhs_hint = false} : vector<1024x16xf32>, vector<1024x1xf32>, vector<16x1xf32> -> vector<16x1xf32>
    %add3A_40 = arith.addf %get3A_36, %dot_general3A_39 : vector<16x1xf32>
    %swap3A_41 = arith.constant 0 : index
    %swap3A_42 = arith.constant 0 : index
    %swap3A_43 = vector.load %arg10[%swap3A_41, %swap3A_42] : memref<16x1xf32, #tpu.memory_space<vmem>>, vector<16x1xf32>
    tpu.vector_store %arg10[%swap3A_41, %swap3A_42], %add3A_40 {strides = array<i32>} : memref<16x1xf32, #tpu.memory_space<vmem>>, vector<16x1xf32>,
    %eq3A_44 = arith.constant 9 : i32
    %eq3A_45 = arith.cmpi eq, %arg0, %eq3A_44 : i32
    %convert_element_type3A_46 = arith.extui %eq3A_45 : i1 to i32
    %cond3A_47 = arith.constant 0 : i32
    %cond3A_48 = arith.cmpi ne, %convert_element_type3A_46, %cond3A_47 : i32
    scf.if %cond3A_48 {
      %get3A_49 = arith.constant 0 : index
      %get3A_50 = arith.constant 0 : index
      %get3A_51 = vector.load %arg9[%get3A_49, %get3A_50] : memref<16x128xf32, #tpu.memory_space<vmem>>, vector<16x128xf32>
      %get3A_52 = arith.constant 0 : index
      %get3A_53 = arith.constant 0 : index
      %get3A_54 = vector.load %arg6[%get3A_52, %get3A_53] : memref<128x10xf32, #tpu.memory_space<vmem>>, vector<128x10xf32>
      %dot_general3A_55 = arith.constant dense<0.000000e+00> : vector<16x10xf32>
      %dot_general3A_56 = tpu.matmul %get3A_51, %get3A_54, %dot_general3A_55 {dimension_numbers = #tpu.dot_dimension_numbers<[1], [0], [0], [1], [0, 0, 1, 1], [], []>, transpose_lhs_hint = false} : vector<16x128xf32>, vector<128x10xf32>, vector<16x10xf32> -> vector<16x10xf32>
      %get3A_57 = arith.constant 0 : index
      %get3A_58 = arith.constant 0 : index
      %get3A_59 = vector.load %arg10[%get3A_57, %get3A_58] : memref<16x1xf32, #tpu.memory_space<vmem>>, vector<16x1xf32>
      %max3A = arith.constant 1.000000e+00 : f32
      %max3A_60 = vector.broadcast %max3A : f32 to vector<16x1xf32>
      %max3A_61 = arith.maximumf %get3A_59, %max3A_60 : vector<16x1xf32>
      %div3A = vector.broadcast %max3A_61 : vector<16x1xf32> to vector<16x10xf32>
      %div3A_62 = arith.divf %dot_general3A_56, %div3A : vector<16x10xf32>
      %get3A_63 = arith.constant 0 : index
      %get3A_64 = arith.constant 0 : index
      %get3A_65 = vector.load %arg7[%get3A_63, %get3A_64] : memref<1x10xf32, #tpu.memory_space<vmem>>, vector<1x10xf32>
      %add3A_66 = vector.broadcast %get3A_65 : vector<1x10xf32> to vector<16x10xf32>
      %add3A_67 = arith.addf %div3A_62, %add3A_66 : vector<16x10xf32>
      %swap3A_68 = arith.constant 0 : index
      %swap3A_69 = arith.constant 0 : index
      %swap3A_70 = vector.load %arg8[%swap3A_68, %swap3A_69] : memref<16x10xf32, #tpu.memory_space<vmem>>, vector<16x10xf32>
      tpu.vector_store %arg8[%swap3A_68, %swap3A_69], %add3A_67 {strides = array<i32>} : memref<16x10xf32, #tpu.memory_space<vmem>>, vector<16x10xf32>,
    } else {
    }
    return
  }
  func.func @transform_0(%arg0: i32) -> (i32, i32, i32) {
    %c0_i32 = arith.constant 0 : i32
    %c0_i32_0 = arith.constant 0 : i32
    %c0_i32_1 = arith.constant 0 : i32
    return %c0_i32, %arg0, %c0_i32_0 : i32, i32, i32
  }
  func.func @transform_1(%arg0: i32) -> (i32, i32, i32) {
    %c1_i32 = arith.constant 1 : i32
    %c0_i32 = arith.constant 0 : i32
    %c0_i32_0 = arith.constant 0 : i32
    return %c1_i32, %arg0, %c0_i32 : i32, i32, i32
  }
  func.func @transform_2(%arg0: i32) -> (i32, i32) {
    %c0_i32 = arith.constant 0 : i32
    %c0_i32_0 = arith.constant 0 : i32
    return %arg0, %c0_i32 : i32, i32
  }
  func.func @transform_3(%arg0: i32) -> (i32, i32) {
    %c0_i32 = arith.constant 0 : i32
    %c0_i32_0 = arith.constant 0 : i32
    %c0_i32_1 = arith.constant 0 : i32
    return %c0_i32, %c0_i32_0 : i32, i32
  }
  func.func @transform_4(%arg0: i32) -> (i32, i32) {
    %c0_i32 = arith.constant 0 : i32
    %c0_i32_0 = arith.constant 0 : i32
    return %arg0, %c0_i32 : i32, i32
  }
  func.func @transform_5(%arg0: i32) -> (i32, i32) {
    %c0_i32 = arith.constant 0 : i32
    %c0_i32_0 = arith.constant 0 : i32
    %c0_i32_1 = arith.constant 0 : i32
    return %c0_i32, %c0_i32_0 : i32, i32
  }
  func.func @transform_6(%arg0: i32) -> (i32, i32) {
    %c0_i32 = arith.constant 0 : i32
    %c0_i32_0 = arith.constant 0 : i32
    %c0_i32_1 = arith.constant 0 : i32
    return %c0_i32, %c0_i32_0 : i32, i32
  }
  func.func @transform_7(%arg0: i32) -> (i32, i32) {
    %c0_i32 = arith.constant 0 : i32
    %c0_i32_0 = arith.constant 0 : i32
    %c0_i32_1 = arith.constant 0 : i32
    return %c0_i32, %c0_i32_0 : i32, i32
  }
}

</mosaic_0001>

<sc_bundles>
// kernel: kernel.10.cloned.1.call-start
scs
__scs_entry_jumppad:
0x0: {  	(pc) =	sbr.rel $0x88, $3  }
0x1: {  	(tag) =	ssettag $0x0;
	lr =	simm.s32 $0x1  }
0x2: {  	[smem:$0x3F98] =	sst lr;
	_ =	strace $0xD0000000  }
0x3: {  	_ = 	snop  }
0x4: {  	_ = 	snop  }
0x5: {  	_ = 	snop  }
0x6: {  	_ = 	snop  }
0x7: {  	_ = 	snop  }
__scs_overlays_trampoline_lowered:
0x8: {  	[smem:$0x3FA7] =	sst s0  }
0x9: {  	[smem:$0x3FA8] =	sst s1  }
0xa: {  	[smem:$0x3FA9] =	sst s2  }
0xb: {  	[smem:$0x3FAA] =	sst s3  }
0xc: {  	[smem:$0x3FAB] =	sst s4  }
0xd: {  	[smem:$0x3FAC] =	sst s5  }
0xe: {  	[smem:$0x3FAD] =	sst s6  }
0xf: {  	[smem:$0x3FAE] =	sst s7  }
0x10: {  	[smem:$0x3FAF] =	sst s8  }
0x11: {  	[smem:$0x3FB0] =	sst s9;
	s0 =	simm.s32 @!p0 $0x0  }
0x12: {  	s1 =	sld [smem:$0x3F96];
	s0 =	simm.s32 @p0 $0x1  }
0x13: {  	[smem:$0x3FB1] =	sst s0;
	s0 =	simm.s32 @!p1 $0x0  }
0x14: {  	s2 =	sld [smem:$0x3F95];
	s0 =	simm.s32 @p1 $0x1  }
0x15: {  	[smem:$0x3FB2] =	sst s0;
	s0 =	simm.s32 @!p2 $0x0  }
0x16: {  	s3 =	sld [smem:$0x3FDB];
	s0 =	simm.s32 @p2 $0x1  }
0x17: {  	s4 =	simm.s32 $0x1BF5;
	[smem:$0x3FB4] =	sst s0  }
0x18: {  	s0 =	sld [smem:$0x3F97];
	_ =	swait.ge [sflag:s4], $0x0  }
0x19: {  	s7 =	sld [smem:$0x3F98]  }
0x1a: {  	s8 =	sadd.s32 $0xFFFFE003, lr  }
0x1b: {  	s9 =	sadd.s32 $0xFFFFFEF7, lr;
	s5 =	simm.s32 $0xFFFFFFFF;
	p2 =	slt.u32 s8, $0xFFFFF086  }
0x1c: {  	p1 =	slt.u32 s9, $0xF7A;
	s5 =	simm.s32 @!p2 $0x0  }
0x1d: {  	s5 =	simm.s32 @p1 $0x1;
	p0 =	seq.s32 s7, s2  }
0x1e: {  	s7 =	smul.u32 @!p0 $0xF7A, s2;
	p2 =	seq.s32 @!p0 s5, $0x0  }
0x1f: {  	s9 =	smul.u32 $0xF7A, s1;
	s8 =	simm.s32 @!p0 $0x1BF5;
	p2 =	por !p2, p0  }
0x20: {  	[sflag:s8] =	ssyncset.s32 @!p0 $0xFFFFF086;
	s6 =	sadd.s32 @!p0 s3, s7;
	s7 =	simm.s32 @!p0 $0x108  }
0x21: {  	s3 =	sadd.s32 s3, s9;
	s6 =	sadd.s32 @!p0 $0x88, s6;
	s7 =	simm.s32 @p2 $0x1082  }
0x22: {  	[simem:s7], [sflag:s8] =	dma.local @!p0 [hbm:s6], $0xF7A  }
0x23: {  	s9 =	sor.u32 $0xD0000000, s2;
	s6 =	simm.s32 $0x108;
	_ =	swait.ge @!p0 [sflag:s8], $0x0  }
0x24: {  	s3 =	sadd.s32 $0x88, s3;
	s6 =	simm.s32 @!p1 $0x1082;
	[sflag:s4] =	ssyncset.s32 $0xFFFFF086  }
0x25: {  	[simem:s6], [sflag:s4] =	dma.local [hbm:s3], $0xF7A  }
0x26: {  	[smem:$0x3F98] =	sst s1;
	(tag) =	ssettag s2;
	_ =	strace s9  }
0x27: {  	s1 =	sld [smem:$0x3FA8]  }
0x28: {  	s2 =	sld [smem:$0x3FA9]  }
0x29: {  	s4 =	sld [smem:$0x3FAB]  }
0x2a: {  	p0 =	seq.s32 s5, $0x0;
	s5 =	sld [smem:$0x3FAC]  }
0x2b: {  	s6 =	sld [smem:$0x3FAD]  }
0x2c: {  	s7 =	sld [smem:$0x3FAE]  }
0x2d: {  	s3 =	simm.s32 $0x108;
	s8 =	sld [smem:$0x3FAF]  }
0x2e: {  	s3 =	simm.s32 @!p0 $0x1082;
	s9 =	sld [smem:$0x3FB0]  }
0x2f: {  	lr =	sadd.s32 s0, s3;
	s0 =	sld [smem:$0x3FA7]  }
0x30: {  	s3 =	sld [smem:$0x3FAA]  }
0x31: {  	[smem:$0x3FB3] =	sst s10  }
0x32: {  	s10 =	sld [smem:$0x3FB1];
	_ =	sdelay $0x3  }
0x33: {  	p0 =	seq.s32 s10, $0x1;
	s10 =	sld [smem:$0x3FB3];
	_ =	sdelay $0x3  }
0x34: {  	[smem:$0x3FB3] =	sst s10  }
0x35: {  	s10 =	sld [smem:$0x3FB2];
	_ =	sdelay $0x3  }
0x36: {  	p1 =	seq.s32 s10, $0x1;
	s10 =	sld [smem:$0x3FB3];
	_ =	sdelay $0x3  }
0x37: {  	[smem:$0x3FB3] =	sst s10  }
0x38: {  	s10 =	sld [smem:$0x3FB4]  }
0x39: {  	_ = 	snop;
	(pc) =	sbr.ind lr, $3  }
0x3a: {  	_ = 	snop  }
0x3b: {  	_ = 	snop  }
0x3c: {  	p2 =	seq.s32 s10, $0x1;
	s10 =	sld [smem:$0x3FB3]  }
0x3d: {  	_ =	shalt  }
0x3e: {  	_ =	shalt  }
0x3f: {  	_ =	shalt  }
0x40: {  	_ =	shalt  }
0x41: {  	_ =	shalt  }
0x42: {  	_ =	shalt  }
0x43: {  	_ =	shalt  }
0x44: {  	_ =	shalt  }
0x45: {  	_ =	shalt  }
0x46: {  	_ =	shalt  }
0x47: {  	_ =	shalt  }
0x48: {  	_ =	shalt  }
0x49: {  	_ =	shalt  }
0x4a: {  	_ =	shalt  }
0x4b: {  	_ =	shalt  }
0x4c: {  	_ =	shalt  }
0x4d: {  	_ =	shalt  }
0x4e: {  	_ =	shalt  }
0x4f: {  	_ =	shalt  }
0x50: {  	_ =	shalt  }
0x51: {  	_ =	shalt  }
0x52: {  	_ =	shalt  }
0x53: {  	_ =	shalt  }
0x54: {  	_ =	shalt  }
0x55: {  	_ =	shalt  }
0x56: {  	_ =	shalt  }
0x57: {  	_ =	shalt  }
0x58: {  	_ =	shalt  }
0x59: {  	_ =	shalt  }
0x5a: {  	_ =	shalt  }
0x5b: {  	_ =	shalt  }
0x5c: {  	_ =	shalt  }
0x5d: {  	_ =	shalt  }
0x5e: {  	_ =	shalt  }
0x5f: {  	_ =	shalt  }
0x60: {  	_ =	shalt  }
0x61: {  	_ =	shalt  }
0x62: {  	_ =	shalt  }
0x63: {  	_ =	shalt  }
0x64: {  	_ =	shalt  }
0x65: {  	_ =	shalt  }
0x66: {  	_ =	shalt  }
0x67: {  	_ =	shalt  }
0x68: {  	_ =	shalt  }
0x69: {  	_ =	shalt  }
0x6a: {  	_ =	shalt  }
0x6b: {  	_ =	shalt  }
0x6c: {  	_ =	shalt  }
0x6d: {  	_ =	shalt  }
0x6e: {  	_ =	shalt  }
0x6f: {  	_ =	shalt  }
0x70: {  	_ =	shalt  }
0x71: {  	_ =	shalt  }
0x72: {  	_ =	shalt  }
0x73: {  	_ =	shalt  }
0x74: {  	_ =	shalt  }
0x75: {  	_ =	shalt  }
0x76: {  	_ =	shalt  }
0x77: {  	_ =	shalt  }
0x78: {  	_ =	shalt  }
0x79: {  	_ =	shalt  }
0x7a: {  	_ =	shalt  }
0x7b: {  	_ =	shalt  }
0x7c: {  	_ =	shalt  }
0x7d: {  	_ =	shalt  }
0x7e: {  	_ =	shalt  }
0x7f: {  	_ =	shalt  }
0x80: {  	_ =	shalt  }
0x81: {  	_ =	shalt  }
0x82: {  	_ =	shalt  }
0x83: {  	_ =	shalt  }
0x84: {  	_ =	shalt  }
0x85: {  	_ =	shalt  }
0x86: {  	_ =	shalt  }
0x87: {  	_ =	shalt  }
.Lfunc_end0:
.L_simem_size_0:
called_computation_lowered:
.L_overlay_start_0:
0x88: {  	s2 =	sld [smem:$0x3FD9]  }
0x89: {  	s3 =	sld [smem:$0x3FFE];
	_ =	sdelay $0x1  }
0x8a: {  	s1 =	srdreg.scid  }
0x8b: {  	s0 =	sand.u32 $0x1, s1  }
0x8c: {  	s16 =	sshll.u32 s0, $0xA;
	s2 =	sadd.s32 s3, s2  }
0x8d: {  	s2 =	sadd.s32 s2, s16  }
0x8e: {  	[smem:$0x3FBF] =	sst s2  }
0x8f: {  	_ = 	snop  }
0x90: {  	(tm) =	ssettm $0x1  }
0x91: {  	s17 =	sld [smem:$0x3FFB];
	_ =	sdelay $0x3  }
0x92: {  	_ =	strace s17  }
0x93: {  	s2 =	sld [smem:$0x3FFC];
	_ =	sdelay $0x3  }
0x94: {  	_ =	strace s2  }
0x95: {  	s2 =	sld [smem:$0x3FFD];
	_ =	sdelay $0x3  }
0x96: {  	_ =	strace s2  }
0x97: {  	_ =	strace $0x8FFFFFFF  }
0x98: {  	s18 =	sld [smem:$0x3FDB];
	_ =	sdelay $0x1  }
0x99: {  	s19 =	simm.s32 $_scs_section_size  }
0x9a: {  	s4 =	simm.s32 $_size__tile_overlayer_lowered;
	s5 =	simm.s32 $_tile_overlayer_lowered  }
0x9b: {  	s22 =	simm.s32 $0x1BFF;
	s21 =	sshll.u32 s5, $0x1;
	s2 =	sadd.s32 s19, s18  }
0x9c: {  	s6 =	simm.s32 $0x0;
	s20 =	sshll.u32 s4, $0x1;
	s4 =	sadd.s32 s21, s2  }
0x9d: {  	[timem:s6], [sflag:s22] =	dma.local [hbm:s4], s20  }
0x9e: {  	_ =	swait.ge [sflag:s22], s20  }
0x9f: {  	s3 =	ssub.s32 $0x0, s20;
	[sflag:s22] =	ssyncset.done $0x0  }
0xa0: {  	[sflag:s22] =	ssyncadd.s32 s3;
	_ =	sdelay $0x1  }
0xa1: {  	s23 =	simm.s32 $0x1B8B  }
0xa2: {  	_ =	swait.ge [sflag:s23], $0x1  }
0xa3: {  	[sflag:s23] =	ssyncset.done $0x0  }
0xa4: {  	s25 =	simm.s32 $0x1B8E;
	s24 =	sld [smem:$0x3FFE];
	[sflag:s23] =	ssyncadd.s32 $0xFFFFFFFF  }
0xa5: {  	s26 =	simm.s32 $execute0_lowered;
	[smem:$0x3FD2] =	sst s25  }
0xa6: {  	s4 =	sshll.u32 s26, $0x1;
	_ =	strace $0x80000046;
	[dreg:$0x1] =	wrdreg $0xFFFFFFFF  }
0xa7: {  	s28 =	simm.s32 $_size_execute0_lowered;
	s2 =	sadd.s32 s2, s4;
	[dreg:$0x0] =	wrdreg $0x0  }
0xa8: {  	s4 =	sshll.u32 s28, $0x1;
	[dreg:$0x2] =	wrdreg s2  }
0xa9: {  	[dreg:$0x3] =	wrdreg s4  }
0xaa: {  	[dreg:$0x4] =	wrdreg $0xC0  }
0xab: {  	_ =	task [dreg:s6], $0x5FFFF  }
0xac: {  	[dreg:$0x1] =	wrdreg $0xFFFFFFFF  }
0xad: {  	[dreg:$0x0] =	wrdreg $0x60  }
0xae: {  	[dreg:$0x2] =	wrdreg s24  }
0xaf: {  	[dreg:$0x3] =	wrdreg $0x2C800  }
0xb0: {  	[dreg:$0x4] =	wrdreg $0x9  }
0xb1: {  	_ =	task.clear_ibuf [dreg:s6], $0x5FFFF;
	_ =	strace $0x90000046  }
0xb2: {  	s29 =	simm.s32 $0x9;
	_ =	strace $0x80000048  }
0xb3: {  	_ =	swait.ge [sflag:s29], $0x1  }
0xb4: {  	[sflag:s29] =	ssyncadd.s32 $0xFFFFFFFF  }
0xb5: {  	_ =	strace $0x90000048  }
0xb6: {  	_ =	sfence  }
0xb7: {  	s30 =	sld [smem:$0x0];
	_ =	sdelay $0x2  }
0xb8: {  	s31 =	sshll.u32 s1, $0xD;
	s1 =	sshrl.u32 s1, $0x2  }
0xb9: {  	s3 =	sand.u32 $0x4000, s31;
	s1 =	sadd.s32 s1, s30  }
0xba: {  	s0 =	sor.u32 s3, s0;
	s1 =	sshll.u32 s1, $0x11  }
0xbb: {  	s0 =	sor.u32 s1, s0  }
0xbc: {  	s0 =	sadd.s32 $0x8F2B, s0  }
0xbd: {  	[sflag:s0] =	ssyncadd.remote.s32 $0x1  }
0xbe: {  	_ =	sfence.sel $0xFFFF  }
0xbf: {  	[dreg:$0x0] =	wrdreg $0xFFFFFFFF;
	(pc) =	sbr.abs _section_cstart, $3  }
0xc0: {  	[dreg:$0x1] =	wrdreg $0xFFFFFFFF  }
0xc1: {  	_ =	task.clear_ibuf [dreg:s6], $0x2FFFF;
	_ =	strace $0x9FFFFFFF  }
0xc2: {  	(tm) =	ssettm $0x7FFFFFFF  }
0xc3: {  	_ =	shalt  }
tec
execute0_lowered:
.L_overlay_start_1:
0x0: {  	(tag) =	ssettag $0x1  }
0x1: {  	s1 =	srdreg.scid;
	s5 =	rddreg [dreg:$0x0]  }
0x2: {  	s0 =	stileid.u32;
	s2 =	rddreg [dreg:$0x1];
	s3 =	simm.s32 $0x0  }
0x3: {  	s12 =	simm.s32 $0x2C00;
	s13 =	simm.s32 $0x0;
	s4 =	sand.u32 $0x1, s1  }
0x4: {  	s30 =	sshll.u32 s0, $0x1;
	s7 =	smul.u32 $0x280, s0;
	[smem:$0x7FF] =	sst s3  }
0x5: {  	s31 =	sshll.u32 s0, $0x6;
	s1 =	sor.u32 s4, s30;
	s8 =	smul.u32 $0x2800, s4  }
0x6: {  	s4 =	ssub.s32 $0x2, s4;
	s6 =	smul.u32 $0x580, s1;
	s1 =	rddreg [dreg:$0x2]  }
0x7: {  	_ =	strace $0x80000047;
	s9 =	sshrl.u32 s7, $0x3;
	s10 =	sshrl.u32 s4, $0x1  }
0x8: {  	s11 =	sadd.s32 s7, s2;
	s8 =	sadd.s32 s7, s8;
	s9 =	sadd.s32 s9, s5  }
0x9: {  	s10 =	ssub.s32 s4, s10;
	s6 =	sadd.s32 s6, s5;
	s8 =	sshrl.u32 s8, $0x3  }
0xa: {  	s7 =	smax.u32 s10, $0x1;
	s10 =	sshrl.u32 s11, $0x3;
	s11 =	simm.s32 $0x80  }
0xb: {  	s8 =	sadd.s32 s8, s5;
	s4 =	sadd.s32 $0x2600, s6;
	s5 =	sadd.s32 $0xD600, s9  }
0xc: {  	v0 =	vimm.f32 $1.000000000e+00;
	s9 =	sor.u32 $0x1C01, s31;
	s6 =	sadd.s32 $0xDC00, s8;
	s8 =	simm.s32 $0x1  }
.LBB2_1:
0xd: {  	[tilespmem:s3], [sflag:$0x1] =	stream.linear.gather [hbm4b:s4+s3], $0x2880, $0x38;
	[tilespmem:$0x2F00] =	vst v63  }
0xe: {  	_ =	swait.ge [sflag:s8], $0x2880  }
0xf: {  	[sflag:s8] =	ssyncset.done $0x0  }
0x10: {  	[sflag:s8] =	ssyncadd.s32 $0xFFFFD780  }
0x11: {  	[tilespmem:$0x2C00] =	vst v0  }
0x12: {  	[tilespmem:$0x2C10] =	vst v0  }
0x13: {  	[tilespmem:$0x2C20] =	vst v0  }
0x14: {  	[tilespmem:$0x2C30] =	vst v0  }
0x15: {  	[tilespmem:$0x2C40] =	vst v0  }
0x16: {  	[tilespmem:$0x2C50] =	vst v0  }
0x17: {  	[tilespmem:$0x2C60] =	vst v0  }
0x18: {  	[tilespmem:$0x2C70] =	vst v0  }
0x19: {  	[spmem:s10], [sflag:s9] =	dma.local [hbm:s5], $0x50  }
0x1a: {  	_ =	swait.ge [sflag:s8], $0x50  }
0x1b: {  	[sflag:s8] =	ssyncset.done $0x0  }
0x1c: {  	[sflag:s8] =	ssyncadd.s32 $0xFFFFFFB0  }
0x1d: {  	s14 =	simm.s32 $0x0;
	[bflag:$0x0] =	sbarrier.arrive $0xFFFF  }
0x1e: {  	[spmem:s2] =	stream.indirect.scatter.add.f32 [tilespmem:s12], [sflag:$0x1], $0x1, s14, s11, $0xb8;
	[tilespmem:$0x2F00] =	vst v63  }
0x1f: {  	_ =	swait.ge [sflag:s8], $0x80  }
0x20: {  	s14 =	simm.s32 $0x200;
	[sflag:s8] =	ssyncset.done $0x0  }
.LBB2_2:
0x21: {  	s15 =	sshra.s32 s14, $0x2;
	[sflag:s8] =	ssyncadd.s32 $0xFFFFFF80;
	p0 =	sne.s32 s14, $0xA000  }
0x22: {  	[spmem:s2] =	stream.indirect.scatter.add.f32 [tilespmem:s12], [sflag:$0x1], $0x1, s15, s11, $0xb8;
	[tilespmem:$0x2F00] =	vst v63  }
.Ltmp0:
0x23: {  	_ = 	snop;
	(pc) =	sbr.rel @p0 .LBB2_2-.Ltmp0, $4  }
0x24: {  	_ = 	snop  }
0x25: {  	s14 =	sadd.s32 $0x200, s14  }
0x26: {  	_ =	swait.ge [sflag:s8], $0x80  }
0x27: {  	[sflag:s8] =	ssyncset.done $0x0  }
0x28: {  	s13 =	sadd.s32 $0x1, s13  }
0x29: {  	[sflag:s8] =	ssyncadd.s32 $0xFFFFFF80;
	p0 =	sne.s32 s13, s7  }
.Ltmp1:
0x2a: {  	[bflag:$0x0] =	sbarrier.arrive $0xFFFF;
	(pc) =	sbr.rel @p0 .LBB2_1-.Ltmp1, $4  }
0x2b: {  	[hbm:s6], [sflag:s9] =	dma.local [spmem:s10], $0x50  }
0x2c: {  	_ =	swait.ge [sflag:s8], $0x50  }
0x2d: {  	[sflag:s8] =	ssyncset.done $0x0  }
0x2e: {  	[sflag:s8] =	ssyncadd.s32 $0xFFFFFFB0  }
0x2f: {  	_ =	sfence.sel $0x180000  }
0x30: {  	[bflag:$0x0] =	sbarrier.arrive $0xFFFF  }
0x31: {  	p0 =	sne.s32 s0, $0x0;
	_ =	strace $0x90000047  }
0x32: {  	s0 =	sadd.s32 @!p0 $0x100000, s1;
	[bflag:$0x2] =	sbarrier.arrive $0xFFFF  }
0x33: {  	[sflag:s0] =	ssyncadd.tile.s32 @!p0 $0x1;
	_ =	shalt  }
.Lfunc_end2:
_tile_overlayer_lowered:
.L_overlay_start_2:
0x34: {  	(tag) =	ssettag $0x2  }
0x35: {  	s0 =	rddreg [dreg:$0x0];
	s2 =	stileid.u32  }
0x36: {  	s1 =	rddreg [dreg:$0x1];
	p0 =	sne.s32 s2, $0x0  }
0x37: {  	s3 =	rddreg [dreg:$0x2];
	[bflag:$0x3] =	sbarrier.arrive $0xFFFF;
	s2 =	simm.s32 @!p0 $0x1C01  }
0x38: {  	[timem:s3], [sflag:s2] =	dma.local @!p0 [hbm:s0], s1  }
0x39: {  	s0 =	simm.s32 @!p0 $0x1  }
0x3a: {  	_ =	swait.ge @!p0 [sflag:s0], s1  }
0x3b: {  	s1 =	ssub.s32 @!p0 $0x0, s1;
	[sflag:s0] =	ssyncset.done @!p0 $0x0  }
0x3c: {  	[sflag:s0] =	ssyncadd.s32 @!p0 s1  }
0x3d: {  	[bflag:$0x3] =	sbarrier.arrive $0xFFFF  }
0x3e: {  	_ =	shalt  }

// kernel: kernel.13.cloned.1.call-start
scs
__scs_entry_jumppad:
0x0: {  	(pc) =	sbr.rel $0x88, $3  }
0x1: {  	(tag) =	ssettag $0x0;
	lr =	simm.s32 $0x1  }
0x2: {  	[smem:$0x3F98] =	sst lr;
	_ =	strace $0xD0000000  }
0x3: {  	_ = 	snop  }
0x4: {  	_ = 	snop  }
0x5: {  	_ = 	snop  }
0x6: {  	_ = 	snop  }
0x7: {  	_ = 	snop  }
__scs_overlays_trampoline_lowered:
0x8: {  	[smem:$0x3FA7] =	sst s0  }
0x9: {  	[smem:$0x3FA8] =	sst s1  }
0xa: {  	[smem:$0x3FA9] =	sst s2  }
0xb: {  	[smem:$0x3FAA] =	sst s3  }
0xc: {  	[smem:$0x3FAB] =	sst s4  }
0xd: {  	[smem:$0x3FAC] =	sst s5  }
0xe: {  	[smem:$0x3FAD] =	sst s6  }
0xf: {  	[smem:$0x3FAE] =	sst s7  }
0x10: {  	[smem:$0x3FAF] =	sst s8  }
0x11: {  	[smem:$0x3FB0] =	sst s9;
	s0 =	simm.s32 @!p0 $0x0  }
0x12: {  	s1 =	sld [smem:$0x3F96];
	s0 =	simm.s32 @p0 $0x1  }
0x13: {  	[smem:$0x3FB1] =	sst s0;
	s0 =	simm.s32 @!p1 $0x0  }
0x14: {  	s2 =	sld [smem:$0x3F95];
	s0 =	simm.s32 @p1 $0x1  }
0x15: {  	[smem:$0x3FB2] =	sst s0;
	s0 =	simm.s32 @!p2 $0x0  }
0x16: {  	s3 =	sld [smem:$0x3FDB];
	s0 =	simm.s32 @p2 $0x1  }
0x17: {  	s4 =	simm.s32 $0x1BF5;
	[smem:$0x3FB4] =	sst s0  }
0x18: {  	s0 =	sld [smem:$0x3F97];
	_ =	swait.ge [sflag:s4], $0x0  }
0x19: {  	s7 =	sld [smem:$0x3F98]  }
0x1a: {  	s8 =	sadd.s32 $0xFFFFE003, lr  }
0x1b: {  	s9 =	sadd.s32 $0xFFFFFEF7, lr;
	s5 =	simm.s32 $0xFFFFFFFF;
	p2 =	slt.u32 s8, $0xFFFFF086  }
0x1c: {  	p1 =	slt.u32 s9, $0xF7A;
	s5 =	simm.s32 @!p2 $0x0  }
0x1d: {  	s5 =	simm.s32 @p1 $0x1;
	p0 =	seq.s32 s7, s2  }
0x1e: {  	s7 =	smul.u32 @!p0 $0xF7A, s2;
	p2 =	seq.s32 @!p0 s5, $0x0  }
0x1f: {  	s9 =	smul.u32 $0xF7A, s1;
	s8 =	simm.s32 @!p0 $0x1BF5;
	p2 =	por !p2, p0  }
0x20: {  	[sflag:s8] =	ssyncset.s32 @!p0 $0xFFFFF086;
	s6 =	sadd.s32 @!p0 s3, s7;
	s7 =	simm.s32 @!p0 $0x108  }
0x21: {  	s3 =	sadd.s32 s3, s9;
	s6 =	sadd.s32 @!p0 $0x88, s6;
	s7 =	simm.s32 @p2 $0x1082  }
0x22: {  	[simem:s7], [sflag:s8] =	dma.local @!p0 [hbm:s6], $0xF7A  }
0x23: {  	s9 =	sor.u32 $0xD0000000, s2;
	s6 =	simm.s32 $0x108;
	_ =	swait.ge @!p0 [sflag:s8], $0x0  }
0x24: {  	s3 =	sadd.s32 $0x88, s3;
	s6 =	simm.s32 @!p1 $0x1082;
	[sflag:s4] =	ssyncset.s32 $0xFFFFF086  }
0x25: {  	[simem:s6], [sflag:s4] =	dma.local [hbm:s3], $0xF7A  }
0x26: {  	[smem:$0x3F98] =	sst s1;
	(tag) =	ssettag s2;
	_ =	strace s9  }
0x27: {  	s1 =	sld [smem:$0x3FA8]  }
0x28: {  	s2 =	sld [smem:$0x3FA9]  }
0x29: {  	s4 =	sld [smem:$0x3FAB]  }
0x2a: {  	p0 =	seq.s32 s5, $0x0;
	s5 =	sld [smem:$0x3FAC]  }
0x2b: {  	s6 =	sld [smem:$0x3FAD]  }
0x2c: {  	s7 =	sld [smem:$0x3FAE]  }
0x2d: {  	s3 =	simm.s32 $0x108;
	s8 =	sld [smem:$0x3FAF]  }
0x2e: {  	s3 =	simm.s32 @!p0 $0x1082;
	s9 =	sld [smem:$0x3FB0]  }
0x2f: {  	lr =	sadd.s32 s0, s3;
	s0 =	sld [smem:$0x3FA7]  }
0x30: {  	s3 =	sld [smem:$0x3FAA]  }
0x31: {  	[smem:$0x3FB3] =	sst s10  }
0x32: {  	s10 =	sld [smem:$0x3FB1];
	_ =	sdelay $0x3  }
0x33: {  	p0 =	seq.s32 s10, $0x1;
	s10 =	sld [smem:$0x3FB3];
	_ =	sdelay $0x3  }
0x34: {  	[smem:$0x3FB3] =	sst s10  }
0x35: {  	s10 =	sld [smem:$0x3FB2];
	_ =	sdelay $0x3  }
0x36: {  	p1 =	seq.s32 s10, $0x1;
	s10 =	sld [smem:$0x3FB3];
	_ =	sdelay $0x3  }
0x37: {  	[smem:$0x3FB3] =	sst s10  }
0x38: {  	s10 =	sld [smem:$0x3FB4]  }
0x39: {  	_ = 	snop;
	(pc) =	sbr.ind lr, $3  }
0x3a: {  	_ = 	snop  }
0x3b: {  	_ = 	snop  }
0x3c: {  	p2 =	seq.s32 s10, $0x1;
	s10 =	sld [smem:$0x3FB3]  }
0x3d: {  	_ =	shalt  }
0x3e: {  	_ =	shalt  }
0x3f: {  	_ =	shalt  }
0x40: {  	_ =	shalt  }
0x41: {  	_ =	shalt  }
0x42: {  	_ =	shalt  }
0x43: {  	_ =	shalt  }
0x44: {  	_ =	shalt  }
0x45: {  	_ =	shalt  }
0x46: {  	_ =	shalt  }
0x47: {  	_ =	shalt  }
0x48: {  	_ =	shalt  }
0x49: {  	_ =	shalt  }
0x4a: {  	_ =	shalt  }
0x4b: {  	_ =	shalt  }
0x4c: {  	_ =	shalt  }
0x4d: {  	_ =	shalt  }
0x4e: {  	_ =	shalt  }
0x4f: {  	_ =	shalt  }
0x50: {  	_ =	shalt  }
0x51: {  	_ =	shalt  }
0x52: {  	_ =	shalt  }
0x53: {  	_ =	shalt  }
0x54: {  	_ =	shalt  }
0x55: {  	_ =	shalt  }
0x56: {  	_ =	shalt  }
0x57: {  	_ =	shalt  }
0x58: {  	_ =	shalt  }
0x59: {  	_ =	shalt  }
0x5a: {  	_ =	shalt  }
0x5b: {  	_ =	shalt  }
0x5c: {  	_ =	shalt  }
0x5d: {  	_ =	shalt  }
0x5e: {  	_ =	shalt  }
0x5f: {  	_ =	shalt  }
0x60: {  	_ =	shalt  }
0x61: {  	_ =	shalt  }
0x62: {  	_ =	shalt  }
0x63: {  	_ =	shalt  }
0x64: {  	_ =	shalt  }
0x65: {  	_ =	shalt  }
0x66: {  	_ =	shalt  }
0x67: {  	_ =	shalt  }
0x68: {  	_ =	shalt  }
0x69: {  	_ =	shalt  }
0x6a: {  	_ =	shalt  }
0x6b: {  	_ =	shalt  }
0x6c: {  	_ =	shalt  }
0x6d: {  	_ =	shalt  }
0x6e: {  	_ =	shalt  }
0x6f: {  	_ =	shalt  }
0x70: {  	_ =	shalt  }
0x71: {  	_ =	shalt  }
0x72: {  	_ =	shalt  }
0x73: {  	_ =	shalt  }
0x74: {  	_ =	shalt  }
0x75: {  	_ =	shalt  }
0x76: {  	_ =	shalt  }
0x77: {  	_ =	shalt  }
0x78: {  	_ =	shalt  }
0x79: {  	_ =	shalt  }
0x7a: {  	_ =	shalt  }
0x7b: {  	_ =	shalt  }
0x7c: {  	_ =	shalt  }
0x7d: {  	_ =	shalt  }
0x7e: {  	_ =	shalt  }
0x7f: {  	_ =	shalt  }
0x80: {  	_ =	shalt  }
0x81: {  	_ =	shalt  }
0x82: {  	_ =	shalt  }
0x83: {  	_ =	shalt  }
0x84: {  	_ =	shalt  }
0x85: {  	_ =	shalt  }
0x86: {  	_ =	shalt  }
0x87: {  	_ =	shalt  }
.Lfunc_end0:
.L_simem_size_0:
called_computation.1_lowered:
.L_overlay_start_0:
0x88: {  	s2 =	sld [smem:$0x3FD9]  }
0x89: {  	s3 =	sld [smem:$0x3FFE];
	_ =	sdelay $0x1  }
0x8a: {  	s1 =	srdreg.scid  }
0x8b: {  	s0 =	sand.u32 $0x1, s1  }
0x8c: {  	s16 =	sshll.u32 s0, $0xA;
	s2 =	sadd.s32 s3, s2  }
0x8d: {  	s2 =	sadd.s32 s2, s16  }
0x8e: {  	[smem:$0x3FBF] =	sst s2  }
0x8f: {  	_ = 	snop  }
0x90: {  	(tm) =	ssettm $0x1  }
0x91: {  	s17 =	sld [smem:$0x3FFB];
	_ =	sdelay $0x3  }
0x92: {  	_ =	strace s17  }
0x93: {  	s2 =	sld [smem:$0x3FFC];
	_ =	sdelay $0x3  }
0x94: {  	_ =	strace s2  }
0x95: {  	s2 =	sld [smem:$0x3FFD];
	_ =	sdelay $0x3  }
0x96: {  	_ =	strace s2  }
0x97: {  	_ =	strace $0x8FFFFFFF  }
0x98: {  	s18 =	sld [smem:$0x3FDB];
	_ =	sdelay $0x1  }
0x99: {  	s19 =	simm.s32 $_scs_section_size  }
0x9a: {  	s4 =	simm.s32 $_size__tile_overlayer_lowered;
	s5 =	simm.s32 $_tile_overlayer_lowered  }
0x9b: {  	s22 =	simm.s32 $0x1BFF;
	s21 =	sshll.u32 s5, $0x1;
	s2 =	sadd.s32 s19, s18  }
0x9c: {  	s6 =	simm.s32 $0x0;
	s20 =	sshll.u32 s4, $0x1;
	s4 =	sadd.s32 s21, s2  }
0x9d: {  	[timem:s6], [sflag:s22] =	dma.local [hbm:s4], s20  }
0x9e: {  	_ =	swait.ge [sflag:s22], s20  }
0x9f: {  	s3 =	ssub.s32 $0x0, s20;
	[sflag:s22] =	ssyncset.done $0x0  }
0xa0: {  	[sflag:s22] =	ssyncadd.s32 s3;
	_ =	sdelay $0x1  }
0xa1: {  	s23 =	simm.s32 $0x1B8B  }
0xa2: {  	_ =	swait.ge [sflag:s23], $0x1  }
0xa3: {  	[sflag:s23] =	ssyncset.done $0x0  }
0xa4: {  	s25 =	simm.s32 $0x1B8E;
	s24 =	sld [smem:$0x3FFE];
	[sflag:s23] =	ssyncadd.s32 $0xFFFFFFFF  }
0xa5: {  	s26 =	simm.s32 $execute0_lowered;
	[smem:$0x3FD2] =	sst s25  }
0xa6: {  	s4 =	sshll.u32 s26, $0x1;
	_ =	strace $0x80000049;
	[dreg:$0x1] =	wrdreg $0xFFFFFFFF  }
0xa7: {  	s28 =	simm.s32 $_size_execute0_lowered;
	s2 =	sadd.s32 s2, s4;
	[dreg:$0x0] =	wrdreg $0x0  }
0xa8: {  	s4 =	sshll.u32 s28, $0x1;
	[dreg:$0x2] =	wrdreg s2  }
0xa9: {  	[dreg:$0x3] =	wrdreg s4  }
0xaa: {  	[dreg:$0x4] =	wrdreg $0xC0  }
0xab: {  	_ =	task [dreg:s6], $0x5FFFF  }
0xac: {  	[dreg:$0x1] =	wrdreg $0xFFFFFFFF  }
0xad: {  	[dreg:$0x0] =	wrdreg $0x60  }
0xae: {  	[dreg:$0x2] =	wrdreg s24  }
0xaf: {  	[dreg:$0x3] =	wrdreg $0xB8000  }
0xb0: {  	[dreg:$0x4] =	wrdreg $0x9  }
0xb1: {  	_ =	task.clear_ibuf [dreg:s6], $0x5FFFF;
	_ =	strace $0x90000049  }
0xb2: {  	s29 =	simm.s32 $0x9;
	_ =	strace $0x8000004B  }
0xb3: {  	_ =	swait.ge [sflag:s29], $0x1  }
0xb4: {  	[sflag:s29] =	ssyncadd.s32 $0xFFFFFFFF  }
0xb5: {  	_ =	strace $0x9000004B  }
0xb6: {  	_ =	sfence  }
0xb7: {  	s30 =	sld [smem:$0x0];
	_ =	sdelay $0x2  }
0xb8: {  	s31 =	sshll.u32 s1, $0xD;
	s1 =	sshrl.u32 s1, $0x2  }
0xb9: {  	s3 =	sand.u32 $0x4000, s31;
	s1 =	sadd.s32 s1, s30  }
0xba: {  	s0 =	sor.u32 s3, s0;
	s1 =	sshll.u32 s1, $0x11  }
0xbb: {  	s0 =	sor.u32 s1, s0  }
0xbc: {  	s0 =	sadd.s32 $0x8F2B, s0  }
0xbd: {  	[sflag:s0] =	ssyncadd.remote.s32 $0x1  }
0xbe: {  	_ =	sfence.sel $0xFFFF  }
0xbf: {  	[dreg:$0x0] =	wrdreg $0xFFFFFFFF;
	(pc) =	sbr.abs _section_cstart, $3  }
0xc0: {  	[dreg:$0x1] =	wrdreg $0xFFFFFFFF  }
0xc1: {  	_ =	task.clear_ibuf [dreg:s6], $0x2FFFF;
	_ =	strace $0x9FFFFFFF  }
0xc2: {  	(tm) =	ssettm $0x7FFFFFFF  }
0xc3: {  	_ =	shalt  }
tec
execute0_lowered:
.L_overlay_start_1:
0x0: {  	(tag) =	ssettag $0x1  }
0x1: {  	s0 =	srdreg.scid;
	s5 =	rddreg [dreg:$0x0]  }
0x2: {  	s3 =	stileid.u32;
	s2 =	rddreg [dreg:$0x1];
	s4 =	simm.s32 $0x0  }
0x3: {  	s13 =	simm.s32 $0x40;
	s17 =	simm.s32 $0x9800;
	s18 =	simm.s32 $0x1  }
0x4: {  	s19 =	simm.s32 $0x4;
	s0 =	sand.u32 $0x1, s0;
	s7 =	smul.u32 $0x14000, s3  }
0x5: {  	s1 =	sshll.u32 s3, $0x1;
	[smem:$0x7FF] =	sst s4;
	s9 =	smul.u32 $0x50000, s3  }
0x6: {  	s4 =	sadd.s32 $0x19600, s5;
	s10 =	sadd.s32 $0x41600, s5;
	s29 =	smul.u32 $0x2800, s3  }
0x7: {  	s1 =	sor.u32 s0, s1;
	s6 =	smul.u32 $0x140000, s0;
	s24 =	ssub.s32 $0x2, s0  }
0x8: {  	_ =	strace $0x8000004A;
	s1 =	smul.u32 $0x580, s1;
	s8 =	sshrl.u32 s24, $0x1  }
0x9: {  	p0 =	seq.s32 s0, $0x0;
	s26 =	sshrl.u32 s9, $0x2;
	s8 =	ssub.s32 s24, s8  }
0xa: {  	s6 =	sadd.s32 s7, s6;
	s1 =	sadd.s32 s1, s5;
	s30 =	smax.u32 s8, $0x1  }
0xb: {  	s28 =	sadd.s32 s26, s2;
	s25 =	sadd.s32 $0xE600, s1;
	[dreg:$0x6] =	wrdreg s30  }
0xc: {  	s6 =	sshrl.u32 s6, $0x3;
	s1 =	sadd.s32 $0x2600, s1;
	[dreg:$0x3] =	wrdreg s25  }
0xd: {  	s5 =	sadd.s32 s6, s5;
	s6 =	sshrl.u32 s28, $0x3;
	[dreg:$0x4] =	wrdreg s1  }
0xe: {  	s10 =	smov.u32 @p0 s4;
	s5 =	sadd.s32 $0x69600, s5;
	[dreg:$0x9] =	wrdreg s6  }
0xf: {  	s31 =	sshll.u32 s3, $0x6;
	s1 =	sadd.s32 s10, s29;
	[dreg:$0x5] =	wrdreg s5  }
0x10: {  	s20 =	simm.s32 $0x2;
	[dreg:$0x7] =	wrdreg s1;
	s5 =	sor.u32 $0x1C04, s31  }
0x11: {  	s21 =	simm.s32 $0x3;
	s1 =	simm.s32 $0x0;
	[dreg:$0x8] =	wrdreg s5  }
.LBB2_1:
0x12: {  	[dreg:$0xa] =	wrdreg s1;
	s3 =	simm.s32 $0x0  }
0x13: {  	s0 =	rddreg [dreg:$0x3];
	s9 =	simm.s32 $0x2C00;
	s7 =	simm.s32 $0x7800  }
0x14: {  	s11 =	simm.s32 $0x80;
	s26 =	simm.s32 $0x5;
	s12 =	simm.s32 $0x80  }
0x15: {  	s14 =	simm.s32 $0x0;
	s28 =	simm.s32 $0xC0;
	s16 =	simm.s32 $0x100  }
0x16: {  	s22 =	simm.s32 $0x140;
	s15 =	simm.s32 $0xC0;
	s24 =	simm.s32 $0x40  }
0x17: {  	s25 =	simm.s32 $0xC0;
	s29 =	simm.s32 $0x3;
	s30 =	simm.s32 $0x4  }
0x18: {  	[tilespmem:s3], [sflag:$0x4] =	stream.linear.gather [hbm4b:s0+s3], $0x2880, $0x38;
	[tilespmem:$0x1F800] =	vst v63  }
0x19: {  	s31 =	simm.s32 $0x6;
	s0 =	simm.s32 $0x140;
	_ =	swait.ge [sflag:s19], $0x2880  }
0x1a: {  	s1 =	sand.u32 $0xFFFFFF80, s12;
	s23 =	sand.u32 $0x40, s3;
	[sflag:s19] =	ssyncset.done $0x0  }
0x1b: {  	s22 =	sand.u32 $0xFFFFFF80, s22;
	s8 =	rddreg [dreg:$0x4];
	[sflag:s19] =	ssyncadd.s32 $0xFFFFD780  }
0x1c: {  	[tilespmem:s9], [sflag:$0x4] =	stream.linear.gather [hbm4b:s8+s3], $0x2880, $0x38;
	[tilespmem:$0x1F800] =	vst v63  }
0x1d: {  	s16 =	sand.u32 $0xFFFFFF80, s16;
	s12 =	simm.s32 $0x80;
	_ =	swait.ge [sflag:s19], $0x2880  }
0x1e: {  	s1 =	ssub.s32 $0x0, s1;
	s16 =	ssub.s32 $0x0, s16;
	[sflag:s19] =	ssyncset.done $0x0  }
0x1f: {  	s22 =	ssub.s32 $0x0, s22;
	s10 =	rddreg [dreg:$0x7];
	[sflag:s19] =	ssyncadd.s32 $0xFFFFD780  }
0x20: {  	[spmem:s6], [sflag:s5] =	dma.local [hbm:s10], $0x2800  }
0x21: {  	s0 =	sand.u32 $0x40, s0;
	s1 =	sadd.s32 $0x80, s1;
	_ =	swait.ge [sflag:s19], $0x2800  }
0x22: {  	s16 =	sadd.s32 $0x100, s16;
	s22 =	sadd.s32 $0x140, s22;
	[sflag:s19] =	ssyncset.done $0x0  }
0x23: {  	s1 =	sand.u32 $0xFFFFFF80, s1;
	s10 =	sand.u32 $0xFFFFFF80, s14;
	[sflag:s19] =	ssyncadd.s32 $0xFFFFD800  }
0x24: {  	s6 =	simm.s32 $0x5800;
	s10 =	ssub.s32 $0x0, s10;
	[bflag:$0x0] =	sbarrier.arrive $0xFFFF  }
0x25: {  	[tilespmem:s6], [sflag:$0x1] =	stream.indirect.gather [hbm4b:s4+s13], $0x80, s3, s13, $0xb8;
	[tilespmem:$0x1F800] =	vst v63  }
0x26: {  	s16 =	sand.u32 $0xFFFFFF80, s16;
	s5 =	sand.u32 $0x3FFFFF80, s14;
	s10 =	sand.u32 $0xFFFFFF80, s10  }
0x27: {  	[tilespmem:s7], [sflag:$0x2] =	stream.indirect.gather [hbm4b:s4+s13], $0x80, s13, s13, $0xb8;
	[tilespmem:$0x1F800] =	vst v63  }
0x28: {  	s8 =	sand.u32 $0x40, s28;
	s5 =	sadd.s32 s10, s5;
	s10 =	sand.u32 $0xFFFFFF80, s15  }
0x29: {  	[tilespmem:s17], [sflag:$0x3] =	stream.indirect.gather [hbm4b:s4+s13], $0x80, s11, s13, $0xb8;
	[tilespmem:$0x1F800] =	vst v63  }
0x2a: {  	s5 =	sor.u32 s23, s5;
	s10 =	ssub.s32 $0x0, s10;
	_ =	swait.ge [sflag:s18], $0x2000  }
0x2b: {  	s23 =	sand.u32 $0x3FFFFF80, s25;
	s10 =	sadd.s32 $0xC0, s10;
	[sflag:s18] =	ssyncset.done $0x0  }
0x2c: {  	s5 =	sadd.s32 $0x2C00, s5;
	s10 =	sand.u32 $0xFFFFFF80, s10;
	[sflag:s18] =	ssyncadd.s32 $0xFFFFE000  }
0x2d: {  	[spmem:s2] =	stream.indirect.scatter.add.f32 [tilespmem:s6], [sflag:$0x4], $0x80, s5, s13, $0xb8;
	[tilespmem:$0x1F800] =	vst v63  }
0x2e: {  	s9 =	simm.s32 $0x40;
	s10 =	sadd.s32 s10, s23;
	s5 =	sand.u32 $0xFFFFFF80, s24  }
0x2f: {  	s23 =	sand.u32 $0x3FFFFF80, s9;
	_ =	swait.ge [sflag:s19], $0x2000;
	s5 =	ssub.s32 $0x0, s5  }
0x30: {  	s10 =	sor.u32 s8, s10;
	[sflag:s19] =	ssyncset.done $0x0;
	s5 =	sadd.s32 $0x40, s5  }
0x31: {  	s11 =	sxor.u32 $0xFFFFFFFF, s3;
	[sflag:s19] =	ssyncadd.s32 $0xFFFFE000;
	s5 =	sand.u32 $0xFFFFFF80, s5  }
0x32: {  	[tilespmem:s6], [sflag:$0x1] =	stream.indirect.gather [hbm4b:s4+s13], $0x80, s10, s13, $0xb8;
	[tilespmem:$0x1F800] =	vst v63  }
0x33: {  	s22 =	sand.u32 $0xFFFFFF80, s22;
	s5 =	sadd.s32 s5, s23;
	s10 =	sand.u32 $0x40, s11  }
0x34: {  	s14 =	simm.s32 $0x80;
	s5 =	sor.u32 s10, s5;
	s10 =	sand.u32 $0x3FFFFF80, s12  }
0x35: {  	s15 =	simm.s32 $0x140;
	_ =	swait.ge [sflag:s20], $0x2000;
	s1 =	sadd.s32 s1, s10  }
0x36: {  	s10 =	sand.u32 $0x40, s14;
	[sflag:s20] =	ssyncset.done $0x0;
	s5 =	sadd.s32 $0x2C00, s5  }
0x37: {  	s1 =	sor.u32 s10, s1;
	s10 =	sand.u32 $0x3FFFFF80, s15;
	[sflag:s20] =	ssyncadd.s32 $0xFFFFE000  }
0x38: {  	[spmem:s2] =	stream.indirect.scatter.add.f32 [tilespmem:s7], [sflag:$0x4], $0x80, s5, s13, $0xb8;
	[tilespmem:$0x1F800] =	vst v63  }
0x39: {  	s24 =	simm.s32 $0x100;
	s23 =	simm.s32 $0x100;
	s10 =	sadd.s32 s22, s10  }
0x3a: {  	s5 =	sand.u32 $0x40, s23;
	s22 =	sand.u32 $0x3FFFFF80, s24;
	_ =	swait.ge [sflag:s19], $0x2000  }
0x3b: {  	s16 =	sadd.s32 s16, s22;
	s24 =	sor.u32 s0, s10;
	[sflag:s19] =	ssyncset.done $0x0  }
0x3c: {  	s0 =	simm.s32 $0x4;
	s25 =	sor.u32 s5, s16;
	[sflag:s19] =	ssyncadd.s32 $0xFFFFE000  }
0x3d: {  	[tilespmem:s7], [sflag:$0x2] =	stream.indirect.gather [hbm4b:s4+s13], $0x80, s25, s13, $0xb8;
	[tilespmem:$0x1F800] =	vst v63  }
0x3e: {  	s5 =	sadd.s32 $0x2C00, s1;
	s1 =	simm.s32 $0x5;
	_ =	swait.ge [sflag:s21], $0x2000  }
.LBB2_2:
0x3f: {  	s16 =	sadd.s32 $0x140, s28;
	s26 =	sadd.s32 $0x3, s26;
	s0 =	sadd.s32 $0x3, s0  }
0x40: {  	s22 =	smov.u32 s28;
	s6 =	smov.u32 s29;
	s23 =	sshll.u32 s1, $0x6  }
0x41: {  	s10 =	sadd.s32 $0xC0, s28;
	s29 =	sadd.s32 $0x3, s29;
	s12 =	sshll.u32 s31, $0x6  }
0x42: {  	p0 =	sne.s32 s28, $0x2700;
	[sflag:s21] =	ssyncset.done $0x0;
	s23 =	sand.u32 $0xFFFFFF80, s23  }
0x43: {  	s7 =	sshll.u32 s0, $0x6;
	s8 =	sshll.u32 s26, $0x6;
	[sflag:s21] =	ssyncadd.s32 $0xFFFFE000  }
0x44: {  	s9 =	sxor.u32 $0xFFFFFFFF, s22;
	s11 =	sand.u32 $0x40, s22;
	s23 =	ssub.s32 s22, s23  }
0x45: {  	[spmem:s2] =	stream.indirect.scatter.add.f32 [tilespmem:s17], [sflag:$0x4], $0x80, s5, s13, $0xb8;
	[tilespmem:$0x1F800] =	vst v63  }
0x46: {  	s15 =	sadd.s32 $0x80, s22;
	s5 =	sadd.s32 $0x80, s23;
	_ =	swait.ge [sflag:s19], $0x2000  }
0x47: {  	s8 =	sand.u32 $0xFFFFFF80, s8;
	s23 =	sand.u32 $0xFFFFFF80, s5;
	[sflag:s19] =	ssyncset.done $0x0  }
0x48: {  	s7 =	sand.u32 $0xFFFFFF80, s7;
	s5 =	sshll.u32 s30, $0x6;
	[sflag:s19] =	ssyncadd.s32 $0xFFFFE000  }
0x49: {  	[tilespmem:s17], [sflag:$0x3] =	stream.indirect.gather [hbm4b:s4+s13], $0x80, s24, s13, $0xb8;
	[tilespmem:$0x1F800] =	vst v63  }
0x4a: {  	s9 =	sand.u32 $0x40, s9;
	s5 =	sand.u32 $0xFFFFFF80, s5;
	_ =	swait.ge [sflag:s18], $0x2000  }
0x4b: {  	s7 =	ssub.s32 s22, s7;
	s24 =	sshll.u32 s6, $0x6;
	s6 =	ssub.s32 s22, s5  }
0x4c: {  	s8 =	ssub.s32 s22, s8;
	s5 =	sand.u32 $0xFFFFFF80, s24;
	s3 =	sadd.s32 $0x40, s24  }
0x4d: {  	s7 =	sadd.s32 $0x100, s7;
	s5 =	ssub.s32 s22, s5;
	s3 =	sand.u32 $0x3FFFFF80, s3  }
0x4e: {  	s14 =	sand.u32 $0x3FFFFF80, s24;
	s25 =	sand.u32 $0xFFFFFF80, s5;
	s5 =	sand.u32 $0xFFFFFF80, s7  }
0x4f: {  	s7 =	sand.u32 $0xFFFFFF80, s12;
	s12 =	sadd.s32 s25, s14;
	s14 =	sshll.u32 s29, $0x6  }
0x50: {  	s6 =	sadd.s32 $0x40, s6;
	s11 =	sor.u32 s11, s12;
	[sflag:s18] =	ssyncset.done $0x0  }
0x51: {  	s12 =	sand.u32 $0x3FFFFF80, s14;
	s11 =	sadd.s32 $0x2C00, s11;
	[sflag:s18] =	ssyncadd.s32 $0xFFFFE000  }
0x52: {  	s6 =	sand.u32 $0xFFFFFF80, s6;
	s7 =	ssub.s32 s22, s7;
	s14 =	sadd.s32 $0x100, s22  }
0x53: {  	s25 =	sand.u32 $0x40, s10;
	s7 =	sadd.s32 $0xC0, s7;
	s14 =	sand.u32 $0x40, s14  }
0x54: {  	s3 =	sadd.s32 s6, s3;
	s22 =	simm.s32 $0x5800;
	s7 =	sand.u32 $0xFFFFFF80, s7  }
0x55: {  	s7 =	sadd.s32 s7, s12;
	s12 =	sand.u32 $0x40, s15;
	s15 =	sadd.s32 $0x140, s24  }
0x56: {  	[spmem:s2] =	stream.indirect.scatter.add.f32 [tilespmem:s22], [sflag:$0x4], $0x80, s11, s13, $0xb8;
	[tilespmem:$0x1F800] =	vst v63  }
0x57: {  	s6 =	sadd.s32 $0x80, s24;
	s7 =	sor.u32 s25, s7;
	_ =	swait.ge [sflag:s19], $0x2000  }
0x58: {  	s3 =	sor.u32 s9, s3;
	s6 =	sand.u32 $0x3FFFFF80, s6;
	[sflag:s19] =	ssyncset.done $0x0  }
0x59: {  	s9 =	sadd.s32 $0x100, s24;
	s11 =	simm.s32 $0x5800;
	[sflag:s19] =	ssyncadd.s32 $0xFFFFE000  }
0x5a: {  	[tilespmem:s22], [sflag:$0x1] =	stream.indirect.gather [hbm4b:s4+s13], $0x80, s7, s13, $0xb8;
	[tilespmem:$0x1F800] =	vst v63  }
0x5b: {  	s6 =	sadd.s32 s23, s6;
	s7 =	sadd.s32 $0x140, s8;
	s8 =	sand.u32 $0x3FFFFF80, s15  }
0x5c: {  	s6 =	sor.u32 s12, s6;
	s7 =	sand.u32 $0xFFFFFF80, s7;
	_ =	swait.ge [sflag:s20], $0x2000  }
0x5d: {  	s3 =	sadd.s32 $0x2C00, s3;
	s7 =	sadd.s32 s7, s8;
	[sflag:s20] =	ssyncset.done $0x0  }
0x5e: {  	s8 =	sand.u32 $0x3FFFFF80, s9;
	s9 =	sand.u32 $0x40, s16;
	[sflag:s20] =	ssyncadd.s32 $0xFFFFE000  }
0x5f: {  	s5 =	sadd.s32 s5, s8;
	s24 =	sor.u32 s9, s7;
	s8 =	simm.s32 $0x7800  }
0x60: {  	[spmem:s2] =	stream.indirect.scatter.add.f32 [tilespmem:s8], [sflag:$0x4], $0x80, s3, s13, $0xb8;
	[tilespmem:$0x1F800] =	vst v63  }
.Ltmp0:
0x61: {  	s3 =	sor.u32 s14, s5;
	_ =	swait.ge [sflag:s19], $0x2000;
	(pc) =	sbr.rel @p0 .LBB2_2-.Ltmp0, $4  }
0x62: {  	s31 =	sadd.s32 $0x3, s31;
	s1 =	sadd.s32 $0x3, s1;
	[sflag:s19] =	ssyncset.done $0x0  }
0x63: {  	s30 =	sadd.s32 $0x3, s30;
	s7 =	simm.s32 $0x7800;
	[sflag:s19] =	ssyncadd.s32 $0xFFFFE000  }
0x64: {  	[tilespmem:s8], [sflag:$0x2] =	stream.indirect.gather [hbm4b:s4+s13], $0x80, s3, s13, $0xb8;
	[tilespmem:$0x1F800] =	vst v63  }
0x65: {  	s28 =	smov.u32 s10;
	s5 =	sadd.s32 $0x2C00, s6;
	_ =	swait.ge [sflag:s21], $0x2000  }
0x66: {  	[sflag:s21] =	ssyncset.done $0x0  }
0x67: {  	[sflag:s21] =	ssyncadd.s32 $0xFFFFE000  }
0x68: {  	[spmem:s2] =	stream.indirect.scatter.add.f32 [tilespmem:s17], [sflag:$0x4], $0x80, s5, s13, $0xb8;
	[tilespmem:$0x1F800] =	vst v63  }
0x69: {  	_ =	swait.ge [sflag:s19], $0x2000  }
0x6a: {  	[sflag:s19] =	ssyncset.done $0x0  }
0x6b: {  	[sflag:s19] =	ssyncadd.s32 $0xFFFFE000  }
0x6c: {  	[tilespmem:s17], [sflag:$0x3] =	stream.indirect.gather [hbm4b:s4+s13], $0x80, s24, s13, $0xb8;
	[tilespmem:$0x1F800] =	vst v63  }
0x6d: {  	_ =	swait.ge [sflag:s18], $0x2000  }
0x6e: {  	[sflag:s18] =	ssyncset.done $0x0  }
0x6f: {  	s0 =	simm.s32 $0x53C0;
	[sflag:s18] =	ssyncadd.s32 $0xFFFFE000  }
0x70: {  	[spmem:s2] =	stream.indirect.scatter.add.f32 [tilespmem:s11], [sflag:$0x4], $0x80, s0, s13, $0xb8;
	[tilespmem:$0x1F800] =	vst v63  }
0x71: {  	_ =	swait.ge [sflag:s19], $0x2000  }
0x72: {  	[sflag:s19] =	ssyncset.done $0x0  }
0x73: {  	[sflag:s19] =	ssyncadd.s32 $0xFFFFE000  }
0x74: {  	_ =	swait.ge [sflag:s20], $0x2000  }
0x75: {  	[sflag:s20] =	ssyncset.done $0x0  }
0x76: {  	s28 =	simm.s32 $0x5400;
	[sflag:s20] =	ssyncadd.s32 $0xFFFFE000  }
0x77: {  	[spmem:s2] =	stream.indirect.scatter.add.f32 [tilespmem:s7], [sflag:$0x4], $0x80, s28, s13, $0xb8;
	[tilespmem:$0x1F800] =	vst v63  }
0x78: {  	_ =	swait.ge [sflag:s19], $0x2000  }
0x79: {  	[sflag:s19] =	ssyncset.done $0x0  }
0x7a: {  	[sflag:s19] =	ssyncadd.s32 $0xFFFFE000  }
0x7b: {  	_ =	swait.ge [sflag:s21], $0x2000  }
0x7c: {  	[sflag:s21] =	ssyncset.done $0x0  }
0x7d: {  	s29 =	simm.s32 $0x5440;
	[sflag:s21] =	ssyncadd.s32 $0xFFFFE000  }
0x7e: {  	[spmem:s2] =	stream.indirect.scatter.add.f32 [tilespmem:s17], [sflag:$0x4], $0x80, s29, s13, $0xb8;
	[tilespmem:$0x1F800] =	vst v63  }
0x7f: {  	_ =	swait.ge [sflag:s19], $0x2000  }
0x80: {  	[sflag:s19] =	ssyncset.done $0x0  }
0x81: {  	[sflag:s19] =	ssyncadd.s32 $0xFFFFE000  }
0x82: {  	[bflag:$0x0] =	sbarrier.arrive $0xFFFF  }
0x83: {  	s30 =	rddreg [dreg:$0x5]  }
0x84: {  	s5 =	rddreg [dreg:$0x8]  }
0x85: {  	s6 =	rddreg [dreg:$0x9]  }
0x86: {  	[hbm:s30], [sflag:s5] =	dma.local [spmem:s6], $0x2800  }
0x87: {  	_ =	swait.ge [sflag:s19], $0x2800  }
0x88: {  	s1 =	rddreg [dreg:$0xa]  }
0x89: {  	s31 =	rddreg [dreg:$0x6];
	s1 =	sadd.s32 $0x1, s1  }
0x8a: {  	p0 =	sne.s32 s1, s31  }
.Ltmp1:
0x8b: {  	_ = 	snop;
	(pc) =	sbr.rel @p0 .LBB2_1-.Ltmp1, $3  }
0x8c: {  	_ =	sdelay $0x1  }
0x8d: {  	[sflag:s19] =	ssyncset.done $0x0  }
0x8e: {  	[sflag:s19] =	ssyncadd.s32 $0xFFFFD800  }
0x8f: {  	_ =	sfence.sel $0x180000  }
0x90: {  	[bflag:$0x0] =	sbarrier.arrive $0xFFFF  }
0x91: {  	_ =	strace $0x9000004A  }
0x92: {  	s0 =	stileid.u32;
	[bflag:$0x2] =	sbarrier.arrive $0xFFFF  }
0x93: {  	p0 =	sne.s32 s0, $0x0;
	s0 =	rddreg [dreg:$0x2]  }
0x94: {  	s0 =	sadd.s32 @!p0 $0x100000, s0  }
0x95: {  	[sflag:s0] =	ssyncadd.tile.s32 @!p0 $0x1;
	_ =	shalt  }
.Lfunc_end2:
_tile_overlayer_lowered:
.L_overlay_start_2:
0x96: {  	(tag) =	ssettag $0x2  }
0x97: {  	s0 =	rddreg [dreg:$0x0];
	s2 =	stileid.u32  }
0x98: {  	s1 =	rddreg [dreg:$0x1];
	p0 =	sne.s32 s2, $0x0  }
0x99: {  	s3 =	rddreg [dreg:$0x2];
	[bflag:$0x3] =	sbarrier.arrive $0xFFFF;
	s2 =	simm.s32 @!p0 $0x1C04  }
0x9a: {  	[timem:s3], [sflag:s2] =	dma.local @!p0 [hbm:s0], s1  }
0x9b: {  	s0 =	simm.s32 @!p0 $0x4  }
0x9c: {  	_ =	swait.ge @!p0 [sflag:s0], s1  }
0x9d: {  	s1 =	ssub.s32 @!p0 $0x0, s1;
	[sflag:s0] =	ssyncset.done @!p0 $0x0  }
0x9e: {  	[sflag:s0] =	ssyncadd.s32 @!p0 s1  }
0x9f: {  	[bflag:$0x3] =	sbarrier.arrive $0xFFFF  }
0xa0: {  	_ =	shalt  }

// kernel: kernel.16.cloned.1.call-start
scs
__scs_entry_jumppad:
0x0: {  	(pc) =	sbr.rel $0x88, $3  }
0x1: {  	(tag) =	ssettag $0x0;
	lr =	simm.s32 $0x1  }
0x2: {  	[smem:$0x3F98] =	sst lr;
	_ =	strace $0xD0000000  }
0x3: {  	_ = 	snop  }
0x4: {  	_ = 	snop  }
0x5: {  	_ = 	snop  }
0x6: {  	_ = 	snop  }
0x7: {  	_ = 	snop  }
__scs_overlays_trampoline_lowered:
0x8: {  	[smem:$0x3FA7] =	sst s0  }
0x9: {  	[smem:$0x3FA8] =	sst s1  }
0xa: {  	[smem:$0x3FA9] =	sst s2  }
0xb: {  	[smem:$0x3FAA] =	sst s3  }
0xc: {  	[smem:$0x3FAB] =	sst s4  }
0xd: {  	[smem:$0x3FAC] =	sst s5  }
0xe: {  	[smem:$0x3FAD] =	sst s6  }
0xf: {  	[smem:$0x3FAE] =	sst s7  }
0x10: {  	[smem:$0x3FAF] =	sst s8  }
0x11: {  	[smem:$0x3FB0] =	sst s9;
	s0 =	simm.s32 @!p0 $0x0  }
0x12: {  	s1 =	sld [smem:$0x3F96];
	s0 =	simm.s32 @p0 $0x1  }
0x13: {  	[smem:$0x3FB1] =	sst s0;
	s0 =	simm.s32 @!p1 $0x0  }
0x14: {  	s2 =	sld [smem:$0x3F95];
	s0 =	simm.s32 @p1 $0x1  }
0x15: {  	[smem:$0x3FB2] =	sst s0;
	s0 =	simm.s32 @!p2 $0x0  }
0x16: {  	s3 =	sld [smem:$0x3FDB];
	s0 =	simm.s32 @p2 $0x1  }
0x17: {  	s4 =	simm.s32 $0x1BF5;
	[smem:$0x3FB4] =	sst s0  }
0x18: {  	s0 =	sld [smem:$0x3F97];
	_ =	swait.ge [sflag:s4], $0x0  }
0x19: {  	s7 =	sld [smem:$0x3F98]  }
0x1a: {  	s8 =	sadd.s32 $0xFFFFE003, lr  }
0x1b: {  	s9 =	sadd.s32 $0xFFFFFEF7, lr;
	s5 =	simm.s32 $0xFFFFFFFF;
	p2 =	slt.u32 s8, $0xFFFFF086  }
0x1c: {  	p1 =	slt.u32 s9, $0xF7A;
	s5 =	simm.s32 @!p2 $0x0  }
0x1d: {  	s5 =	simm.s32 @p1 $0x1;
	p0 =	seq.s32 s7, s2  }
0x1e: {  	s7 =	smul.u32 @!p0 $0xF7A, s2;
	p2 =	seq.s32 @!p0 s5, $0x0  }
0x1f: {  	s9 =	smul.u32 $0xF7A, s1;
	s8 =	simm.s32 @!p0 $0x1BF5;
	p2 =	por !p2, p0  }
0x20: {  	[sflag:s8] =	ssyncset.s32 @!p0 $0xFFFFF086;
	s6 =	sadd.s32 @!p0 s3, s7;
	s7 =	simm.s32 @!p0 $0x108  }
0x21: {  	s3 =	sadd.s32 s3, s9;
	s6 =	sadd.s32 @!p0 $0x88, s6;
	s7 =	simm.s32 @p2 $0x1082  }
0x22: {  	[simem:s7], [sflag:s8] =	dma.local @!p0 [hbm:s6], $0xF7A  }
0x23: {  	s9 =	sor.u32 $0xD0000000, s2;
	s6 =	simm.s32 $0x108;
	_ =	swait.ge @!p0 [sflag:s8], $0x0  }
0x24: {  	s3 =	sadd.s32 $0x88, s3;
	s6 =	simm.s32 @!p1 $0x1082;
	[sflag:s4] =	ssyncset.s32 $0xFFFFF086  }
0x25: {  	[simem:s6], [sflag:s4] =	dma.local [hbm:s3], $0xF7A  }
0x26: {  	[smem:$0x3F98] =	sst s1;
	(tag) =	ssettag s2;
	_ =	strace s9  }
0x27: {  	s1 =	sld [smem:$0x3FA8]  }
0x28: {  	s2 =	sld [smem:$0x3FA9]  }
0x29: {  	s4 =	sld [smem:$0x3FAB]  }
0x2a: {  	p0 =	seq.s32 s5, $0x0;
	s5 =	sld [smem:$0x3FAC]  }
0x2b: {  	s6 =	sld [smem:$0x3FAD]  }
0x2c: {  	s7 =	sld [smem:$0x3FAE]  }
0x2d: {  	s3 =	simm.s32 $0x108;
	s8 =	sld [smem:$0x3FAF]  }
0x2e: {  	s3 =	simm.s32 @!p0 $0x1082;
	s9 =	sld [smem:$0x3FB0]  }
0x2f: {  	lr =	sadd.s32 s0, s3;
	s0 =	sld [smem:$0x3FA7]  }
0x30: {  	s3 =	sld [smem:$0x3FAA]  }
0x31: {  	[smem:$0x3FB3] =	sst s10  }
0x32: {  	s10 =	sld [smem:$0x3FB1];
	_ =	sdelay $0x3  }
0x33: {  	p0 =	seq.s32 s10, $0x1;
	s10 =	sld [smem:$0x3FB3];
	_ =	sdelay $0x3  }
0x34: {  	[smem:$0x3FB3] =	sst s10  }
0x35: {  	s10 =	sld [smem:$0x3FB2];
	_ =	sdelay $0x3  }
0x36: {  	p1 =	seq.s32 s10, $0x1;
	s10 =	sld [smem:$0x3FB3];
	_ =	sdelay $0x3  }
0x37: {  	[smem:$0x3FB3] =	sst s10  }
0x38: {  	s10 =	sld [smem:$0x3FB4]  }
0x39: {  	_ = 	snop;
	(pc) =	sbr.ind lr, $3  }
0x3a: {  	_ = 	snop  }
0x3b: {  	_ = 	snop  }
0x3c: {  	p2 =	seq.s32 s10, $0x1;
	s10 =	sld [smem:$0x3FB3]  }
0x3d: {  	_ =	shalt  }
0x3e: {  	_ =	shalt  }
0x3f: {  	_ =	shalt  }
0x40: {  	_ =	shalt  }
0x41: {  	_ =	shalt  }
0x42: {  	_ =	shalt  }
0x43: {  	_ =	shalt  }
0x44: {  	_ =	shalt  }
0x45: {  	_ =	shalt  }
0x46: {  	_ =	shalt  }
0x47: {  	_ =	shalt  }
0x48: {  	_ =	shalt  }
0x49: {  	_ =	shalt  }
0x4a: {  	_ =	shalt  }
0x4b: {  	_ =	shalt  }
0x4c: {  	_ =	shalt  }
0x4d: {  	_ =	shalt  }
0x4e: {  	_ =	shalt  }
0x4f: {  	_ =	shalt  }
0x50: {  	_ =	shalt  }
0x51: {  	_ =	shalt  }
0x52: {  	_ =	shalt  }
0x53: {  	_ =	shalt  }
0x54: {  	_ =	shalt  }
0x55: {  	_ =	shalt  }
0x56: {  	_ =	shalt  }
0x57: {  	_ =	shalt  }
0x58: {  	_ =	shalt  }
0x59: {  	_ =	shalt  }
0x5a: {  	_ =	shalt  }
0x5b: {  	_ =	shalt  }
0x5c: {  	_ =	shalt  }
0x5d: {  	_ =	shalt  }
0x5e: {  	_ =	shalt  }
0x5f: {  	_ =	shalt  }
0x60: {  	_ =	shalt  }
0x61: {  	_ =	shalt  }
0x62: {  	_ =	shalt  }
0x63: {  	_ =	shalt  }
0x64: {  	_ =	shalt  }
0x65: {  	_ =	shalt  }
0x66: {  	_ =	shalt  }
0x67: {  	_ =	shalt  }
0x68: {  	_ =	shalt  }
0x69: {  	_ =	shalt  }
0x6a: {  	_ =	shalt  }
0x6b: {  	_ =	shalt  }
0x6c: {  	_ =	shalt  }
0x6d: {  	_ =	shalt  }
0x6e: {  	_ =	shalt  }
0x6f: {  	_ =	shalt  }
0x70: {  	_ =	shalt  }
0x71: {  	_ =	shalt  }
0x72: {  	_ =	shalt  }
0x73: {  	_ =	shalt  }
0x74: {  	_ =	shalt  }
0x75: {  	_ =	shalt  }
0x76: {  	_ =	shalt  }
0x77: {  	_ =	shalt  }
0x78: {  	_ =	shalt  }
0x79: {  	_ =	shalt  }
0x7a: {  	_ =	shalt  }
0x7b: {  	_ =	shalt  }
0x7c: {  	_ =	shalt  }
0x7d: {  	_ =	shalt  }
0x7e: {  	_ =	shalt  }
0x7f: {  	_ =	shalt  }
0x80: {  	_ =	shalt  }
0x81: {  	_ =	shalt  }
0x82: {  	_ =	shalt  }
0x83: {  	_ =	shalt  }
0x84: {  	_ =	shalt  }
0x85: {  	_ =	shalt  }
0x86: {  	_ =	shalt  }
0x87: {  	_ =	shalt  }
.Lfunc_end0:
.L_simem_size_0:
called_computation.2_lowered:
.L_overlay_start_0:
0x88: {  	s2 =	sld [smem:$0x3FD9]  }
0x89: {  	s3 =	sld [smem:$0x3FFE];
	_ =	sdelay $0x1  }
0x8a: {  	s1 =	srdreg.scid  }
0x8b: {  	s0 =	sand.u32 $0x1, s1  }
0x8c: {  	s16 =	sshll.u32 s0, $0xA;
	s2 =	sadd.s32 s3, s2  }
0x8d: {  	s2 =	sadd.s32 s2, s16  }
0x8e: {  	[smem:$0x3FBF] =	sst s2  }
0x8f: {  	_ = 	snop  }
0x90: {  	(tm) =	ssettm $0x1  }
0x91: {  	s17 =	sld [smem:$0x3FFB];
	_ =	sdelay $0x3  }
0x92: {  	_ =	strace s17  }
0x93: {  	s2 =	sld [smem:$0x3FFC];
	_ =	sdelay $0x3  }
0x94: {  	_ =	strace s2  }
0x95: {  	s2 =	sld [smem:$0x3FFD];
	_ =	sdelay $0x3  }
0x96: {  	_ =	strace s2  }
0x97: {  	_ =	strace $0x8FFFFFFF  }
0x98: {  	s18 =	sld [smem:$0x3FDB];
	_ =	sdelay $0x1  }
0x99: {  	s19 =	simm.s32 $_scs_section_size  }
0x9a: {  	s4 =	simm.s32 $_size__tile_overlayer_lowered;
	s5 =	simm.s32 $_tile_overlayer_lowered  }
0x9b: {  	s22 =	simm.s32 $0x1BFF;
	s21 =	sshll.u32 s5, $0x1;
	s2 =	sadd.s32 s19, s18  }
0x9c: {  	s6 =	simm.s32 $0x0;
	s20 =	sshll.u32 s4, $0x1;
	s4 =	sadd.s32 s21, s2  }
0x9d: {  	[timem:s6], [sflag:s22] =	dma.local [hbm:s4], s20  }
0x9e: {  	_ =	swait.ge [sflag:s22], s20  }
0x9f: {  	s3 =	ssub.s32 $0x0, s20;
	[sflag:s22] =	ssyncset.done $0x0  }
0xa0: {  	[sflag:s22] =	ssyncadd.s32 s3;
	_ =	sdelay $0x1  }
0xa1: {  	s23 =	simm.s32 $0x1B8B  }
0xa2: {  	_ =	swait.ge [sflag:s23], $0x1  }
0xa3: {  	[sflag:s23] =	ssyncset.done $0x0  }
0xa4: {  	s25 =	simm.s32 $0x1B8E;
	s24 =	sld [smem:$0x3FFE];
	[sflag:s23] =	ssyncadd.s32 $0xFFFFFFFF  }
0xa5: {  	s26 =	simm.s32 $execute0_lowered;
	[smem:$0x3FD2] =	sst s25  }
0xa6: {  	s4 =	sshll.u32 s26, $0x1;
	_ =	strace $0x8000004C;
	[dreg:$0x1] =	wrdreg $0xFFFFFFFF  }
0xa7: {  	s28 =	simm.s32 $_size_execute0_lowered;
	s2 =	sadd.s32 s2, s4;
	[dreg:$0x0] =	wrdreg $0x0  }
0xa8: {  	s4 =	sshll.u32 s28, $0x1;
	[dreg:$0x2] =	wrdreg s2  }
0xa9: {  	[dreg:$0x3] =	wrdreg s4  }
0xaa: {  	[dreg:$0x4] =	wrdreg $0xC0  }
0xab: {  	_ =	task [dreg:s6], $0x5FFFF  }
0xac: {  	[dreg:$0x1] =	wrdreg $0xFFFFFFFF  }
0xad: {  	[dreg:$0x0] =	wrdreg $0x60  }
0xae: {  	[dreg:$0x2] =	wrdreg s24  }
0xaf: {  	[dreg:$0x3] =	wrdreg $0xB8000  }
0xb0: {  	[dreg:$0x4] =	wrdreg $0x9  }
0xb1: {  	_ =	task.clear_ibuf [dreg:s6], $0x5FFFF;
	_ =	strace $0x9000004C  }
0xb2: {  	s29 =	simm.s32 $0x9;
	_ =	strace $0x8000004E  }
0xb3: {  	_ =	swait.ge [sflag:s29], $0x1  }
0xb4: {  	[sflag:s29] =	ssyncadd.s32 $0xFFFFFFFF  }
0xb5: {  	_ =	strace $0x9000004E  }
0xb6: {  	_ =	sfence  }
0xb7: {  	s30 =	sld [smem:$0x0];
	_ =	sdelay $0x2  }
0xb8: {  	s31 =	sshll.u32 s1, $0xD;
	s1 =	sshrl.u32 s1, $0x2  }
0xb9: {  	s3 =	sand.u32 $0x4000, s31;
	s1 =	sadd.s32 s1, s30  }
0xba: {  	s0 =	sor.u32 s3, s0;
	s1 =	sshll.u32 s1, $0x11  }
0xbb: {  	s0 =	sor.u32 s1, s0  }
0xbc: {  	s0 =	sadd.s32 $0x8F2B, s0  }
0xbd: {  	[sflag:s0] =	ssyncadd.remote.s32 $0x1  }
0xbe: {  	_ =	sfence.sel $0xFFFF  }
0xbf: {  	[dreg:$0x0] =	wrdreg $0xFFFFFFFF;
	(pc) =	sbr.abs _section_cstart, $3  }
0xc0: {  	[dreg:$0x1] =	wrdreg $0xFFFFFFFF  }
0xc1: {  	_ =	task.clear_ibuf [dreg:s6], $0x2FFFF;
	_ =	strace $0x9FFFFFFF  }
0xc2: {  	(tm) =	ssettm $0x7FFFFFFF  }
0xc3: {  	_ =	shalt  }
tec
execute0_lowered:
.L_overlay_start_1:
0x0: {  	(tag) =	ssettag $0x1  }
0x1: {  	s0 =	srdreg.scid;
	s5 =	rddreg [dreg:$0x0]  }
0x2: {  	s3 =	stileid.u32;
	s2 =	rddreg [dreg:$0x1];
	s4 =	simm.s32 $0x0  }
0x3: {  	s13 =	simm.s32 $0x40;
	s17 =	simm.s32 $0x9800;
	s18 =	simm.s32 $0x1  }
0x4: {  	s19 =	simm.s32 $0x4;
	s0 =	sand.u32 $0x1, s0;
	s7 =	smul.u32 $0x14000, s3  }
0x5: {  	s1 =	sshll.u32 s3, $0x1;
	[smem:$0x7FF] =	sst s4;
	s9 =	smul.u32 $0x50000, s3  }
0x6: {  	s4 =	sadd.s32 $0x19600, s5;
	s10 =	sadd.s32 $0x41600, s5;
	s29 =	smul.u32 $0x2800, s3  }
0x7: {  	s1 =	sor.u32 s0, s1;
	s6 =	smul.u32 $0x140000, s0;
	s24 =	ssub.s32 $0x2, s0  }
0x8: {  	_ =	strace $0x8000004D;
	s1 =	smul.u32 $0x580, s1;
	s8 =	sshrl.u32 s24, $0x1  }
0x9: {  	p0 =	seq.s32 s0, $0x0;
	s26 =	sshrl.u32 s9, $0x2;
	s8 =	ssub.s32 s24, s8  }
0xa: {  	s6 =	sadd.s32 s7, s6;
	s1 =	sadd.s32 s1, s5;
	s30 =	smax.u32 s8, $0x1  }
0xb: {  	s28 =	sadd.s32 s26, s2;
	s25 =	sadd.s32 $0xE600, s1;
	[dreg:$0x6] =	wrdreg s30  }
0xc: {  	s6 =	sshrl.u32 s6, $0x3;
	s1 =	sadd.s32 $0x2600, s1;
	[dreg:$0x3] =	wrdreg s25  }
0xd: {  	s5 =	sadd.s32 s6, s5;
	s6 =	sshrl.u32 s28, $0x3;
	[dreg:$0x4] =	wrdreg s1  }
0xe: {  	s10 =	smov.u32 @p0 s4;
	s5 =	sadd.s32 $0x69600, s5;
	[dreg:$0x9] =	wrdreg s6  }
0xf: {  	s31 =	sshll.u32 s3, $0x6;
	s1 =	sadd.s32 s10, s29;
	[dreg:$0x5] =	wrdreg s5  }
0x10: {  	s20 =	simm.s32 $0x2;
	[dreg:$0x7] =	wrdreg s1;
	s5 =	sor.u32 $0x1C04, s31  }
0x11: {  	s21 =	simm.s32 $0x3;
	s1 =	simm.s32 $0x0;
	[dreg:$0x8] =	wrdreg s5  }
.LBB2_1:
0x12: {  	[dreg:$0xa] =	wrdreg s1;
	s3 =	simm.s32 $0x0  }
0x13: {  	s0 =	rddreg [dreg:$0x3];
	s9 =	simm.s32 $0x2C00;
	s7 =	simm.s32 $0x7800  }
0x14: {  	s11 =	simm.s32 $0x80;
	s26 =	simm.s32 $0x5;
	s12 =	simm.s32 $0x80  }
0x15: {  	s14 =	simm.s32 $0x0;
	s28 =	simm.s32 $0xC0;
	s16 =	simm.s32 $0x100  }
0x16: {  	s22 =	simm.s32 $0x140;
	s15 =	simm.s32 $0xC0;
	s24 =	simm.s32 $0x40  }
0x17: {  	s25 =	simm.s32 $0xC0;
	s29 =	simm.s32 $0x3;
	s30 =	simm.s32 $0x4  }
0x18: {  	[tilespmem:s3], [sflag:$0x4] =	stream.linear.gather [hbm4b:s0+s3], $0x2880, $0x38;
	[tilespmem:$0x1F800] =	vst v63  }
0x19: {  	s31 =	simm.s32 $0x6;
	s0 =	simm.s32 $0x140;
	_ =	swait.ge [sflag:s19], $0x2880  }
0x1a: {  	s1 =	sand.u32 $0xFFFFFF80, s12;
	s23 =	sand.u32 $0x40, s3;
	[sflag:s19] =	ssyncset.done $0x0  }
0x1b: {  	s22 =	sand.u32 $0xFFFFFF80, s22;
	s8 =	rddreg [dreg:$0x4];
	[sflag:s19] =	ssyncadd.s32 $0xFFFFD780  }
0x1c: {  	[tilespmem:s9], [sflag:$0x4] =	stream.linear.gather [hbm4b:s8+s3], $0x2880, $0x38;
	[tilespmem:$0x1F800] =	vst v63  }
0x1d: {  	s16 =	sand.u32 $0xFFFFFF80, s16;
	s12 =	simm.s32 $0x80;
	_ =	swait.ge [sflag:s19], $0x2880  }
0x1e: {  	s1 =	ssub.s32 $0x0, s1;
	s16 =	ssub.s32 $0x0, s16;
	[sflag:s19] =	ssyncset.done $0x0  }
0x1f: {  	s22 =	ssub.s32 $0x0, s22;
	s10 =	rddreg [dreg:$0x7];
	[sflag:s19] =	ssyncadd.s32 $0xFFFFD780  }
0x20: {  	[spmem:s6], [sflag:s5] =	dma.local [hbm:s10], $0x2800  }
0x21: {  	s0 =	sand.u32 $0x40, s0;
	s1 =	sadd.s32 $0x80, s1;
	_ =	swait.ge [sflag:s19], $0x2800  }
0x22: {  	s16 =	sadd.s32 $0x100, s16;
	s22 =	sadd.s32 $0x140, s22;
	[sflag:s19] =	ssyncset.done $0x0  }
0x23: {  	s1 =	sand.u32 $0xFFFFFF80, s1;
	s10 =	sand.u32 $0xFFFFFF80, s14;
	[sflag:s19] =	ssyncadd.s32 $0xFFFFD800  }
0x24: {  	s6 =	simm.s32 $0x5800;
	s10 =	ssub.s32 $0x0, s10;
	[bflag:$0x0] =	sbarrier.arrive $0xFFFF  }
0x25: {  	[tilespmem:s6], [sflag:$0x1] =	stream.indirect.gather [hbm4b:s4+s13], $0x80, s3, s13, $0xb8;
	[tilespmem:$0x1F800] =	vst v63  }
0x26: {  	s16 =	sand.u32 $0xFFFFFF80, s16;
	s5 =	sand.u32 $0x3FFFFF80, s14;
	s10 =	sand.u32 $0xFFFFFF80, s10  }
0x27: {  	[tilespmem:s7], [sflag:$0x2] =	stream.indirect.gather [hbm4b:s4+s13], $0x80, s13, s13, $0xb8;
	[tilespmem:$0x1F800] =	vst v63  }
0x28: {  	s8 =	sand.u32 $0x40, s28;
	s5 =	sadd.s32 s10, s5;
	s10 =	sand.u32 $0xFFFFFF80, s15  }
0x29: {  	[tilespmem:s17], [sflag:$0x3] =	stream.indirect.gather [hbm4b:s4+s13], $0x80, s11, s13, $0xb8;
	[tilespmem:$0x1F800] =	vst v63  }
0x2a: {  	s5 =	sor.u32 s23, s5;
	s10 =	ssub.s32 $0x0, s10;
	_ =	swait.ge [sflag:s18], $0x2000  }
0x2b: {  	s23 =	sand.u32 $0x3FFFFF80, s25;
	s10 =	sadd.s32 $0xC0, s10;
	[sflag:s18] =	ssyncset.done $0x0  }
0x2c: {  	s5 =	sadd.s32 $0x2C00, s5;
	s10 =	sand.u32 $0xFFFFFF80, s10;
	[sflag:s18] =	ssyncadd.s32 $0xFFFFE000  }
0x2d: {  	[spmem:s2] =	stream.indirect.scatter.add.f32 [tilespmem:s6], [sflag:$0x4], $0x80, s5, s13, $0xb8;
	[tilespmem:$0x1F800] =	vst v63  }
0x2e: {  	s9 =	simm.s32 $0x40;
	s10 =	sadd.s32 s10, s23;
	s5 =	sand.u32 $0xFFFFFF80, s24  }
0x2f: {  	s23 =	sand.u32 $0x3FFFFF80, s9;
	_ =	swait.ge [sflag:s19], $0x2000;
	s5 =	ssub.s32 $0x0, s5  }
0x30: {  	s10 =	sor.u32 s8, s10;
	[sflag:s19] =	ssyncset.done $0x0;
	s5 =	sadd.s32 $0x40, s5  }
0x31: {  	s11 =	sxor.u32 $0xFFFFFFFF, s3;
	[sflag:s19] =	ssyncadd.s32 $0xFFFFE000;
	s5 =	sand.u32 $0xFFFFFF80, s5  }
0x32: {  	[tilespmem:s6], [sflag:$0x1] =	stream.indirect.gather [hbm4b:s4+s13], $0x80, s10, s13, $0xb8;
	[tilespmem:$0x1F800] =	vst v63  }
0x33: {  	s22 =	sand.u32 $0xFFFFFF80, s22;
	s5 =	sadd.s32 s5, s23;
	s10 =	sand.u32 $0x40, s11  }
0x34: {  	s14 =	simm.s32 $0x80;
	s5 =	sor.u32 s10, s5;
	s10 =	sand.u32 $0x3FFFFF80, s12  }
0x35: {  	s15 =	simm.s32 $0x140;
	_ =	swait.ge [sflag:s20], $0x2000;
	s1 =	sadd.s32 s1, s10  }
0x36: {  	s10 =	sand.u32 $0x40, s14;
	[sflag:s20] =	ssyncset.done $0x0;
	s5 =	sadd.s32 $0x2C00, s5  }
0x37: {  	s1 =	sor.u32 s10, s1;
	s10 =	sand.u32 $0x3FFFFF80, s15;
	[sflag:s20] =	ssyncadd.s32 $0xFFFFE000  }
0x38: {  	[spmem:s2] =	stream.indirect.scatter.add.f32 [tilespmem:s7], [sflag:$0x4], $0x80, s5, s13, $0xb8;
	[tilespmem:$0x1F800] =	vst v63  }
0x39: {  	s24 =	simm.s32 $0x100;
	s23 =	simm.s32 $0x100;
	s10 =	sadd.s32 s22, s10  }
0x3a: {  	s5 =	sand.u32 $0x40, s23;
	s22 =	sand.u32 $0x3FFFFF80, s24;
	_ =	swait.ge [sflag:s19], $0x2000  }
0x3b: {  	s16 =	sadd.s32 s16, s22;
	s24 =	sor.u32 s0, s10;
	[sflag:s19] =	ssyncset.done $0x0  }
0x3c: {  	s0 =	simm.s32 $0x4;
	s25 =	sor.u32 s5, s16;
	[sflag:s19] =	ssyncadd.s32 $0xFFFFE000  }
0x3d: {  	[tilespmem:s7], [sflag:$0x2] =	stream.indirect.gather [hbm4b:s4+s13], $0x80, s25, s13, $0xb8;
	[tilespmem:$0x1F800] =	vst v63  }
0x3e: {  	s5 =	sadd.s32 $0x2C00, s1;
	s1 =	simm.s32 $0x5;
	_ =	swait.ge [sflag:s21], $0x2000  }
.LBB2_2:
0x3f: {  	s16 =	sadd.s32 $0x140, s28;
	s26 =	sadd.s32 $0x3, s26;
	s0 =	sadd.s32 $0x3, s0  }
0x40: {  	s22 =	smov.u32 s28;
	s6 =	smov.u32 s29;
	s23 =	sshll.u32 s1, $0x6  }
0x41: {  	s10 =	sadd.s32 $0xC0, s28;
	s29 =	sadd.s32 $0x3, s29;
	s12 =	sshll.u32 s31, $0x6  }
0x42: {  	p0 =	sne.s32 s28, $0x2700;
	[sflag:s21] =	ssyncset.done $0x0;
	s23 =	sand.u32 $0xFFFFFF80, s23  }
0x43: {  	s7 =	sshll.u32 s0, $0x6;
	s8 =	sshll.u32 s26, $0x6;
	[sflag:s21] =	ssyncadd.s32 $0xFFFFE000  }
0x44: {  	s9 =	sxor.u32 $0xFFFFFFFF, s22;
	s11 =	sand.u32 $0x40, s22;
	s23 =	ssub.s32 s22, s23  }
0x45: {  	[spmem:s2] =	stream.indirect.scatter.add.f32 [tilespmem:s17], [sflag:$0x4], $0x80, s5, s13, $0xb8;
	[tilespmem:$0x1F800] =	vst v63  }
0x46: {  	s15 =	sadd.s32 $0x80, s22;
	s5 =	sadd.s32 $0x80, s23;
	_ =	swait.ge [sflag:s19], $0x2000  }
0x47: {  	s8 =	sand.u32 $0xFFFFFF80, s8;
	s23 =	sand.u32 $0xFFFFFF80, s5;
	[sflag:s19] =	ssyncset.done $0x0  }
0x48: {  	s7 =	sand.u32 $0xFFFFFF80, s7;
	s5 =	sshll.u32 s30, $0x6;
	[sflag:s19] =	ssyncadd.s32 $0xFFFFE000  }
0x49: {  	[tilespmem:s17], [sflag:$0x3] =	stream.indirect.gather [hbm4b:s4+s13], $0x80, s24, s13, $0xb8;
	[tilespmem:$0x1F800] =	vst v63  }
0x4a: {  	s9 =	sand.u32 $0x40, s9;
	s5 =	sand.u32 $0xFFFFFF80, s5;
	_ =	swait.ge [sflag:s18], $0x2000  }
0x4b: {  	s7 =	ssub.s32 s22, s7;
	s24 =	sshll.u32 s6, $0x6;
	s6 =	ssub.s32 s22, s5  }
0x4c: {  	s8 =	ssub.s32 s22, s8;
	s5 =	sand.u32 $0xFFFFFF80, s24;
	s3 =	sadd.s32 $0x40, s24  }
0x4d: {  	s7 =	sadd.s32 $0x100, s7;
	s5 =	ssub.s32 s22, s5;
	s3 =	sand.u32 $0x3FFFFF80, s3  }
0x4e: {  	s14 =	sand.u32 $0x3FFFFF80, s24;
	s25 =	sand.u32 $0xFFFFFF80, s5;
	s5 =	sand.u32 $0xFFFFFF80, s7  }
0x4f: {  	s7 =	sand.u32 $0xFFFFFF80, s12;
	s12 =	sadd.s32 s25, s14;
	s14 =	sshll.u32 s29, $0x6  }
0x50: {  	s6 =	sadd.s32 $0x40, s6;
	s11 =	sor.u32 s11, s12;
	[sflag:s18] =	ssyncset.done $0x0  }
0x51: {  	s12 =	sand.u32 $0x3FFFFF80, s14;
	s11 =	sadd.s32 $0x2C00, s11;
	[sflag:s18] =	ssyncadd.s32 $0xFFFFE000  }
0x52: {  	s6 =	sand.u32 $0xFFFFFF80, s6;
	s7 =	ssub.s32 s22, s7;
	s14 =	sadd.s32 $0x100, s22  }
0x53: {  	s25 =	sand.u32 $0x40, s10;
	s7 =	sadd.s32 $0xC0, s7;
	s14 =	sand.u32 $0x40, s14  }
0x54: {  	s3 =	sadd.s32 s6, s3;
	s22 =	simm.s32 $0x5800;
	s7 =	sand.u32 $0xFFFFFF80, s7  }
0x55: {  	s7 =	sadd.s32 s7, s12;
	s12 =	sand.u32 $0x40, s15;
	s15 =	sadd.s32 $0x140, s24  }
0x56: {  	[spmem:s2] =	stream.indirect.scatter.add.f32 [tilespmem:s22], [sflag:$0x4], $0x80, s11, s13, $0xb8;
	[tilespmem:$0x1F800] =	vst v63  }
0x57: {  	s6 =	sadd.s32 $0x80, s24;
	s7 =	sor.u32 s25, s7;
	_ =	swait.ge [sflag:s19], $0x2000  }
0x58: {  	s3 =	sor.u32 s9, s3;
	s6 =	sand.u32 $0x3FFFFF80, s6;
	[sflag:s19] =	ssyncset.done $0x0  }
0x59: {  	s9 =	sadd.s32 $0x100, s24;
	s11 =	simm.s32 $0x5800;
	[sflag:s19] =	ssyncadd.s32 $0xFFFFE000  }
0x5a: {  	[tilespmem:s22], [sflag:$0x1] =	stream.indirect.gather [hbm4b:s4+s13], $0x80, s7, s13, $0xb8;
	[tilespmem:$0x1F800] =	vst v63  }
0x5b: {  	s6 =	sadd.s32 s23, s6;
	s7 =	sadd.s32 $0x140, s8;
	s8 =	sand.u32 $0x3FFFFF80, s15  }
0x5c: {  	s6 =	sor.u32 s12, s6;
	s7 =	sand.u32 $0xFFFFFF80, s7;
	_ =	swait.ge [sflag:s20], $0x2000  }
0x5d: {  	s3 =	sadd.s32 $0x2C00, s3;
	s7 =	sadd.s32 s7, s8;
	[sflag:s20] =	ssyncset.done $0x0  }
0x5e: {  	s8 =	sand.u32 $0x3FFFFF80, s9;
	s9 =	sand.u32 $0x40, s16;
	[sflag:s20] =	ssyncadd.s32 $0xFFFFE000  }
0x5f: {  	s5 =	sadd.s32 s5, s8;
	s24 =	sor.u32 s9, s7;
	s8 =	simm.s32 $0x7800  }
0x60: {  	[spmem:s2] =	stream.indirect.scatter.add.f32 [tilespmem:s8], [sflag:$0x4], $0x80, s3, s13, $0xb8;
	[tilespmem:$0x1F800] =	vst v63  }
.Ltmp0:
0x61: {  	s3 =	sor.u32 s14, s5;
	_ =	swait.ge [sflag:s19], $0x2000;
	(pc) =	sbr.rel @p0 .LBB2_2-.Ltmp0, $4  }
0x62: {  	s31 =	sadd.s32 $0x3, s31;
	s1 =	sadd.s32 $0x3, s1;
	[sflag:s19] =	ssyncset.done $0x0  }
0x63: {  	s30 =	sadd.s32 $0x3, s30;
	s7 =	simm.s32 $0x7800;
	[sflag:s19] =	ssyncadd.s32 $0xFFFFE000  }
0x64: {  	[tilespmem:s8], [sflag:$0x2] =	stream.indirect.gather [hbm4b:s4+s13], $0x80, s3, s13, $0xb8;
	[tilespmem:$0x1F800] =	vst v63  }
0x65: {  	s28 =	smov.u32 s10;
	s5 =	sadd.s32 $0x2C00, s6;
	_ =	swait.ge [sflag:s21], $0x2000  }
0x66: {  	[sflag:s21] =	ssyncset.done $0x0  }
0x67: {  	[sflag:s21] =	ssyncadd.s32 $0xFFFFE000  }
0x68: {  	[spmem:s2] =	stream.indirect.scatter.add.f32 [tilespmem:s17], [sflag:$0x4], $0x80, s5, s13, $0xb8;
	[tilespmem:$0x1F800] =	vst v63  }
0x69: {  	_ =	swait.ge [sflag:s19], $0x2000  }
0x6a: {  	[sflag:s19] =	ssyncset.done $0x0  }
0x6b: {  	[sflag:s19] =	ssyncadd.s32 $0xFFFFE000  }
0x6c: {  	[tilespmem:s17], [sflag:$0x3] =	stream.indirect.gather [hbm4b:s4+s13], $0x80, s24, s13, $0xb8;
	[tilespmem:$0x1F800] =	vst v63  }
0x6d: {  	_ =	swait.ge [sflag:s18], $0x2000  }
0x6e: {  	[sflag:s18] =	ssyncset.done $0x0  }
0x6f: {  	s0 =	simm.s32 $0x53C0;
	[sflag:s18] =	ssyncadd.s32 $0xFFFFE000  }
0x70: {  	[spmem:s2] =	stream.indirect.scatter.add.f32 [tilespmem:s11], [sflag:$0x4], $0x80, s0, s13, $0xb8;
	[tilespmem:$0x1F800] =	vst v63  }
0x71: {  	_ =	swait.ge [sflag:s19], $0x2000  }
0x72: {  	[sflag:s19] =	ssyncset.done $0x0  }
0x73: {  	[sflag:s19] =	ssyncadd.s32 $0xFFFFE000  }
0x74: {  	_ =	swait.ge [sflag:s20], $0x2000  }
0x75: {  	[sflag:s20] =	ssyncset.done $0x0  }
0x76: {  	s28 =	simm.s32 $0x5400;
	[sflag:s20] =	ssyncadd.s32 $0xFFFFE000  }
0x77: {  	[spmem:s2] =	stream.indirect.scatter.add.f32 [tilespmem:s7], [sflag:$0x4], $0x80, s28, s13, $0xb8;
	[tilespmem:$0x1F800] =	vst v63  }
0x78: {  	_ =	swait.ge [sflag:s19], $0x2000  }
0x79: {  	[sflag:s19] =	ssyncset.done $0x0  }
0x7a: {  	[sflag:s19] =	ssyncadd.s32 $0xFFFFE000  }
0x7b: {  	_ =	swait.ge [sflag:s21], $0x2000  }
0x7c: {  	[sflag:s21] =	ssyncset.done $0x0  }
0x7d: {  	s29 =	simm.s32 $0x5440;
	[sflag:s21] =	ssyncadd.s32 $0xFFFFE000  }
0x7e: {  	[spmem:s2] =	stream.indirect.scatter.add.f32 [tilespmem:s17], [sflag:$0x4], $0x80, s29, s13, $0xb8;
	[tilespmem:$0x1F800] =	vst v63  }
0x7f: {  	_ =	swait.ge [sflag:s19], $0x2000  }
0x80: {  	[sflag:s19] =	ssyncset.done $0x0  }
0x81: {  	[sflag:s19] =	ssyncadd.s32 $0xFFFFE000  }
0x82: {  	[bflag:$0x0] =	sbarrier.arrive $0xFFFF  }
0x83: {  	s30 =	rddreg [dreg:$0x5]  }
0x84: {  	s5 =	rddreg [dreg:$0x8]  }
0x85: {  	s6 =	rddreg [dreg:$0x9]  }
0x86: {  	[hbm:s30], [sflag:s5] =	dma.local [spmem:s6], $0x2800  }
0x87: {  	_ =	swait.ge [sflag:s19], $0x2800  }
0x88: {  	s1 =	rddreg [dreg:$0xa]  }
0x89: {  	s31 =	rddreg [dreg:$0x6];
	s1 =	sadd.s32 $0x1, s1  }
0x8a: {  	p0 =	sne.s32 s1, s31  }
.Ltmp1:
0x8b: {  	_ = 	snop;
	(pc) =	sbr.rel @p0 .LBB2_1-.Ltmp1, $3  }
0x8c: {  	_ =	sdelay $0x1  }
0x8d: {  	[sflag:s19] =	ssyncset.done $0x0  }
0x8e: {  	[sflag:s19] =	ssyncadd.s32 $0xFFFFD800  }
0x8f: {  	_ =	sfence.sel $0x180000  }
0x90: {  	[bflag:$0x0] =	sbarrier.arrive $0xFFFF  }
0x91: {  	_ =	strace $0x9000004D  }
0x92: {  	s0 =	stileid.u32;
	[bflag:$0x2] =	sbarrier.arrive $0xFFFF  }
0x93: {  	p0 =	sne.s32 s0, $0x0;
	s0 =	rddreg [dreg:$0x2]  }
0x94: {  	s0 =	sadd.s32 @!p0 $0x100000, s0  }
0x95: {  	[sflag:s0] =	ssyncadd.tile.s32 @!p0 $0x1;
	_ =	shalt  }
.Lfunc_end2:
_tile_overlayer_lowered:
.L_overlay_start_2:
0x96: {  	(tag) =	ssettag $0x2  }
0x97: {  	s0 =	rddreg [dreg:$0x0];
	s2 =	stileid.u32  }
0x98: {  	s1 =	rddreg [dreg:$0x1];
	p0 =	sne.s32 s2, $0x0  }
0x99: {  	s3 =	rddreg [dreg:$0x2];
	[bflag:$0x3] =	sbarrier.arrive $0xFFFF;
	s2 =	simm.s32 @!p0 $0x1C04  }
0x9a: {  	[timem:s3], [sflag:s2] =	dma.local @!p0 [hbm:s0], s1  }
0x9b: {  	s0 =	simm.s32 @!p0 $0x4  }
0x9c: {  	_ =	swait.ge @!p0 [sflag:s0], s1  }
0x9d: {  	s1 =	ssub.s32 @!p0 $0x0, s1;
	[sflag:s0] =	ssyncset.done @!p0 $0x0  }
0x9e: {  	[sflag:s0] =	ssyncadd.s32 @!p0 s1  }
0x9f: {  	[bflag:$0x3] =	sbarrier.arrive $0xFFFF  }
0xa0: {  	_ =	shalt  }

</sc_bundles>
